<compile_context>
chip_gen: v7x
topology: tpu7x:2x2x1
jax: 0.10.2.dev20260603
libtpu: 0.0.44.dev20260713+nightly
codegen_flags: <defaults>
</compile_context>

<pallas_src>
import functools

import jax
import jax.numpy as jnp
from jax import lax
from jax.experimental import pallas as pl
from jax.experimental.pallas import tpu as pltpu
from jax.experimental.pallas import tpu_sc as plsc

_N = 10000
_E = 320000
_D = 128

_NC = 2
_NS = 16
_NW = _NC * _NS
_EPW = _E // _NW
_C = 100
_CH = _EPW // _C
_NB = 3
_B = 25
_SB = _CH // _B
_RB = 2000
_RPT = 624
_RPT_LAST = _N - (_NS - 1) * _RPT

_sc_mesh = plsc.VectorSubcoreMesh(core_axis_name="c", subcore_axis_name="s")


@functools.partial(
    pl.kernel,
    out_type=jax.ShapeDtypeStruct((_NC, _N, _D), jnp.float32),
    mesh=_sc_mesh,
    scratch_types=[
        pltpu.VMEM((_B, _C), jnp.int32),
        pltpu.VMEM((_B, _C), jnp.int32),
        pltpu.VMEM((_NB, _C, _D), jnp.float32),
        pltpu.VMEM_SHARED((_N, _D), jnp.float32),
        pltpu.SemaphoreType.DMA,
        pltpu.SemaphoreType.DMA,
        pltpu.SemaphoreType.DMA,
        pltpu.SemaphoreType.DMA,
        pltpu.SemaphoreType.DMA,
        pltpu.SemaphoreType.DMA,
    ],
)
def _sc_aggregate(table_hbm, init0_hbm, zeros_hbm, src_hbm, dst_hbm, out_hbm,
                  src_v, dst_v, rows_v, acc,
                  g0, g1, g2, s0, s1, s2):
    cid = lax.axis_index("c")
    sid = lax.axis_index("s")
    wid = sid * _NC + cid

    r0 = sid * _RPT

    def _init_copy(nrows):
        @pl.when(cid == 0)
        def _():
            pltpu.sync_copy(init0_hbm.at[pl.ds(r0, nrows)],
                            acc.at[pl.ds(r0, nrows)])

        @pl.when(cid != 0)
        def _():
            pltpu.sync_copy(zeros_hbm.at[pl.ds(r0, nrows)],
                            acc.at[pl.ds(r0, nrows)])

    @pl.when(sid < _NS - 1)
    def _():
        _init_copy(_RPT)

    @pl.when(sid == _NS - 1)
    def _():
        _init_copy(_RPT_LAST)

    plsc.subcore_barrier()

    gsems = (g0, g1, g2)
    ssems = (s0, s1, s2)

    def gstart(i, b):
        pltpu.async_copy(table_hbm.at[src_v.at[i]], rows_v.at[b], gsems[b])

    def gwait(i, b):
        pltpu.make_async_copy(table_hbm.at[src_v.at[i]], rows_v.at[b],
                              gsems[b]).wait()

    def sstart(i, b):
        pltpu.async_copy(rows_v.at[b], acc.at[dst_v.at[i]], ssems[b],
                         add=True)

    def swait(i, b):
        pltpu.make_async_copy(rows_v.at[b], acc.at[dst_v.at[i]],
                              ssems[b]).wait()

    def superblock(sb, carry):
        pltpu.sync_copy(src_hbm.at[wid, sb], src_v)
        pltpu.sync_copy(dst_hbm.at[wid, sb], dst_v)

        for b in range(_NB):
            gstart(b, b)

        def body(g, carry):
            i0 = _NB * g
            for b in range(_NB):
                gwait(i0 + b, b)
                sstart(i0 + b, b)
            for b in range(_NB):
                swait(i0 + b, b)

                @pl.when(i0 + b + _NB < _B)
                def _():
                    gstart(i0 + b + _NB, b)

            return carry

        lax.fori_loop(0, (_B - 1) // _NB, body, 0)

        gwait(_B - 1, 0)
        sstart(_B - 1, 0)
        swait(_B - 1, 0)
        return carry

    lax.fori_loop(0, _SB, superblock, 0)

    plsc.subcore_barrier()

    @pl.when(sid < _NS - 1)
    def _():
        pltpu.sync_copy(acc.at[pl.ds(r0, _RPT)],
                        out_hbm.at[cid, pl.ds(r0, _RPT)])

    @pl.when(sid == _NS - 1)
    def _():
        pltpu.sync_copy(acc.at[pl.ds(r0, _RPT_LAST)],
                        out_hbm.at[cid, pl.ds(r0, _RPT_LAST)])


def _tc_layer1(p_ref, w1_ref, b1_ref, g_ref, bt_ref, out_ref):
    agg = p_ref[0] + p_ref[1]
    y = lax.dot_general(agg, w1_ref[...], (((1,), (1,)), ((), ())),
                        preferred_element_type=jnp.float32) + b1_ref[...]
    mean = jnp.mean(y, axis=0, keepdims=True)
    var = jnp.mean((y - mean) ** 2, axis=0, keepdims=True)
    h = (y - mean) / jnp.sqrt(var + 1e-5) * g_ref[...] + bt_ref[...]
    out_ref[...] = jnp.maximum(h, 0.0)


def _tc_layer2(p_ref, w2_ref, b2_ref, out_ref):
    agg = p_ref[0] + p_ref[1]
    out_ref[...] = lax.dot_general(agg, w2_ref[...], (((1,), (1,)), ((), ())),
                                   preferred_element_type=jnp.float32) + b2_ref[...]


def kernel(x, edge_index, W1, b1, W2, b2, gamma, beta):
    src = edge_index[0].reshape(_NW, _SB, _B, _C)
    dst = edge_index[1].reshape(_NW, _SB, _B, _C)
    zeros = jnp.zeros((_N, _D), jnp.float32)

    p1 = _sc_aggregate(x, x, zeros, src, dst)
    h = pl.pallas_call(
        _tc_layer1,
        out_shape=jax.ShapeDtypeStruct((_N, _D), jnp.float32),
    )(p1, W1, b1.reshape(1, _D), gamma.reshape(1, _D), beta.reshape(1, _D))

    p2 = _sc_aggregate(h, h, zeros, src, dst)
    out = pl.pallas_call(
        _tc_layer2,
        grid=(_N // _RB,),
        in_specs=[
            pl.BlockSpec((_NC, _RB, _D), lambda i: (0, i, 0)),
            pl.BlockSpec((_D, _D), lambda i: (0, 0)),
            pl.BlockSpec((1, _D), lambda i: (0, 0)),
        ],
        out_specs=pl.BlockSpec((_RB, _D), lambda i: (i, 0)),
        out_shape=jax.ShapeDtypeStruct((_N, _D), jnp.float32),
    )(p2, W2, b2.reshape(1, _D))
    return out

# --- scband reference (transcript-rebuilt; emitter-appended) ---
"""Pipeline reference for scband-gin-27539330301987 (READ-ONLY COPY).

The authoritative reference and input builder live on the scoring server;
editing this copy changes nothing except your own understanding.
"""

import jax, jax.numpy as jnp
import numpy as np

N = 10000
E = 320000
D = 128

def setup_inputs(seed: int = 0) -> dict:
    key = jax.random.key(seed)
    ks = jax.random.split(key, 8)
    x = jax.random.normal(ks[0], (N, D), dtype=jnp.float32)
    edge_index = jax.random.randint(ks[1], (2, E), 0, N, dtype=jnp.int32)
    s = 1.0 / np.sqrt(D)
    W1 = jax.random.uniform(ks[2], (D, D), dtype=jnp.float32, minval=-s, maxval=s)
    b1 = jax.random.uniform(ks[3], (D,), dtype=jnp.float32, minval=-s, maxval=s)
    W2 = jax.random.uniform(ks[4], (D, D), dtype=jnp.float32, minval=-s, maxval=s)
    b2 = jax.random.uniform(ks[5], (D,), dtype=jnp.float32, minval=-s, maxval=s)
    gamma = jnp.ones((D,), dtype=jnp.float32)
    beta = jnp.zeros((D,), dtype=jnp.float32)
    return {"x": x, "edge_index": edge_index, "W1": W1, "b1": b1, "W2": W2, "b2": b2, "gamma": gamma, "beta": beta}

def _gin_aggregate(x, src, dst):
    # GINConv aggregation with eps=0: (1+eps)*x_i + sum_{j in N(i)} x_j
    msg = jnp.take(x, src, axis=0)
    agg = jax.ops.segment_sum(msg, dst, num_segments=N)
    return agg + x

def _batchnorm(h, gamma, beta, eps=1e-5):
    mean = jnp.mean(h, axis=0)
    var = jnp.var(h, axis=0)
    return (h - mean) / jnp.sqrt(var + eps) * gamma + beta

def reference(x, edge_index, W1, b1, W2, b2, gamma, beta):
    src = edge_index[0]
    dst = edge_index[1]
    # conv1: GINConv(nn1)
    h = _gin_aggregate(x, src, dst)
    h = h @ W1.T + b1
    # bn1 (training-mode batch statistics)
    h = _batchnorm(h, gamma, beta)
    h = jax.nn.relu(h)
    # conv2: GINConv(nn2)
    h = _gin_aggregate(h, src, dst)
    out = h @ W2.T + b2
    return out

if __name__ == "__main__":
    import jax
    _d = setup_inputs()
    print(jax.jit(kernel)(*tuple(_d.values())))

</pallas_src>

<mosaic_0001>
#map = affine_map<(d0, d1) -> (0, 0)>
#map1 = affine_map<(d0, d1) -> (0, 0, 0, 0)>
#map2 = affine_map<(d0, d1) -> (0, 0, 0)>
module attributes {stable_mosaic.version = 14 : i64} {
  func.func @_sc_aggregate(%arg0: i32, %arg1: i32, %arg2: memref<10000x128xf32, #tpu.memory_space<hbm>>, %arg3: memref<10000x128xf32, #tpu.memory_space<hbm>>, %arg4: memref<10000x128xf32, #tpu.memory_space<hbm>>, %arg5: memref<32x4x25x100xi32, #tpu.memory_space<hbm>>, %arg6: memref<32x4x25x100xi32, #tpu.memory_space<hbm>>, %arg7: memref<2x10000x128xf32, #tpu.memory_space<hbm>>, %arg8: memref<25x100xi32, #tpu.memory_space<vmem>>, %arg9: memref<25x100xi32, #tpu.memory_space<vmem>>, %arg10: memref<3x100x128xf32, #tpu.memory_space<vmem>>, %arg11: memref<10000x128xf32, #tpu.memory_space<vmem_shared>>, %arg12: memref<!tpu.dma_semaphore, #tpu.memory_space<semaphore_mem>>, %arg13: memref<!tpu.dma_semaphore, #tpu.memory_space<semaphore_mem>>, %arg14: memref<!tpu.dma_semaphore, #tpu.memory_space<semaphore_mem>>, %arg15: memref<!tpu.dma_semaphore, #tpu.memory_space<semaphore_mem>>, %arg16: memref<!tpu.dma_semaphore, #tpu.memory_space<semaphore_mem>>, %arg17: memref<!tpu.dma_semaphore, #tpu.memory_space<semaphore_mem>>) attributes {dimension_semantics = [#tpu.dimension_semantics<core_parallel>, #tpu.dimension_semantics<subcore_parallel>], iteration_bounds = array<i64: 2, 16>, scalar_prefetch = 0 : i64, scratch_operands = 10 : i64, tpu.core_type = #tpu.core_type<sc_vector_subcore>, window_params = [{transform_indices = #map}, {transform_indices = #map}, {transform_indices = #map}, {transform_indices = #map1}, {transform_indices = #map1}, {transform_indices = #map2}]} {
    %mul3A = arith.constant 2 : i32
    %mul3A_0 = arith.muli %arg1, %mul3A : i32
    %add3A = arith.addi %mul3A_0, %arg0 : i32
    %mul3A_1 = arith.constant 624 : i32
    %mul3A_2 = arith.muli %arg1, %mul3A_1 : i32
    %lt3A = arith.constant 15 : i32
    %lt3A_3 = arith.cmpi slt, %arg1, %lt3A : i32
    %convert_element_type3A = arith.extui %lt3A_3 : i1 to i32
    %cond3A = arith.constant 0 : i32
    %cond3A_4 = arith.cmpi ne, %convert_element_type3A, %cond3A : i32
    scf.if %cond3A_4 {
      %eq3A_25 = arith.constant 0 : i32
      %eq3A_26 = arith.cmpi eq, %arg0, %eq3A_25 : i32
      %convert_element_type3A_27 = arith.extui %eq3A_26 : i1 to i32
      %cond3A_28 = arith.constant 0 : i32
      %cond3A_29 = arith.cmpi ne, %convert_element_type3A_27, %cond3A_28 : i32
      scf.if %cond3A_29 {
        "tpu.region"() ({
          %run_scoped3A = tpu.sem_alloc : memref<!tpu.dma_semaphore, #tpu.memory_space<semaphore_mem>>
          %dma_start3A = arith.constant 0 : i32
          %dma_start3A_34 = tpu.memref_slice %arg11[%mul3A_2, %dma_start3A] : memref<10000x128xf32, #tpu.memory_space<vmem_shared>> -> memref<624x128xf32, #tpu.memory_space<vmem_shared>>
          %dma_start3A_35 = arith.constant 0 : i32
          %dma_start3A_36 = tpu.memref_slice %arg3[%mul3A_2, %dma_start3A_35] : memref<10000x128xf32, #tpu.memory_space<hbm>> -> memref<624x128xf32, #tpu.memory_space<hbm>>
          tpu.enqueue_dma source(%dma_start3A_36 : memref<624x128xf32, #tpu.memory_space<hbm>>) target(%dma_start3A_34 : memref<624x128xf32, #tpu.memory_space<vmem_shared>>) target_semaphore(%run_scoped3A : memref<!tpu.dma_semaphore, #tpu.memory_space<semaphore_mem>>)
          %dma_wait3A = arith.constant 0 : i32
          %dma_wait3A_37 = tpu.memref_slice %arg11[%mul3A_2, %dma_wait3A] : memref<10000x128xf32, #tpu.memory_space<vmem_shared>> -> memref<624x128xf32, #tpu.memory_space<vmem_shared>>
          %dma_wait3A_38 = arith.constant 0 : i32
          %dma_wait3A_39 = tpu.memref_slice %arg3[%mul3A_2, %dma_wait3A_38] : memref<10000x128xf32, #tpu.memory_space<hbm>> -> memref<624x128xf32, #tpu.memory_space<hbm>>
          tpu.wait_dma2 semaphore(%run_scoped3A : memref<!tpu.dma_semaphore, #tpu.memory_space<semaphore_mem>>) src(%dma_wait3A_39 : memref<624x128xf32, #tpu.memory_space<hbm>>) dst(%dma_wait3A_37 : memref<624x128xf32, #tpu.memory_space<vmem_shared>>)
          tpu.yield
        }) : () -> ()
      } else {
      }
      %ne3A = arith.constant 0 : i32
      %ne3A_30 = arith.cmpi ne, %arg0, %ne3A : i32
      %convert_element_type3A_31 = arith.extui %ne3A_30 : i1 to i32
      %cond3A_32 = arith.constant 0 : i32
      %cond3A_33 = arith.cmpi ne, %convert_element_type3A_31, %cond3A_32 : i32
      scf.if %cond3A_33 {
        "tpu.region"() ({
          %run_scoped3A = tpu.sem_alloc : memref<!tpu.dma_semaphore, #tpu.memory_space<semaphore_mem>>
          %dma_start3A = arith.constant 0 : i32
          %dma_start3A_34 = tpu.memref_slice %arg11[%mul3A_2, %dma_start3A] : memref<10000x128xf32, #tpu.memory_space<vmem_shared>> -> memref<624x128xf32, #tpu.memory_space<vmem_shared>>
          %dma_start3A_35 = arith.constant 0 : i32
          %dma_start3A_36 = tpu.memref_slice %arg4[%mul3A_2, %dma_start3A_35] : memref<10000x128xf32, #tpu.memory_space<hbm>> -> memref<624x128xf32, #tpu.memory_space<hbm>>
          tpu.enqueue_dma source(%dma_start3A_36 : memref<624x128xf32, #tpu.memory_space<hbm>>) target(%dma_start3A_34 : memref<624x128xf32, #tpu.memory_space<vmem_shared>>) target_semaphore(%run_scoped3A : memref<!tpu.dma_semaphore, #tpu.memory_space<semaphore_mem>>)
          %dma_wait3A = arith.constant 0 : i32
          %dma_wait3A_37 = tpu.memref_slice %arg11[%mul3A_2, %dma_wait3A] : memref<10000x128xf32, #tpu.memory_space<vmem_shared>> -> memref<624x128xf32, #tpu.memory_space<vmem_shared>>
          %dma_wait3A_38 = arith.constant 0 : i32
          %dma_wait3A_39 = tpu.memref_slice %arg4[%mul3A_2, %dma_wait3A_38] : memref<10000x128xf32, #tpu.memory_space<hbm>> -> memref<624x128xf32, #tpu.memory_space<hbm>>
          tpu.wait_dma2 semaphore(%run_scoped3A : memref<!tpu.dma_semaphore, #tpu.memory_space<semaphore_mem>>) src(%dma_wait3A_39 : memref<624x128xf32, #tpu.memory_space<hbm>>) dst(%dma_wait3A_37 : memref<624x128xf32, #tpu.memory_space<vmem_shared>>)
          tpu.yield
        }) : () -> ()
      } else {
      }
    } else {
    }
    %eq3A = arith.constant 15 : i32
    %eq3A_5 = arith.cmpi eq, %arg1, %eq3A : i32
    %convert_element_type3A_6 = arith.extui %eq3A_5 : i1 to i32
    %cond3A_7 = arith.constant 0 : i32
    %cond3A_8 = arith.cmpi ne, %convert_element_type3A_6, %cond3A_7 : i32
    scf.if %cond3A_8 {
      %eq3A_25 = arith.constant 0 : i32
      %eq3A_26 = arith.cmpi eq, %arg0, %eq3A_25 : i32
      %convert_element_type3A_27 = arith.extui %eq3A_26 : i1 to i32
      %cond3A_28 = arith.constant 0 : i32
      %cond3A_29 = arith.cmpi ne, %convert_element_type3A_27, %cond3A_28 : i32
      scf.if %cond3A_29 {
        "tpu.region"() ({
          %run_scoped3A = tpu.sem_alloc : memref<!tpu.dma_semaphore, #tpu.memory_space<semaphore_mem>>
          %dma_start3A = arith.constant 0 : i32
          %dma_start3A_34 = tpu.memref_slice %arg11[%mul3A_2, %dma_start3A] : memref<10000x128xf32, #tpu.memory_space<vmem_shared>> -> memref<640x128xf32, #tpu.memory_space<vmem_shared>>
          %dma_start3A_35 = arith.constant 0 : i32
          %dma_start3A_36 = tpu.memref_slice %arg3[%mul3A_2, %dma_start3A_35] : memref<10000x128xf32, #tpu.memory_space<hbm>> -> memref<640x128xf32, #tpu.memory_space<hbm>>
          tpu.enqueue_dma source(%dma_start3A_36 : memref<640x128xf32, #tpu.memory_space<hbm>>) target(%dma_start3A_34 : memref<640x128xf32, #tpu.memory_space<vmem_shared>>) target_semaphore(%run_scoped3A : memref<!tpu.dma_semaphore, #tpu.memory_space<semaphore_mem>>)
          %dma_wait3A = arith.constant 0 : i32
          %dma_wait3A_37 = tpu.memref_slice %arg11[%mul3A_2, %dma_wait3A] : memref<10000x128xf32, #tpu.memory_space<vmem_shared>> -> memref<640x128xf32, #tpu.memory_space<vmem_shared>>
          %dma_wait3A_38 = arith.constant 0 : i32
          %dma_wait3A_39 = tpu.memref_slice %arg3[%mul3A_2, %dma_wait3A_38] : memref<10000x128xf32, #tpu.memory_space<hbm>> -> memref<640x128xf32, #tpu.memory_space<hbm>>
          tpu.wait_dma2 semaphore(%run_scoped3A : memref<!tpu.dma_semaphore, #tpu.memory_space<semaphore_mem>>) src(%dma_wait3A_39 : memref<640x128xf32, #tpu.memory_space<hbm>>) dst(%dma_wait3A_37 : memref<640x128xf32, #tpu.memory_space<vmem_shared>>)
          tpu.yield
        }) : () -> ()
      } else {
      }
      %ne3A = arith.constant 0 : i32
      %ne3A_30 = arith.cmpi ne, %arg0, %ne3A : i32
      %convert_element_type3A_31 = arith.extui %ne3A_30 : i1 to i32
      %cond3A_32 = arith.constant 0 : i32
      %cond3A_33 = arith.cmpi ne, %convert_element_type3A_31, %cond3A_32 : i32
      scf.if %cond3A_33 {
        "tpu.region"() ({
          %run_scoped3A = tpu.sem_alloc : memref<!tpu.dma_semaphore, #tpu.memory_space<semaphore_mem>>
          %dma_start3A = arith.constant 0 : i32
          %dma_start3A_34 = tpu.memref_slice %arg11[%mul3A_2, %dma_start3A] : memref<10000x128xf32, #tpu.memory_space<vmem_shared>> -> memref<640x128xf32, #tpu.memory_space<vmem_shared>>
          %dma_start3A_35 = arith.constant 0 : i32
          %dma_start3A_36 = tpu.memref_slice %arg4[%mul3A_2, %dma_start3A_35] : memref<10000x128xf32, #tpu.memory_space<hbm>> -> memref<640x128xf32, #tpu.memory_space<hbm>>
          tpu.enqueue_dma source(%dma_start3A_36 : memref<640x128xf32, #tpu.memory_space<hbm>>) target(%dma_start3A_34 : memref<640x128xf32, #tpu.memory_space<vmem_shared>>) target_semaphore(%run_scoped3A : memref<!tpu.dma_semaphore, #tpu.memory_space<semaphore_mem>>)
          %dma_wait3A = arith.constant 0 : i32
          %dma_wait3A_37 = tpu.memref_slice %arg11[%mul3A_2, %dma_wait3A] : memref<10000x128xf32, #tpu.memory_space<vmem_shared>> -> memref<640x128xf32, #tpu.memory_space<vmem_shared>>
          %dma_wait3A_38 = arith.constant 0 : i32
          %dma_wait3A_39 = tpu.memref_slice %arg4[%mul3A_2, %dma_wait3A_38] : memref<10000x128xf32, #tpu.memory_space<hbm>> -> memref<640x128xf32, #tpu.memory_space<hbm>>
          tpu.wait_dma2 semaphore(%run_scoped3A : memref<!tpu.dma_semaphore, #tpu.memory_space<semaphore_mem>>) src(%dma_wait3A_39 : memref<640x128xf32, #tpu.memory_space<hbm>>) dst(%dma_wait3A_37 : memref<640x128xf32, #tpu.memory_space<vmem_shared>>)
          tpu.yield
        }) : () -> ()
      } else {
      }
    } else {
    }
    %barrier3A = arith.constant 0 : index
    tpu.barrier barrier_id(%barrier3A)
    %scan3A = arith.constant 0 : i32
    %scan3A_9 = arith.constant 0 : i32
    %scan3A_10 = arith.constant 4 : i32
    %scan3A_11 = arith.addi %scan3A_9, %scan3A_10 : i32
    %scan3A_12 = arith.constant 1 : i32
    scf.for %scan3A_25 = %scan3A_9 to %scan3A_11 step %scan3A_12  : i32 {
      "tpu.region"() ({
        %run_scoped3A = tpu.sem_alloc : memref<!tpu.dma_semaphore, #tpu.memory_space<semaphore_mem>>
        %dma_start3A_102 = arith.constant 0 : i32
        %dma_start3A_103 = arith.constant 0 : i32
        %dma_start3A_104 = tpu.memref_slice %arg5[%add3A, %scan3A_25, %dma_start3A_102, %dma_start3A_103] : memref<32x4x25x100xi32, #tpu.memory_space<hbm>> -> memref<1x1x25x100xi32, #tpu.memory_space<hbm>>
        %dma_start3A_105 = tpu.memref_squeeze %dma_start3A_104 : memref<1x1x25x100xi32, #tpu.memory_space<hbm>> -> memref<25x100xi32, #tpu.memory_space<hbm>>
        %dma_start3A_106 = arith.constant 0 : i32
        %dma_start3A_107 = arith.constant 0 : i32
        %dma_start3A_108 = tpu.memref_slice %arg5[%add3A, %scan3A_25, %dma_start3A_106, %dma_start3A_107] : memref<32x4x25x100xi32, #tpu.memory_space<hbm>> -> memref<1x1x25x100xi32, #tpu.memory_space<hbm>>
        %dma_start3A_109 = tpu.memref_squeeze %dma_start3A_108 : memref<1x1x25x100xi32, #tpu.memory_space<hbm>> -> memref<25x100xi32, #tpu.memory_space<hbm>>
        tpu.enqueue_dma source(%dma_start3A_109 : memref<25x100xi32, #tpu.memory_space<hbm>>) target(%arg8 : memref<25x100xi32, #tpu.memory_space<vmem>>) target_semaphore(%run_scoped3A : memref<!tpu.dma_semaphore, #tpu.memory_space<semaphore_mem>>)
        %dma_wait3A_110 = arith.constant 0 : i32
        %dma_wait3A_111 = arith.constant 0 : i32
        %dma_wait3A_112 = tpu.memref_slice %arg5[%add3A, %scan3A_25, %dma_wait3A_110, %dma_wait3A_111] : memref<32x4x25x100xi32, #tpu.memory_space<hbm>> -> memref<1x1x25x100xi32, #tpu.memory_space<hbm>>
        %dma_wait3A_113 = tpu.memref_squeeze %dma_wait3A_112 : memref<1x1x25x100xi32, #tpu.memory_space<hbm>> -> memref<25x100xi32, #tpu.memory_space<hbm>>
        %dma_wait3A_114 = arith.constant 0 : i32
        %dma_wait3A_115 = arith.constant 0 : i32
        %dma_wait3A_116 = tpu.memref_slice %arg5[%add3A, %scan3A_25, %dma_wait3A_114, %dma_wait3A_115] : memref<32x4x25x100xi32, #tpu.memory_space<hbm>> -> memref<1x1x25x100xi32, #tpu.memory_space<hbm>>
        %dma_wait3A_117 = tpu.memref_squeeze %dma_wait3A_116 : memref<1x1x25x100xi32, #tpu.memory_space<hbm>> -> memref<25x100xi32, #tpu.memory_space<hbm>>
        tpu.wait_dma2 semaphore(%run_scoped3A : memref<!tpu.dma_semaphore, #tpu.memory_space<semaphore_mem>>) src(%dma_wait3A_117 : memref<25x100xi32, #tpu.memory_space<hbm>>) dst(%arg8 : memref<25x100xi32, #tpu.memory_space<vmem>>)
        tpu.yield
      }) : () -> ()
      "tpu.region"() ({
        %run_scoped3A = tpu.sem_alloc : memref<!tpu.dma_semaphore, #tpu.memory_space<semaphore_mem>>
        %dma_start3A_102 = arith.constant 0 : i32
        %dma_start3A_103 = arith.constant 0 : i32
        %dma_start3A_104 = tpu.memref_slice %arg6[%add3A, %scan3A_25, %dma_start3A_102, %dma_start3A_103] : memref<32x4x25x100xi32, #tpu.memory_space<hbm>> -> memref<1x1x25x100xi32, #tpu.memory_space<hbm>>
        %dma_start3A_105 = tpu.memref_squeeze %dma_start3A_104 : memref<1x1x25x100xi32, #tpu.memory_space<hbm>> -> memref<25x100xi32, #tpu.memory_space<hbm>>
        %dma_start3A_106 = arith.constant 0 : i32
        %dma_start3A_107 = arith.constant 0 : i32
        %dma_start3A_108 = tpu.memref_slice %arg6[%add3A, %scan3A_25, %dma_start3A_106, %dma_start3A_107] : memref<32x4x25x100xi32, #tpu.memory_space<hbm>> -> memref<1x1x25x100xi32, #tpu.memory_space<hbm>>
        %dma_start3A_109 = tpu.memref_squeeze %dma_start3A_108 : memref<1x1x25x100xi32, #tpu.memory_space<hbm>> -> memref<25x100xi32, #tpu.memory_space<hbm>>
        tpu.enqueue_dma source(%dma_start3A_109 : memref<25x100xi32, #tpu.memory_space<hbm>>) target(%arg9 : memref<25x100xi32, #tpu.memory_space<vmem>>) target_semaphore(%run_scoped3A : memref<!tpu.dma_semaphore, #tpu.memory_space<semaphore_mem>>)
        %dma_wait3A_110 = arith.constant 0 : i32
        %dma_wait3A_111 = arith.constant 0 : i32
        %dma_wait3A_112 = tpu.memref_slice %arg6[%add3A, %scan3A_25, %dma_wait3A_110, %dma_wait3A_111] : memref<32x4x25x100xi32, #tpu.memory_space<hbm>> -> memref<1x1x25x100xi32, #tpu.memory_space<hbm>>
        %dma_wait3A_113 = tpu.memref_squeeze %dma_wait3A_112 : memref<1x1x25x100xi32, #tpu.memory_space<hbm>> -> memref<25x100xi32, #tpu.memory_space<hbm>>
        %dma_wait3A_114 = arith.constant 0 : i32
        %dma_wait3A_115 = arith.constant 0 : i32
        %dma_wait3A_116 = tpu.memref_slice %arg6[%add3A, %scan3A_25, %dma_wait3A_114, %dma_wait3A_115] : memref<32x4x25x100xi32, #tpu.memory_space<hbm>> -> memref<1x1x25x100xi32, #tpu.memory_space<hbm>>
        %dma_wait3A_117 = tpu.memref_squeeze %dma_wait3A_116 : memref<1x1x25x100xi32, #tpu.memory_space<hbm>> -> memref<25x100xi32, #tpu.memory_space<hbm>>
        tpu.wait_dma2 semaphore(%run_scoped3A : memref<!tpu.dma_semaphore, #tpu.memory_space<semaphore_mem>>) src(%dma_wait3A_117 : memref<25x100xi32, #tpu.memory_space<hbm>>) dst(%arg9 : memref<25x100xi32, #tpu.memory_space<vmem>>)
        tpu.yield
      }) : () -> ()
      %dma_start3A = arith.constant 0 : i32
      %dma_start3A_26 = arith.constant 0 : i32
      %dma_start3A_27 = arith.constant 0 : i32
      %dma_start3A_28 = arith.constant 0 : i32
      %dma_start3A_29 = tpu.memref_slice %arg10[%dma_start3A_26, %dma_start3A_27, %dma_start3A_28] : memref<3x100x128xf32, #tpu.memory_space<vmem>> -> memref<1x100x128xf32, #tpu.memory_space<vmem>>
      %dma_start3A_30 = tpu.memref_squeeze %dma_start3A_29 : memref<1x100x128xf32, #tpu.memory_space<vmem>> -> memref<100x128xf32, #tpu.memory_space<vmem>>
      %dma_start3A_31 = arith.constant 0 : i32
      %dma_start3A_32 = tpu.memref_slice %arg8[%dma_start3A, %dma_start3A_31] : memref<25x100xi32, #tpu.memory_space<vmem>> -> memref<1x100xi32, #tpu.memory_space<vmem>>
      %dma_start3A_33 = tpu.memref_squeeze %dma_start3A_32 : memref<1x100xi32, #tpu.memory_space<vmem>> -> memref<100xi32, #tpu.memory_space<vmem>>
      %dma_start3A_34 = arith.constant 0 : i32
      %dma_start3A_35 = arith.constant 0 : i32
      %dma_start3A_36 = tpu.memref_slice %arg2[%dma_start3A_34, %dma_start3A_35] : memref<10000x128xf32, #tpu.memory_space<hbm>> -> memref<10000x128xf32, #tpu.memory_space<hbm>>
      tpu.enqueue_indirect_dma source(%dma_start3A_36 : memref<10000x128xf32, #tpu.memory_space<hbm>>) target(%dma_start3A_30 : memref<100x128xf32, #tpu.memory_space<vmem>>) offsets(%dma_start3A_33 : memref<100xi32, #tpu.memory_space<vmem>>) semaphore(%arg12 : memref<!tpu.dma_semaphore, #tpu.memory_space<semaphore_mem>>)
      %dma_start3A_37 = arith.constant 1 : i32
      %dma_start3A_38 = arith.constant 1 : i32
      %dma_start3A_39 = arith.constant 0 : i32
      %dma_start3A_40 = arith.constant 0 : i32
      %dma_start3A_41 = tpu.memref_slice %arg10[%dma_start3A_38, %dma_start3A_39, %dma_start3A_40] : memref<3x100x128xf32, #tpu.memory_space<vmem>> -> memref<1x100x128xf32, #tpu.memory_space<vmem>>
      %dma_start3A_42 = tpu.memref_squeeze %dma_start3A_41 : memref<1x100x128xf32, #tpu.memory_space<vmem>> -> memref<100x128xf32, #tpu.memory_space<vmem>>
      %dma_start3A_43 = arith.constant 0 : i32
      %dma_start3A_44 = tpu.memref_slice %arg8[%dma_start3A_37, %dma_start3A_43] : memref<25x100xi32, #tpu.memory_space<vmem>> -> memref<1x100xi32, #tpu.memory_space<vmem>>
      %dma_start3A_45 = tpu.memref_squeeze %dma_start3A_44 : memref<1x100xi32, #tpu.memory_space<vmem>> -> memref<100xi32, #tpu.memory_space<vmem>>
      %dma_start3A_46 = arith.constant 0 : i32
      %dma_start3A_47 = arith.constant 0 : i32
      %dma_start3A_48 = tpu.memref_slice %arg2[%dma_start3A_46, %dma_start3A_47] : memref<10000x128xf32, #tpu.memory_space<hbm>> -> memref<10000x128xf32, #tpu.memory_space<hbm>>
      tpu.enqueue_indirect_dma source(%dma_start3A_48 : memref<10000x128xf32, #tpu.memory_space<hbm>>) target(%dma_start3A_42 : memref<100x128xf32, #tpu.memory_space<vmem>>) offsets(%dma_start3A_45 : memref<100xi32, #tpu.memory_space<vmem>>) semaphore(%arg13 : memref<!tpu.dma_semaphore, #tpu.memory_space<semaphore_mem>>)
      %dma_start3A_49 = arith.constant 2 : i32
      %dma_start3A_50 = arith.constant 2 : i32
      %dma_start3A_51 = arith.constant 0 : i32
      %dma_start3A_52 = arith.constant 0 : i32
      %dma_start3A_53 = tpu.memref_slice %arg10[%dma_start3A_50, %dma_start3A_51, %dma_start3A_52] : memref<3x100x128xf32, #tpu.memory_space<vmem>> -> memref<1x100x128xf32, #tpu.memory_space<vmem>>
      %dma_start3A_54 = tpu.memref_squeeze %dma_start3A_53 : memref<1x100x128xf32, #tpu.memory_space<vmem>> -> memref<100x128xf32, #tpu.memory_space<vmem>>
      %dma_start3A_55 = arith.constant 0 : i32
      %dma_start3A_56 = tpu.memref_slice %arg8[%dma_start3A_49, %dma_start3A_55] : memref<25x100xi32, #tpu.memory_space<vmem>> -> memref<1x100xi32, #tpu.memory_space<vmem>>
      %dma_start3A_57 = tpu.memref_squeeze %dma_start3A_56 : memref<1x100xi32, #tpu.memory_space<vmem>> -> memref<100xi32, #tpu.memory_space<vmem>>
      %dma_start3A_58 = arith.constant 0 : i32
      %dma_start3A_59 = arith.constant 0 : i32
      %dma_start3A_60 = tpu.memref_slice %arg2[%dma_start3A_58, %dma_start3A_59] : memref<10000x128xf32, #tpu.memory_space<hbm>> -> memref<10000x128xf32, #tpu.memory_space<hbm>>
      tpu.enqueue_indirect_dma source(%dma_start3A_60 : memref<10000x128xf32, #tpu.memory_space<hbm>>) target(%dma_start3A_54 : memref<100x128xf32, #tpu.memory_space<vmem>>) offsets(%dma_start3A_57 : memref<100xi32, #tpu.memory_space<vmem>>) semaphore(%arg14 : memref<!tpu.dma_semaphore, #tpu.memory_space<semaphore_mem>>)
      %scan3A_61 = arith.constant 0 : i32
      %scan3A_62 = arith.constant 0 : i32
      %scan3A_63 = arith.constant 8 : i32
      %scan3A_64 = arith.addi %scan3A_62, %scan3A_63 : i32
      %scan3A_65 = arith.constant 1 : i32
      scf.for %scan3A_102 = %scan3A_62 to %scan3A_64 step %scan3A_65  : i32 {
        %mul3A_103 = arith.constant 3 : i32
        %mul3A_104 = arith.muli %mul3A_103, %scan3A_102 : i32
        %add3A_105 = arith.constant 0 : i32
        %add3A_106 = arith.addi %mul3A_104, %add3A_105 : i32
        %dma_wait3A_107 = arith.constant 0 : i32
        %dma_wait3A_108 = arith.constant 0 : i32
        %dma_wait3A_109 = arith.constant 0 : i32
        %dma_wait3A_110 = tpu.memref_slice %arg10[%dma_wait3A_107, %dma_wait3A_108, %dma_wait3A_109] : memref<3x100x128xf32, #tpu.memory_space<vmem>> -> memref<1x100x128xf32, #tpu.memory_space<vmem>>
        %dma_wait3A_111 = tpu.memref_squeeze %dma_wait3A_110 : memref<1x100x128xf32, #tpu.memory_space<vmem>> -> memref<100x128xf32, #tpu.memory_space<vmem>>
        %dma_wait3A_112 = arith.constant 0 : i32
        %dma_wait3A_113 = tpu.memref_slice %arg8[%add3A_106, %dma_wait3A_112] : memref<25x100xi32, #tpu.memory_space<vmem>> -> memref<1x100xi32, #tpu.memory_space<vmem>>
        %dma_wait3A_114 = tpu.memref_squeeze %dma_wait3A_113 : memref<1x100xi32, #tpu.memory_space<vmem>> -> memref<100xi32, #tpu.memory_space<vmem>>
        %dma_wait3A_115 = arith.constant 0 : i32
        %dma_wait3A_116 = arith.constant 0 : i32
        %dma_wait3A_117 = tpu.memref_slice %arg2[%dma_wait3A_115, %dma_wait3A_116] : memref<10000x128xf32, #tpu.memory_space<hbm>> -> memref<10000x128xf32, #tpu.memory_space<hbm>>
        tpu.wait_indirect_dma semaphore(%arg12 : memref<!tpu.dma_semaphore, #tpu.memory_space<semaphore_mem>>) src(%dma_wait3A_117 : memref<10000x128xf32, #tpu.memory_space<hbm>>) dst(%dma_wait3A_111 : memref<100x128xf32, #tpu.memory_space<vmem>>)
        %add3A_118 = arith.constant 0 : i32
        %add3A_119 = arith.addi %mul3A_104, %add3A_118 : i32
        %dma_start3A_120 = arith.constant 0 : i32
        %dma_start3A_121 = arith.constant 0 : i32
        %dma_start3A_122 = arith.constant 0 : i32
        %dma_start3A_123 = tpu.memref_slice %arg10[%dma_start3A_120, %dma_start3A_121, %dma_start3A_122] : memref<3x100x128xf32, #tpu.memory_space<vmem>> -> memref<1x100x128xf32, #tpu.memory_space<vmem>>
        %dma_start3A_124 = tpu.memref_squeeze %dma_start3A_123 : memref<1x100x128xf32, #tpu.memory_space<vmem>> -> memref<100x128xf32, #tpu.memory_space<vmem>>
        %dma_start3A_125 = arith.constant 0 : i32
        %dma_start3A_126 = tpu.memref_slice %arg9[%add3A_119, %dma_start3A_125] : memref<25x100xi32, #tpu.memory_space<vmem>> -> memref<1x100xi32, #tpu.memory_space<vmem>>
        %dma_start3A_127 = tpu.memref_squeeze %dma_start3A_126 : memref<1x100xi32, #tpu.memory_space<vmem>> -> memref<100xi32, #tpu.memory_space<vmem>>
        %dma_start3A_128 = arith.constant 0 : i32
        %dma_start3A_129 = arith.constant 0 : i32
        %dma_start3A_130 = tpu.memref_slice %arg11[%dma_start3A_128, %dma_start3A_129] : memref<10000x128xf32, #tpu.memory_space<vmem_shared>> -> memref<10000x128xf32, #tpu.memory_space<vmem_shared>>
        tpu.enqueue_indirect_dma source(%dma_start3A_124 : memref<100x128xf32, #tpu.memory_space<vmem>>) target(%dma_start3A_130 : memref<10000x128xf32, #tpu.memory_space<vmem_shared>>) offsets(%dma_start3A_127 : memref<100xi32, #tpu.memory_space<vmem>>) semaphore(%arg15 : memref<!tpu.dma_semaphore, #tpu.memory_space<semaphore_mem>>) {add = true}
        %add3A_131 = arith.constant 1 : i32
        %add3A_132 = arith.addi %mul3A_104, %add3A_131 : i32
        %dma_wait3A_133 = arith.constant 1 : i32
        %dma_wait3A_134 = arith.constant 0 : i32
        %dma_wait3A_135 = arith.constant 0 : i32
        %dma_wait3A_136 = tpu.memref_slice %arg10[%dma_wait3A_133, %dma_wait3A_134, %dma_wait3A_135] : memref<3x100x128xf32, #tpu.memory_space<vmem>> -> memref<1x100x128xf32, #tpu.memory_space<vmem>>
        %dma_wait3A_137 = tpu.memref_squeeze %dma_wait3A_136 : memref<1x100x128xf32, #tpu.memory_space<vmem>> -> memref<100x128xf32, #tpu.memory_space<vmem>>
        %dma_wait3A_138 = arith.constant 0 : i32
        %dma_wait3A_139 = tpu.memref_slice %arg8[%add3A_132, %dma_wait3A_138] : memref<25x100xi32, #tpu.memory_space<vmem>> -> memref<1x100xi32, #tpu.memory_space<vmem>>
        %dma_wait3A_140 = tpu.memref_squeeze %dma_wait3A_139 : memref<1x100xi32, #tpu.memory_space<vmem>> -> memref<100xi32, #tpu.memory_space<vmem>>
        %dma_wait3A_141 = arith.constant 0 : i32
        %dma_wait3A_142 = arith.constant 0 : i32
        %dma_wait3A_143 = tpu.memref_slice %arg2[%dma_wait3A_141, %dma_wait3A_142] : memref<10000x128xf32, #tpu.memory_space<hbm>> -> memref<10000x128xf32, #tpu.memory_space<hbm>>
        tpu.wait_indirect_dma semaphore(%arg13 : memref<!tpu.dma_semaphore, #tpu.memory_space<semaphore_mem>>) src(%dma_wait3A_143 : memref<10000x128xf32, #tpu.memory_space<hbm>>) dst(%dma_wait3A_137 : memref<100x128xf32, #tpu.memory_space<vmem>>)
        %add3A_144 = arith.constant 1 : i32
        %add3A_145 = arith.addi %mul3A_104, %add3A_144 : i32
        %dma_start3A_146 = arith.constant 1 : i32
        %dma_start3A_147 = arith.constant 0 : i32
        %dma_start3A_148 = arith.constant 0 : i32
        %dma_start3A_149 = tpu.memref_slice %arg10[%dma_start3A_146, %dma_start3A_147, %dma_start3A_148] : memref<3x100x128xf32, #tpu.memory_space<vmem>> -> memref<1x100x128xf32, #tpu.memory_space<vmem>>
        %dma_start3A_150 = tpu.memref_squeeze %dma_start3A_149 : memref<1x100x128xf32, #tpu.memory_space<vmem>> -> memref<100x128xf32, #tpu.memory_space<vmem>>
        %dma_start3A_151 = arith.constant 0 : i32
        %dma_start3A_152 = tpu.memref_slice %arg9[%add3A_145, %dma_start3A_151] : memref<25x100xi32, #tpu.memory_space<vmem>> -> memref<1x100xi32, #tpu.memory_space<vmem>>
        %dma_start3A_153 = tpu.memref_squeeze %dma_start3A_152 : memref<1x100xi32, #tpu.memory_space<vmem>> -> memref<100xi32, #tpu.memory_space<vmem>>
        %dma_start3A_154 = arith.constant 0 : i32
        %dma_start3A_155 = arith.constant 0 : i32
        %dma_start3A_156 = tpu.memref_slice %arg11[%dma_start3A_154, %dma_start3A_155] : memref<10000x128xf32, #tpu.memory_space<vmem_shared>> -> memref<10000x128xf32, #tpu.memory_space<vmem_shared>>
        tpu.enqueue_indirect_dma source(%dma_start3A_150 : memref<100x128xf32, #tpu.memory_space<vmem>>) target(%dma_start3A_156 : memref<10000x128xf32, #tpu.memory_space<vmem_shared>>) offsets(%dma_start3A_153 : memref<100xi32, #tpu.memory_space<vmem>>) semaphore(%arg16 : memref<!tpu.dma_semaphore, #tpu.memory_space<semaphore_mem>>) {add = true}
        %add3A_157 = arith.constant 2 : i32
        %add3A_158 = arith.addi %mul3A_104, %add3A_157 : i32
        %dma_wait3A_159 = arith.constant 2 : i32
        %dma_wait3A_160 = arith.constant 0 : i32
        %dma_wait3A_161 = arith.constant 0 : i32
        %dma_wait3A_162 = tpu.memref_slice %arg10[%dma_wait3A_159, %dma_wait3A_160, %dma_wait3A_161] : memref<3x100x128xf32, #tpu.memory_space<vmem>> -> memref<1x100x128xf32, #tpu.memory_space<vmem>>
        %dma_wait3A_163 = tpu.memref_squeeze %dma_wait3A_162 : memref<1x100x128xf32, #tpu.memory_space<vmem>> -> memref<100x128xf32, #tpu.memory_space<vmem>>
        %dma_wait3A_164 = arith.constant 0 : i32
        %dma_wait3A_165 = tpu.memref_slice %arg8[%add3A_158, %dma_wait3A_164] : memref<25x100xi32, #tpu.memory_space<vmem>> -> memref<1x100xi32, #tpu.memory_space<vmem>>
        %dma_wait3A_166 = tpu.memref_squeeze %dma_wait3A_165 : memref<1x100xi32, #tpu.memory_space<vmem>> -> memref<100xi32, #tpu.memory_space<vmem>>
        %dma_wait3A_167 = arith.constant 0 : i32
        %dma_wait3A_168 = arith.constant 0 : i32
        %dma_wait3A_169 = tpu.memref_slice %arg2[%dma_wait3A_167, %dma_wait3A_168] : memref<10000x128xf32, #tpu.memory_space<hbm>> -> memref<10000x128xf32, #tpu.memory_space<hbm>>
        tpu.wait_indirect_dma semaphore(%arg14 : memref<!tpu.dma_semaphore, #tpu.memory_space<semaphore_mem>>) src(%dma_wait3A_169 : memref<10000x128xf32, #tpu.memory_space<hbm>>) dst(%dma_wait3A_163 : memref<100x128xf32, #tpu.memory_space<vmem>>)
        %add3A_170 = arith.constant 2 : i32
        %add3A_171 = arith.addi %mul3A_104, %add3A_170 : i32
        %dma_start3A_172 = arith.constant 2 : i32
        %dma_start3A_173 = arith.constant 0 : i32
        %dma_start3A_174 = arith.constant 0 : i32
        %dma_start3A_175 = tpu.memref_slice %arg10[%dma_start3A_172, %dma_start3A_173, %dma_start3A_174] : memref<3x100x128xf32, #tpu.memory_space<vmem>> -> memref<1x100x128xf32, #tpu.memory_space<vmem>>
        %dma_start3A_176 = tpu.memref_squeeze %dma_start3A_175 : memref<1x100x128xf32, #tpu.memory_space<vmem>> -> memref<100x128xf32, #tpu.memory_space<vmem>>
        %dma_start3A_177 = arith.constant 0 : i32
        %dma_start3A_178 = tpu.memref_slice %arg9[%add3A_171, %dma_start3A_177] : memref<25x100xi32, #tpu.memory_space<vmem>> -> memref<1x100xi32, #tpu.memory_space<vmem>>
        %dma_start3A_179 = tpu.memref_squeeze %dma_start3A_178 : memref<1x100xi32, #tpu.memory_space<vmem>> -> memref<100xi32, #tpu.memory_space<vmem>>
        %dma_start3A_180 = arith.constant 0 : i32
        %dma_start3A_181 = arith.constant 0 : i32
        %dma_start3A_182 = tpu.memref_slice %arg11[%dma_start3A_180, %dma_start3A_181] : memref<10000x128xf32, #tpu.memory_space<vmem_shared>> -> memref<10000x128xf32, #tpu.memory_space<vmem_shared>>
        tpu.enqueue_indirect_dma source(%dma_start3A_176 : memref<100x128xf32, #tpu.memory_space<vmem>>) target(%dma_start3A_182 : memref<10000x128xf32, #tpu.memory_space<vmem_shared>>) offsets(%dma_start3A_179 : memref<100xi32, #tpu.memory_space<vmem>>) semaphore(%arg17 : memref<!tpu.dma_semaphore, #tpu.memory_space<semaphore_mem>>) {add = true}
        %add3A_183 = arith.constant 0 : i32
        %add3A_184 = arith.addi %mul3A_104, %add3A_183 : i32
        %dma_wait3A_185 = arith.constant 0 : i32
        %dma_wait3A_186 = arith.constant 0 : i32
        %dma_wait3A_187 = arith.constant 0 : i32
        %dma_wait3A_188 = tpu.memref_slice %arg10[%dma_wait3A_185, %dma_wait3A_186, %dma_wait3A_187] : memref<3x100x128xf32, #tpu.memory_space<vmem>> -> memref<1x100x128xf32, #tpu.memory_space<vmem>>
        %dma_wait3A_189 = tpu.memref_squeeze %dma_wait3A_188 : memref<1x100x128xf32, #tpu.memory_space<vmem>> -> memref<100x128xf32, #tpu.memory_space<vmem>>
        %dma_wait3A_190 = arith.constant 0 : i32
        %dma_wait3A_191 = tpu.memref_slice %arg9[%add3A_184, %dma_wait3A_190] : memref<25x100xi32, #tpu.memory_space<vmem>> -> memref<1x100xi32, #tpu.memory_space<vmem>>
        %dma_wait3A_192 = tpu.memref_squeeze %dma_wait3A_191 : memref<1x100xi32, #tpu.memory_space<vmem>> -> memref<100xi32, #tpu.memory_space<vmem>>
        %dma_wait3A_193 = arith.constant 0 : i32
        %dma_wait3A_194 = arith.constant 0 : i32
        %dma_wait3A_195 = tpu.memref_slice %arg11[%dma_wait3A_193, %dma_wait3A_194] : memref<10000x128xf32, #tpu.memory_space<vmem_shared>> -> memref<10000x128xf32, #tpu.memory_space<vmem_shared>>
        tpu.wait_indirect_dma semaphore(%arg15 : memref<!tpu.dma_semaphore, #tpu.memory_space<semaphore_mem>>) src(%dma_wait3A_189 : memref<100x128xf32, #tpu.memory_space<vmem>>) dst(%dma_wait3A_195 : memref<10000x128xf32, #tpu.memory_space<vmem_shared>>)
        %add3A_196 = arith.constant 0 : i32
        %add3A_197 = arith.addi %mul3A_104, %add3A_196 : i32
        %add3A_198 = arith.constant 3 : i32
        %add3A_199 = arith.addi %add3A_197, %add3A_198 : i32
        %lt3A_200 = arith.constant 25 : i32
        %lt3A_201 = arith.cmpi slt, %add3A_199, %lt3A_200 : i32
        %convert_element_type3A_202 = arith.extui %lt3A_201 : i1 to i32
        %cond3A_203 = arith.constant 0 : i32
        %cond3A_204 = arith.cmpi ne, %convert_element_type3A_202, %cond3A_203 : i32
        scf.if %cond3A_204 {
          %add3A_249 = arith.constant 0 : i32
          %add3A_250 = arith.addi %mul3A_104, %add3A_249 : i32
          %add3A_251 = arith.constant 3 : i32
          %add3A_252 = arith.addi %add3A_250, %add3A_251 : i32
          %dma_start3A_253 = arith.constant 0 : i32
          %dma_start3A_254 = arith.constant 0 : i32
          %dma_start3A_255 = arith.constant 0 : i32
          %dma_start3A_256 = tpu.memref_slice %arg10[%dma_start3A_253, %dma_start3A_254, %dma_start3A_255] : memref<3x100x128xf32, #tpu.memory_space<vmem>> -> memref<1x100x128xf32, #tpu.memory_space<vmem>>
          %dma_start3A_257 = tpu.memref_squeeze %dma_start3A_256 : memref<1x100x128xf32, #tpu.memory_space<vmem>> -> memref<100x128xf32, #tpu.memory_space<vmem>>
          %dma_start3A_258 = arith.constant 0 : i32
          %dma_start3A_259 = tpu.memref_slice %arg8[%add3A_252, %dma_start3A_258] : memref<25x100xi32, #tpu.memory_space<vmem>> -> memref<1x100xi32, #tpu.memory_space<vmem>>
          %dma_start3A_260 = tpu.memref_squeeze %dma_start3A_259 : memref<1x100xi32, #tpu.memory_space<vmem>> -> memref<100xi32, #tpu.memory_space<vmem>>
          %dma_start3A_261 = arith.constant 0 : i32
          %dma_start3A_262 = arith.constant 0 : i32
          %dma_start3A_263 = tpu.memref_slice %arg2[%dma_start3A_261, %dma_start3A_262] : memref<10000x128xf32, #tpu.memory_space<hbm>> -> memref<10000x128xf32, #tpu.memory_space<hbm>>
          tpu.enqueue_indirect_dma source(%dma_start3A_263 : memref<10000x128xf32, #tpu.memory_space<hbm>>) target(%dma_start3A_257 : memref<100x128xf32, #tpu.memory_space<vmem>>) offsets(%dma_start3A_260 : memref<100xi32, #tpu.memory_space<vmem>>) semaphore(%arg12 : memref<!tpu.dma_semaphore, #tpu.memory_space<semaphore_mem>>)
        } else {
        }
        %add3A_205 = arith.constant 1 : i32
        %add3A_206 = arith.addi %mul3A_104, %add3A_205 : i32
        %dma_wait3A_207 = arith.constant 1 : i32
        %dma_wait3A_208 = arith.constant 0 : i32
        %dma_wait3A_209 = arith.constant 0 : i32
        %dma_wait3A_210 = tpu.memref_slice %arg10[%dma_wait3A_207, %dma_wait3A_208, %dma_wait3A_209] : memref<3x100x128xf32, #tpu.memory_space<vmem>> -> memref<1x100x128xf32, #tpu.memory_space<vmem>>
        %dma_wait3A_211 = tpu.memref_squeeze %dma_wait3A_210 : memref<1x100x128xf32, #tpu.memory_space<vmem>> -> memref<100x128xf32, #tpu.memory_space<vmem>>
        %dma_wait3A_212 = arith.constant 0 : i32
        %dma_wait3A_213 = tpu.memref_slice %arg9[%add3A_206, %dma_wait3A_212] : memref<25x100xi32, #tpu.memory_space<vmem>> -> memref<1x100xi32, #tpu.memory_space<vmem>>
        %dma_wait3A_214 = tpu.memref_squeeze %dma_wait3A_213 : memref<1x100xi32, #tpu.memory_space<vmem>> -> memref<100xi32, #tpu.memory_space<vmem>>
        %dma_wait3A_215 = arith.constant 0 : i32
        %dma_wait3A_216 = arith.constant 0 : i32
        %dma_wait3A_217 = tpu.memref_slice %arg11[%dma_wait3A_215, %dma_wait3A_216] : memref<10000x128xf32, #tpu.memory_space<vmem_shared>> -> memref<10000x128xf32, #tpu.memory_space<vmem_shared>>
        tpu.wait_indirect_dma semaphore(%arg16 : memref<!tpu.dma_semaphore, #tpu.memory_space<semaphore_mem>>) src(%dma_wait3A_211 : memref<100x128xf32, #tpu.memory_space<vmem>>) dst(%dma_wait3A_217 : memref<10000x128xf32, #tpu.memory_space<vmem_shared>>)
        %add3A_218 = arith.constant 1 : i32
        %add3A_219 = arith.addi %mul3A_104, %add3A_218 : i32
        %add3A_220 = arith.constant 3 : i32
        %add3A_221 = arith.addi %add3A_219, %add3A_220 : i32
        %lt3A_222 = arith.constant 25 : i32
        %lt3A_223 = arith.cmpi slt, %add3A_221, %lt3A_222 : i32
        %convert_element_type3A_224 = arith.extui %lt3A_223 : i1 to i32
        %cond3A_225 = arith.constant 0 : i32
        %cond3A_226 = arith.cmpi ne, %convert_element_type3A_224, %cond3A_225 : i32
        scf.if %cond3A_226 {
          %add3A_249 = arith.constant 1 : i32
          %add3A_250 = arith.addi %mul3A_104, %add3A_249 : i32
          %add3A_251 = arith.constant 3 : i32
          %add3A_252 = arith.addi %add3A_250, %add3A_251 : i32
          %dma_start3A_253 = arith.constant 1 : i32
          %dma_start3A_254 = arith.constant 0 : i32
          %dma_start3A_255 = arith.constant 0 : i32
          %dma_start3A_256 = tpu.memref_slice %arg10[%dma_start3A_253, %dma_start3A_254, %dma_start3A_255] : memref<3x100x128xf32, #tpu.memory_space<vmem>> -> memref<1x100x128xf32, #tpu.memory_space<vmem>>
          %dma_start3A_257 = tpu.memref_squeeze %dma_start3A_256 : memref<1x100x128xf32, #tpu.memory_space<vmem>> -> memref<100x128xf32, #tpu.memory_space<vmem>>
          %dma_start3A_258 = arith.constant 0 : i32
          %dma_start3A_259 = tpu.memref_slice %arg8[%add3A_252, %dma_start3A_258] : memref<25x100xi32, #tpu.memory_space<vmem>> -> memref<1x100xi32, #tpu.memory_space<vmem>>
          %dma_start3A_260 = tpu.memref_squeeze %dma_start3A_259 : memref<1x100xi32, #tpu.memory_space<vmem>> -> memref<100xi32, #tpu.memory_space<vmem>>
          %dma_start3A_261 = arith.constant 0 : i32
          %dma_start3A_262 = arith.constant 0 : i32
          %dma_start3A_263 = tpu.memref_slice %arg2[%dma_start3A_261, %dma_start3A_262] : memref<10000x128xf32, #tpu.memory_space<hbm>> -> memref<10000x128xf32, #tpu.memory_space<hbm>>
          tpu.enqueue_indirect_dma source(%dma_start3A_263 : memref<10000x128xf32, #tpu.memory_space<hbm>>) target(%dma_start3A_257 : memref<100x128xf32, #tpu.memory_space<vmem>>) offsets(%dma_start3A_260 : memref<100xi32, #tpu.memory_space<vmem>>) semaphore(%arg13 : memref<!tpu.dma_semaphore, #tpu.memory_space<semaphore_mem>>)
        } else {
        }
        %add3A_227 = arith.constant 2 : i32
        %add3A_228 = arith.addi %mul3A_104, %add3A_227 : i32
        %dma_wait3A_229 = arith.constant 2 : i32
        %dma_wait3A_230 = arith.constant 0 : i32
        %dma_wait3A_231 = arith.constant 0 : i32
        %dma_wait3A_232 = tpu.memref_slice %arg10[%dma_wait3A_229, %dma_wait3A_230, %dma_wait3A_231] : memref<3x100x128xf32, #tpu.memory_space<vmem>> -> memref<1x100x128xf32, #tpu.memory_space<vmem>>
        %dma_wait3A_233 = tpu.memref_squeeze %dma_wait3A_232 : memref<1x100x128xf32, #tpu.memory_space<vmem>> -> memref<100x128xf32, #tpu.memory_space<vmem>>
        %dma_wait3A_234 = arith.constant 0 : i32
        %dma_wait3A_235 = tpu.memref_slice %arg9[%add3A_228, %dma_wait3A_234] : memref<25x100xi32, #tpu.memory_space<vmem>> -> memref<1x100xi32, #tpu.memory_space<vmem>>
        %dma_wait3A_236 = tpu.memref_squeeze %dma_wait3A_235 : memref<1x100xi32, #tpu.memory_space<vmem>> -> memref<100xi32, #tpu.memory_space<vmem>>
        %dma_wait3A_237 = arith.constant 0 : i32
        %dma_wait3A_238 = arith.constant 0 : i32
        %dma_wait3A_239 = tpu.memref_slice %arg11[%dma_wait3A_237, %dma_wait3A_238] : memref<10000x128xf32, #tpu.memory_space<vmem_shared>> -> memref<10000x128xf32, #tpu.memory_space<vmem_shared>>
        tpu.wait_indirect_dma semaphore(%arg17 : memref<!tpu.dma_semaphore, #tpu.memory_space<semaphore_mem>>) src(%dma_wait3A_233 : memref<100x128xf32, #tpu.memory_space<vmem>>) dst(%dma_wait3A_239 : memref<10000x128xf32, #tpu.memory_space<vmem_shared>>)
        %add3A_240 = arith.constant 2 : i32
        %add3A_241 = arith.addi %mul3A_104, %add3A_240 : i32
        %add3A_242 = arith.constant 3 : i32
        %add3A_243 = arith.addi %add3A_241, %add3A_242 : i32
        %lt3A_244 = arith.constant 25 : i32
        %lt3A_245 = arith.cmpi slt, %add3A_243, %lt3A_244 : i32
        %convert_element_type3A_246 = arith.extui %lt3A_245 : i1 to i32
        %cond3A_247 = arith.constant 0 : i32
        %cond3A_248 = arith.cmpi ne, %convert_element_type3A_246, %cond3A_247 : i32
        scf.if %cond3A_248 {
          %add3A_249 = arith.constant 2 : i32
          %add3A_250 = arith.addi %mul3A_104, %add3A_249 : i32
          %add3A_251 = arith.constant 3 : i32
          %add3A_252 = arith.addi %add3A_250, %add3A_251 : i32
          %dma_start3A_253 = arith.constant 2 : i32
          %dma_start3A_254 = arith.constant 0 : i32
          %dma_start3A_255 = arith.constant 0 : i32
          %dma_start3A_256 = tpu.memref_slice %arg10[%dma_start3A_253, %dma_start3A_254, %dma_start3A_255] : memref<3x100x128xf32, #tpu.memory_space<vmem>> -> memref<1x100x128xf32, #tpu.memory_space<vmem>>
          %dma_start3A_257 = tpu.memref_squeeze %dma_start3A_256 : memref<1x100x128xf32, #tpu.memory_space<vmem>> -> memref<100x128xf32, #tpu.memory_space<vmem>>
          %dma_start3A_258 = arith.constant 0 : i32
          %dma_start3A_259 = tpu.memref_slice %arg8[%add3A_252, %dma_start3A_258] : memref<25x100xi32, #tpu.memory_space<vmem>> -> memref<1x100xi32, #tpu.memory_space<vmem>>
          %dma_start3A_260 = tpu.memref_squeeze %dma_start3A_259 : memref<1x100xi32, #tpu.memory_space<vmem>> -> memref<100xi32, #tpu.memory_space<vmem>>
          %dma_start3A_261 = arith.constant 0 : i32
          %dma_start3A_262 = arith.constant 0 : i32
          %dma_start3A_263 = tpu.memref_slice %arg2[%dma_start3A_261, %dma_start3A_262] : memref<10000x128xf32, #tpu.memory_space<hbm>> -> memref<10000x128xf32, #tpu.memory_space<hbm>>
          tpu.enqueue_indirect_dma source(%dma_start3A_263 : memref<10000x128xf32, #tpu.memory_space<hbm>>) target(%dma_start3A_257 : memref<100x128xf32, #tpu.memory_space<vmem>>) offsets(%dma_start3A_260 : memref<100xi32, #tpu.memory_space<vmem>>) semaphore(%arg14 : memref<!tpu.dma_semaphore, #tpu.memory_space<semaphore_mem>>)
        } else {
        }
      }
      %scan3A_66 = arith.constant 8 : i32
      %dma_wait3A = arith.constant 24 : i32
      %dma_wait3A_67 = arith.constant 0 : i32
      %dma_wait3A_68 = arith.constant 0 : i32
      %dma_wait3A_69 = arith.constant 0 : i32
      %dma_wait3A_70 = tpu.memref_slice %arg10[%dma_wait3A_67, %dma_wait3A_68, %dma_wait3A_69] : memref<3x100x128xf32, #tpu.memory_space<vmem>> -> memref<1x100x128xf32, #tpu.memory_space<vmem>>
      %dma_wait3A_71 = tpu.memref_squeeze %dma_wait3A_70 : memref<1x100x128xf32, #tpu.memory_space<vmem>> -> memref<100x128xf32, #tpu.memory_space<vmem>>
      %dma_wait3A_72 = arith.constant 0 : i32
      %dma_wait3A_73 = tpu.memref_slice %arg8[%dma_wait3A, %dma_wait3A_72] : memref<25x100xi32, #tpu.memory_space<vmem>> -> memref<1x100xi32, #tpu.memory_space<vmem>>
      %dma_wait3A_74 = tpu.memref_squeeze %dma_wait3A_73 : memref<1x100xi32, #tpu.memory_space<vmem>> -> memref<100xi32, #tpu.memory_space<vmem>>
      %dma_wait3A_75 = arith.constant 0 : i32
      %dma_wait3A_76 = arith.constant 0 : i32
      %dma_wait3A_77 = tpu.memref_slice %arg2[%dma_wait3A_75, %dma_wait3A_76] : memref<10000x128xf32, #tpu.memory_space<hbm>> -> memref<10000x128xf32, #tpu.memory_space<hbm>>
      tpu.wait_indirect_dma semaphore(%arg12 : memref<!tpu.dma_semaphore, #tpu.memory_space<semaphore_mem>>) src(%dma_wait3A_77 : memref<10000x128xf32, #tpu.memory_space<hbm>>) dst(%dma_wait3A_71 : memref<100x128xf32, #tpu.memory_space<vmem>>)
      %dma_start3A_78 = arith.constant 0 : i32
      %dma_start3A_79 = arith.constant 24 : i32
      %dma_start3A_80 = arith.constant 0 : i32
      %dma_start3A_81 = arith.constant 0 : i32
      %dma_start3A_82 = tpu.memref_slice %arg10[%dma_start3A_78, %dma_start3A_80, %dma_start3A_81] : memref<3x100x128xf32, #tpu.memory_space<vmem>> -> memref<1x100x128xf32, #tpu.memory_space<vmem>>
      %dma_start3A_83 = tpu.memref_squeeze %dma_start3A_82 : memref<1x100x128xf32, #tpu.memory_space<vmem>> -> memref<100x128xf32, #tpu.memory_space<vmem>>
      %dma_start3A_84 = arith.constant 0 : i32
      %dma_start3A_85 = tpu.memref_slice %arg9[%dma_start3A_79, %dma_start3A_84] : memref<25x100xi32, #tpu.memory_space<vmem>> -> memref<1x100xi32, #tpu.memory_space<vmem>>
      %dma_start3A_86 = tpu.memref_squeeze %dma_start3A_85 : memref<1x100xi32, #tpu.memory_space<vmem>> -> memref<100xi32, #tpu.memory_space<vmem>>
      %dma_start3A_87 = arith.constant 0 : i32
      %dma_start3A_88 = arith.constant 0 : i32
      %dma_start3A_89 = tpu.memref_slice %arg11[%dma_start3A_87, %dma_start3A_88] : memref<10000x128xf32, #tpu.memory_space<vmem_shared>> -> memref<10000x128xf32, #tpu.memory_space<vmem_shared>>
      tpu.enqueue_indirect_dma source(%dma_start3A_83 : memref<100x128xf32, #tpu.memory_space<vmem>>) target(%dma_start3A_89 : memref<10000x128xf32, #tpu.memory_space<vmem_shared>>) offsets(%dma_start3A_86 : memref<100xi32, #tpu.memory_space<vmem>>) semaphore(%arg15 : memref<!tpu.dma_semaphore, #tpu.memory_space<semaphore_mem>>) {add = true}
      %dma_wait3A_90 = arith.constant 0 : i32
      %dma_wait3A_91 = arith.constant 24 : i32
      %dma_wait3A_92 = arith.constant 0 : i32
      %dma_wait3A_93 = arith.constant 0 : i32
      %dma_wait3A_94 = tpu.memref_slice %arg10[%dma_wait3A_90, %dma_wait3A_92, %dma_wait3A_93] : memref<3x100x128xf32, #tpu.memory_space<vmem>> -> memref<1x100x128xf32, #tpu.memory_space<vmem>>
      %dma_wait3A_95 = tpu.memref_squeeze %dma_wait3A_94 : memref<1x100x128xf32, #tpu.memory_space<vmem>> -> memref<100x128xf32, #tpu.memory_space<vmem>>
      %dma_wait3A_96 = arith.constant 0 : i32
      %dma_wait3A_97 = tpu.memref_slice %arg9[%dma_wait3A_91, %dma_wait3A_96] : memref<25x100xi32, #tpu.memory_space<vmem>> -> memref<1x100xi32, #tpu.memory_space<vmem>>
      %dma_wait3A_98 = tpu.memref_squeeze %dma_wait3A_97 : memref<1x100xi32, #tpu.memory_space<vmem>> -> memref<100xi32, #tpu.memory_space<vmem>>
      %dma_wait3A_99 = arith.constant 0 : i32
      %dma_wait3A_100 = arith.constant 0 : i32
      %dma_wait3A_101 = tpu.memref_slice %arg11[%dma_wait3A_99, %dma_wait3A_100] : memref<10000x128xf32, #tpu.memory_space<vmem_shared>> -> memref<10000x128xf32, #tpu.memory_space<vmem_shared>>
      tpu.wait_indirect_dma semaphore(%arg15 : memref<!tpu.dma_semaphore, #tpu.memory_space<semaphore_mem>>) src(%dma_wait3A_95 : memref<100x128xf32, #tpu.memory_space<vmem>>) dst(%dma_wait3A_101 : memref<10000x128xf32, #tpu.memory_space<vmem_shared>>)
    }
    %scan3A_13 = arith.constant 4 : i32
    %barrier3A_14 = arith.constant 0 : index
    tpu.barrier barrier_id(%barrier3A_14)
    %lt3A_15 = arith.constant 15 : i32
    %lt3A_16 = arith.cmpi slt, %arg1, %lt3A_15 : i32
    %convert_element_type3A_17 = arith.extui %lt3A_16 : i1 to i32
    %cond3A_18 = arith.constant 0 : i32
    %cond3A_19 = arith.cmpi ne, %convert_element_type3A_17, %cond3A_18 : i32
    scf.if %cond3A_19 {
      "tpu.region"() ({
        %run_scoped3A = tpu.sem_alloc : memref<!tpu.dma_semaphore, #tpu.memory_space<semaphore_mem>>
        %dma_start3A = arith.constant 0 : i32
        %dma_start3A_25 = tpu.memref_slice %arg7[%arg0, %mul3A_2, %dma_start3A] : memref<2x10000x128xf32, #tpu.memory_space<hbm>> -> memref<1x624x128xf32, #tpu.memory_space<hbm>>
        %dma_start3A_26 = tpu.memref_squeeze %dma_start3A_25 : memref<1x624x128xf32, #tpu.memory_space<hbm>> -> memref<624x128xf32, #tpu.memory_space<hbm>>
        %dma_start3A_27 = arith.constant 0 : i32
        %dma_start3A_28 = tpu.memref_slice %arg11[%mul3A_2, %dma_start3A_27] : memref<10000x128xf32, #tpu.memory_space<vmem_shared>> -> memref<624x128xf32, #tpu.memory_space<vmem_shared>>
        tpu.enqueue_dma source(%dma_start3A_28 : memref<624x128xf32, #tpu.memory_space<vmem_shared>>) target(%dma_start3A_26 : memref<624x128xf32, #tpu.memory_space<hbm>>) target_semaphore(%run_scoped3A : memref<!tpu.dma_semaphore, #tpu.memory_space<semaphore_mem>>)
        %dma_wait3A = arith.constant 0 : i32
        %dma_wait3A_29 = tpu.memref_slice %arg7[%arg0, %mul3A_2, %dma_wait3A] : memref<2x10000x128xf32, #tpu.memory_space<hbm>> -> memref<1x624x128xf32, #tpu.memory_space<hbm>>
        %dma_wait3A_30 = tpu.memref_squeeze %dma_wait3A_29 : memref<1x624x128xf32, #tpu.memory_space<hbm>> -> memref<624x128xf32, #tpu.memory_space<hbm>>
        %dma_wait3A_31 = arith.constant 0 : i32
        %dma_wait3A_32 = tpu.memref_slice %arg11[%mul3A_2, %dma_wait3A_31] : memref<10000x128xf32, #tpu.memory_space<vmem_shared>> -> memref<624x128xf32, #tpu.memory_space<vmem_shared>>
        tpu.wait_dma2 semaphore(%run_scoped3A : memref<!tpu.dma_semaphore, #tpu.memory_space<semaphore_mem>>) src(%dma_wait3A_32 : memref<624x128xf32, #tpu.memory_space<vmem_shared>>) dst(%dma_wait3A_30 : memref<624x128xf32, #tpu.memory_space<hbm>>)
        tpu.yield
      }) : () -> ()
    } else {
    }
    %eq3A_20 = arith.constant 15 : i32
    %eq3A_21 = arith.cmpi eq, %arg1, %eq3A_20 : i32
    %convert_element_type3A_22 = arith.extui %eq3A_21 : i1 to i32
    %cond3A_23 = arith.constant 0 : i32
    %cond3A_24 = arith.cmpi ne, %convert_element_type3A_22, %cond3A_23 : i32
    scf.if %cond3A_24 {
      "tpu.region"() ({
        %run_scoped3A = tpu.sem_alloc : memref<!tpu.dma_semaphore, #tpu.memory_space<semaphore_mem>>
        %dma_start3A = arith.constant 0 : i32
        %dma_start3A_25 = tpu.memref_slice %arg7[%arg0, %mul3A_2, %dma_start3A] : memref<2x10000x128xf32, #tpu.memory_space<hbm>> -> memref<1x640x128xf32, #tpu.memory_space<hbm>>
        %dma_start3A_26 = tpu.memref_squeeze %dma_start3A_25 : memref<1x640x128xf32, #tpu.memory_space<hbm>> -> memref<640x128xf32, #tpu.memory_space<hbm>>
        %dma_start3A_27 = arith.constant 0 : i32
        %dma_start3A_28 = tpu.memref_slice %arg11[%mul3A_2, %dma_start3A_27] : memref<10000x128xf32, #tpu.memory_space<vmem_shared>> -> memref<640x128xf32, #tpu.memory_space<vmem_shared>>
        tpu.enqueue_dma source(%dma_start3A_28 : memref<640x128xf32, #tpu.memory_space<vmem_shared>>) target(%dma_start3A_26 : memref<640x128xf32, #tpu.memory_space<hbm>>) target_semaphore(%run_scoped3A : memref<!tpu.dma_semaphore, #tpu.memory_space<semaphore_mem>>)
        %dma_wait3A = arith.constant 0 : i32
        %dma_wait3A_29 = tpu.memref_slice %arg7[%arg0, %mul3A_2, %dma_wait3A] : memref<2x10000x128xf32, #tpu.memory_space<hbm>> -> memref<1x640x128xf32, #tpu.memory_space<hbm>>
        %dma_wait3A_30 = tpu.memref_squeeze %dma_wait3A_29 : memref<1x640x128xf32, #tpu.memory_space<hbm>> -> memref<640x128xf32, #tpu.memory_space<hbm>>
        %dma_wait3A_31 = arith.constant 0 : i32
        %dma_wait3A_32 = tpu.memref_slice %arg11[%mul3A_2, %dma_wait3A_31] : memref<10000x128xf32, #tpu.memory_space<vmem_shared>> -> memref<640x128xf32, #tpu.memory_space<vmem_shared>>
        tpu.wait_dma2 semaphore(%run_scoped3A : memref<!tpu.dma_semaphore, #tpu.memory_space<semaphore_mem>>) src(%dma_wait3A_32 : memref<640x128xf32, #tpu.memory_space<vmem_shared>>) dst(%dma_wait3A_30 : memref<640x128xf32, #tpu.memory_space<hbm>>)
        tpu.yield
      }) : () -> ()
    } else {
    }
    return
  }
}

#map = affine_map<(d0, d1) -> (0, 0)>
#map1 = affine_map<(d0, d1) -> (0, 0, 0, 0)>
#map2 = affine_map<(d0, d1) -> (0, 0, 0)>
module attributes {stable_mosaic.version = 14 : i64} {
  func.func @_sc_aggregate(%arg0: i32, %arg1: i32, %arg2: memref<10000x128xf32, #tpu.memory_space<hbm>>, %arg3: memref<10000x128xf32, #tpu.memory_space<hbm>>, %arg4: memref<10000x128xf32, #tpu.memory_space<hbm>>, %arg5: memref<32x4x25x100xi32, #tpu.memory_space<hbm>>, %arg6: memref<32x4x25x100xi32, #tpu.memory_space<hbm>>, %arg7: memref<2x10000x128xf32, #tpu.memory_space<hbm>>, %arg8: memref<25x100xi32, #tpu.memory_space<vmem>>, %arg9: memref<25x100xi32, #tpu.memory_space<vmem>>, %arg10: memref<3x100x128xf32, #tpu.memory_space<vmem>>, %arg11: memref<10000x128xf32, #tpu.memory_space<vmem_shared>>, %arg12: memref<!tpu.dma_semaphore, #tpu.memory_space<semaphore_mem>>, %arg13: memref<!tpu.dma_semaphore, #tpu.memory_space<semaphore_mem>>, %arg14: memref<!tpu.dma_semaphore, #tpu.memory_space<semaphore_mem>>, %arg15: memref<!tpu.dma_semaphore, #tpu.memory_space<semaphore_mem>>, %arg16: memref<!tpu.dma_semaphore, #tpu.memory_space<semaphore_mem>>, %arg17: memref<!tpu.dma_semaphore, #tpu.memory_space<semaphore_mem>>) attributes {dimension_semantics = [#tpu.dimension_semantics<core_parallel>, #tpu.dimension_semantics<subcore_parallel>], iteration_bounds = array<i64: 2, 16>, scalar_prefetch = 0 : i64, scratch_operands = 10 : i64, tpu.core_type = #tpu.core_type<sc_vector_subcore>, window_params = [{transform_indices = #map}, {transform_indices = #map}, {transform_indices = #map}, {transform_indices = #map1}, {transform_indices = #map1}, {transform_indices = #map2}]} {
    %mul3A = arith.constant 2 : i32
    %mul3A_0 = arith.muli %arg1, %mul3A : i32
    %add3A = arith.addi %mul3A_0, %arg0 : i32
    %mul3A_1 = arith.constant 624 : i32
    %mul3A_2 = arith.muli %arg1, %mul3A_1 : i32
    %lt3A = arith.constant 15 : i32
    %lt3A_3 = arith.cmpi slt, %arg1, %lt3A : i32
    %convert_element_type3A = arith.extui %lt3A_3 : i1 to i32
    %cond3A = arith.constant 0 : i32
    %cond3A_4 = arith.cmpi ne, %convert_element_type3A, %cond3A : i32
    scf.if %cond3A_4 {
      %eq3A_25 = arith.constant 0 : i32
      %eq3A_26 = arith.cmpi eq, %arg0, %eq3A_25 : i32
      %convert_element_type3A_27 = arith.extui %eq3A_26 : i1 to i32
      %cond3A_28 = arith.constant 0 : i32
      %cond3A_29 = arith.cmpi ne, %convert_element_type3A_27, %cond3A_28 : i32
      scf.if %cond3A_29 {
        "tpu.region"() ({
          %run_scoped3A = tpu.sem_alloc : memref<!tpu.dma_semaphore, #tpu.memory_space<semaphore_mem>>
          %dma_start3A = arith.constant 0 : i32
          %dma_start3A_34 = tpu.memref_slice %arg11[%mul3A_2, %dma_start3A] : memref<10000x128xf32, #tpu.memory_space<vmem_shared>> -> memref<624x128xf32, #tpu.memory_space<vmem_shared>>
          %dma_start3A_35 = arith.constant 0 : i32
          %dma_start3A_36 = tpu.memref_slice %arg3[%mul3A_2, %dma_start3A_35] : memref<10000x128xf32, #tpu.memory_space<hbm>> -> memref<624x128xf32, #tpu.memory_space<hbm>>
          tpu.enqueue_dma source(%dma_start3A_36 : memref<624x128xf32, #tpu.memory_space<hbm>>) target(%dma_start3A_34 : memref<624x128xf32, #tpu.memory_space<vmem_shared>>) target_semaphore(%run_scoped3A : memref<!tpu.dma_semaphore, #tpu.memory_space<semaphore_mem>>)
          %dma_wait3A = arith.constant 0 : i32
          %dma_wait3A_37 = tpu.memref_slice %arg11[%mul3A_2, %dma_wait3A] : memref<10000x128xf32, #tpu.memory_space<vmem_shared>> -> memref<624x128xf32, #tpu.memory_space<vmem_shared>>
          %dma_wait3A_38 = arith.constant 0 : i32
          %dma_wait3A_39 = tpu.memref_slice %arg3[%mul3A_2, %dma_wait3A_38] : memref<10000x128xf32, #tpu.memory_space<hbm>> -> memref<624x128xf32, #tpu.memory_space<hbm>>
          tpu.wait_dma2 semaphore(%run_scoped3A : memref<!tpu.dma_semaphore, #tpu.memory_space<semaphore_mem>>) src(%dma_wait3A_39 : memref<624x128xf32, #tpu.memory_space<hbm>>) dst(%dma_wait3A_37 : memref<624x128xf32, #tpu.memory_space<vmem_shared>>)
          tpu.yield
        }) : () -> ()
      } else {
      }
      %ne3A = arith.constant 0 : i32
      %ne3A_30 = arith.cmpi ne, %arg0, %ne3A : i32
      %convert_element_type3A_31 = arith.extui %ne3A_30 : i1 to i32
      %cond3A_32 = arith.constant 0 : i32
      %cond3A_33 = arith.cmpi ne, %convert_element_type3A_31, %cond3A_32 : i32
      scf.if %cond3A_33 {
        "tpu.region"() ({
          %run_scoped3A = tpu.sem_alloc : memref<!tpu.dma_semaphore, #tpu.memory_space<semaphore_mem>>
          %dma_start3A = arith.constant 0 : i32
          %dma_start3A_34 = tpu.memref_slice %arg11[%mul3A_2, %dma_start3A] : memref<10000x128xf32, #tpu.memory_space<vmem_shared>> -> memref<624x128xf32, #tpu.memory_space<vmem_shared>>
          %dma_start3A_35 = arith.constant 0 : i32
          %dma_start3A_36 = tpu.memref_slice %arg4[%mul3A_2, %dma_start3A_35] : memref<10000x128xf32, #tpu.memory_space<hbm>> -> memref<624x128xf32, #tpu.memory_space<hbm>>
          tpu.enqueue_dma source(%dma_start3A_36 : memref<624x128xf32, #tpu.memory_space<hbm>>) target(%dma_start3A_34 : memref<624x128xf32, #tpu.memory_space<vmem_shared>>) target_semaphore(%run_scoped3A : memref<!tpu.dma_semaphore, #tpu.memory_space<semaphore_mem>>)
          %dma_wait3A = arith.constant 0 : i32
          %dma_wait3A_37 = tpu.memref_slice %arg11[%mul3A_2, %dma_wait3A] : memref<10000x128xf32, #tpu.memory_space<vmem_shared>> -> memref<624x128xf32, #tpu.memory_space<vmem_shared>>
          %dma_wait3A_38 = arith.constant 0 : i32
          %dma_wait3A_39 = tpu.memref_slice %arg4[%mul3A_2, %dma_wait3A_38] : memref<10000x128xf32, #tpu.memory_space<hbm>> -> memref<624x128xf32, #tpu.memory_space<hbm>>
          tpu.wait_dma2 semaphore(%run_scoped3A : memref<!tpu.dma_semaphore, #tpu.memory_space<semaphore_mem>>) src(%dma_wait3A_39 : memref<624x128xf32, #tpu.memory_space<hbm>>) dst(%dma_wait3A_37 : memref<624x128xf32, #tpu.memory_space<vmem_shared>>)
          tpu.yield
        }) : () -> ()
      } else {
      }
    } else {
    }
    %eq3A = arith.constant 15 : i32
    %eq3A_5 = arith.cmpi eq, %arg1, %eq3A : i32
    %convert_element_type3A_6 = arith.extui %eq3A_5 : i1 to i32
    %cond3A_7 = arith.constant 0 : i32
    %cond3A_8 = arith.cmpi ne, %convert_element_type3A_6, %cond3A_7 : i32
    scf.if %cond3A_8 {
      %eq3A_25 = arith.constant 0 : i32
      %eq3A_26 = arith.cmpi eq, %arg0, %eq3A_25 : i32
      %convert_element_type3A_27 = arith.extui %eq3A_26 : i1 to i32
      %cond3A_28 = arith.constant 0 : i32
      %cond3A_29 = arith.cmpi ne, %convert_element_type3A_27, %cond3A_28 : i32
      scf.if %cond3A_29 {
        "tpu.region"() ({
          %run_scoped3A = tpu.sem_alloc : memref<!tpu.dma_semaphore, #tpu.memory_space<semaphore_mem>>
          %dma_start3A = arith.constant 0 : i32
          %dma_start3A_34 = tpu.memref_slice %arg11[%mul3A_2, %dma_start3A] : memref<10000x128xf32, #tpu.memory_space<vmem_shared>> -> memref<640x128xf32, #tpu.memory_space<vmem_shared>>
          %dma_start3A_35 = arith.constant 0 : i32
          %dma_start3A_36 = tpu.memref_slice %arg3[%mul3A_2, %dma_start3A_35] : memref<10000x128xf32, #tpu.memory_space<hbm>> -> memref<640x128xf32, #tpu.memory_space<hbm>>
          tpu.enqueue_dma source(%dma_start3A_36 : memref<640x128xf32, #tpu.memory_space<hbm>>) target(%dma_start3A_34 : memref<640x128xf32, #tpu.memory_space<vmem_shared>>) target_semaphore(%run_scoped3A : memref<!tpu.dma_semaphore, #tpu.memory_space<semaphore_mem>>)
          %dma_wait3A = arith.constant 0 : i32
          %dma_wait3A_37 = tpu.memref_slice %arg11[%mul3A_2, %dma_wait3A] : memref<10000x128xf32, #tpu.memory_space<vmem_shared>> -> memref<640x128xf32, #tpu.memory_space<vmem_shared>>
          %dma_wait3A_38 = arith.constant 0 : i32
          %dma_wait3A_39 = tpu.memref_slice %arg3[%mul3A_2, %dma_wait3A_38] : memref<10000x128xf32, #tpu.memory_space<hbm>> -> memref<640x128xf32, #tpu.memory_space<hbm>>
          tpu.wait_dma2 semaphore(%run_scoped3A : memref<!tpu.dma_semaphore, #tpu.memory_space<semaphore_mem>>) src(%dma_wait3A_39 : memref<640x128xf32, #tpu.memory_space<hbm>>) dst(%dma_wait3A_37 : memref<640x128xf32, #tpu.memory_space<vmem_shared>>)
          tpu.yield
        }) : () -> ()
      } else {
      }
      %ne3A = arith.constant 0 : i32
      %ne3A_30 = arith.cmpi ne, %arg0, %ne3A : i32
      %convert_element_type3A_31 = arith.extui %ne3A_30 : i1 to i32
      %cond3A_32 = arith.constant 0 : i32
      %cond3A_33 = arith.cmpi ne, %convert_element_type3A_31, %cond3A_32 : i32
      scf.if %cond3A_33 {
        "tpu.region"() ({
          %run_scoped3A = tpu.sem_alloc : memref<!tpu.dma_semaphore, #tpu.memory_space<semaphore_mem>>
          %dma_start3A = arith.constant 0 : i32
          %dma_start3A_34 = tpu.memref_slice %arg11[%mul3A_2, %dma_start3A] : memref<10000x128xf32, #tpu.memory_space<vmem_shared>> -> memref<640x128xf32, #tpu.memory_space<vmem_shared>>
          %dma_start3A_35 = arith.constant 0 : i32
          %dma_start3A_36 = tpu.memref_slice %arg4[%mul3A_2, %dma_start3A_35] : memref<10000x128xf32, #tpu.memory_space<hbm>> -> memref<640x128xf32, #tpu.memory_space<hbm>>
          tpu.enqueue_dma source(%dma_start3A_36 : memref<640x128xf32, #tpu.memory_space<hbm>>) target(%dma_start3A_34 : memref<640x128xf32, #tpu.memory_space<vmem_shared>>) target_semaphore(%run_scoped3A : memref<!tpu.dma_semaphore, #tpu.memory_space<semaphore_mem>>)
          %dma_wait3A = arith.constant 0 : i32
          %dma_wait3A_37 = tpu.memref_slice %arg11[%mul3A_2, %dma_wait3A] : memref<10000x128xf32, #tpu.memory_space<vmem_shared>> -> memref<640x128xf32, #tpu.memory_space<vmem_shared>>
          %dma_wait3A_38 = arith.constant 0 : i32
          %dma_wait3A_39 = tpu.memref_slice %arg4[%mul3A_2, %dma_wait3A_38] : memref<10000x128xf32, #tpu.memory_space<hbm>> -> memref<640x128xf32, #tpu.memory_space<hbm>>
          tpu.wait_dma2 semaphore(%run_scoped3A : memref<!tpu.dma_semaphore, #tpu.memory_space<semaphore_mem>>) src(%dma_wait3A_39 : memref<640x128xf32, #tpu.memory_space<hbm>>) dst(%dma_wait3A_37 : memref<640x128xf32, #tpu.memory_space<vmem_shared>>)
          tpu.yield
        }) : () -> ()
      } else {
      }
    } else {
    }
    %barrier3A = arith.constant 0 : index
    tpu.barrier barrier_id(%barrier3A)
    %scan3A = arith.constant 0 : i32
    %scan3A_9 = arith.constant 0 : i32
    %scan3A_10 = arith.constant 4 : i32
    %scan3A_11 = arith.addi %scan3A_9, %scan3A_10 : i32
    %scan3A_12 = arith.constant 1 : i32
    scf.for %scan3A_25 = %scan3A_9 to %scan3A_11 step %scan3A_12  : i32 {
      "tpu.region"() ({
        %run_scoped3A = tpu.sem_alloc : memref<!tpu.dma_semaphore, #tpu.memory_space<semaphore_mem>>
        %dma_start3A_102 = arith.constant 0 : i32
        %dma_start3A_103 = arith.constant 0 : i32
        %dma_start3A_104 = tpu.memref_slice %arg5[%add3A, %scan3A_25, %dma_start3A_102, %dma_start3A_103] : memref<32x4x25x100xi32, #tpu.memory_space<hbm>> -> memref<1x1x25x100xi32, #tpu.memory_space<hbm>>
        %dma_start3A_105 = tpu.memref_squeeze %dma_start3A_104 : memref<1x1x25x100xi32, #tpu.memory_space<hbm>> -> memref<25x100xi32, #tpu.memory_space<hbm>>
        %dma_start3A_106 = arith.constant 0 : i32
        %dma_start3A_107 = arith.constant 0 : i32
        %dma_start3A_108 = tpu.memref_slice %arg5[%add3A, %scan3A_25, %dma_start3A_106, %dma_start3A_107] : memref<32x4x25x100xi32, #tpu.memory_space<hbm>> -> memref<1x1x25x100xi32, #tpu.memory_space<hbm>>
        %dma_start3A_109 = tpu.memref_squeeze %dma_start3A_108 : memref<1x1x25x100xi32, #tpu.memory_space<hbm>> -> memref<25x100xi32, #tpu.memory_space<hbm>>
        tpu.enqueue_dma source(%dma_start3A_109 : memref<25x100xi32, #tpu.memory_space<hbm>>) target(%arg8 : memref<25x100xi32, #tpu.memory_space<vmem>>) target_semaphore(%run_scoped3A : memref<!tpu.dma_semaphore, #tpu.memory_space<semaphore_mem>>)
        %dma_wait3A_110 = arith.constant 0 : i32
        %dma_wait3A_111 = arith.constant 0 : i32
        %dma_wait3A_112 = tpu.memref_slice %arg5[%add3A, %scan3A_25, %dma_wait3A_110, %dma_wait3A_111] : memref<32x4x25x100xi32, #tpu.memory_space<hbm>> -> memref<1x1x25x100xi32, #tpu.memory_space<hbm>>
        %dma_wait3A_113 = tpu.memref_squeeze %dma_wait3A_112 : memref<1x1x25x100xi32, #tpu.memory_space<hbm>> -> memref<25x100xi32, #tpu.memory_space<hbm>>
        %dma_wait3A_114 = arith.constant 0 : i32
        %dma_wait3A_115 = arith.constant 0 : i32
        %dma_wait3A_116 = tpu.memref_slice %arg5[%add3A, %scan3A_25, %dma_wait3A_114, %dma_wait3A_115] : memref<32x4x25x100xi32, #tpu.memory_space<hbm>> -> memref<1x1x25x100xi32, #tpu.memory_space<hbm>>
        %dma_wait3A_117 = tpu.memref_squeeze %dma_wait3A_116 : memref<1x1x25x100xi32, #tpu.memory_space<hbm>> -> memref<25x100xi32, #tpu.memory_space<hbm>>
        tpu.wait_dma2 semaphore(%run_scoped3A : memref<!tpu.dma_semaphore, #tpu.memory_space<semaphore_mem>>) src(%dma_wait3A_117 : memref<25x100xi32, #tpu.memory_space<hbm>>) dst(%arg8 : memref<25x100xi32, #tpu.memory_space<vmem>>)
        tpu.yield
      }) : () -> ()
      "tpu.region"() ({
        %run_scoped3A = tpu.sem_alloc : memref<!tpu.dma_semaphore, #tpu.memory_space<semaphore_mem>>
        %dma_start3A_102 = arith.constant 0 : i32
        %dma_start3A_103 = arith.constant 0 : i32
        %dma_start3A_104 = tpu.memref_slice %arg6[%add3A, %scan3A_25, %dma_start3A_102, %dma_start3A_103] : memref<32x4x25x100xi32, #tpu.memory_space<hbm>> -> memref<1x1x25x100xi32, #tpu.memory_space<hbm>>
        %dma_start3A_105 = tpu.memref_squeeze %dma_start3A_104 : memref<1x1x25x100xi32, #tpu.memory_space<hbm>> -> memref<25x100xi32, #tpu.memory_space<hbm>>
        %dma_start3A_106 = arith.constant 0 : i32
        %dma_start3A_107 = arith.constant 0 : i32
        %dma_start3A_108 = tpu.memref_slice %arg6[%add3A, %scan3A_25, %dma_start3A_106, %dma_start3A_107] : memref<32x4x25x100xi32, #tpu.memory_space<hbm>> -> memref<1x1x25x100xi32, #tpu.memory_space<hbm>>
        %dma_start3A_109 = tpu.memref_squeeze %dma_start3A_108 : memref<1x1x25x100xi32, #tpu.memory_space<hbm>> -> memref<25x100xi32, #tpu.memory_space<hbm>>
        tpu.enqueue_dma source(%dma_start3A_109 : memref<25x100xi32, #tpu.memory_space<hbm>>) target(%arg9 : memref<25x100xi32, #tpu.memory_space<vmem>>) target_semaphore(%run_scoped3A : memref<!tpu.dma_semaphore, #tpu.memory_space<semaphore_mem>>)
        %dma_wait3A_110 = arith.constant 0 : i32
        %dma_wait3A_111 = arith.constant 0 : i32
        %dma_wait3A_112 = tpu.memref_slice %arg6[%add3A, %scan3A_25, %dma_wait3A_110, %dma_wait3A_111] : memref<32x4x25x100xi32, #tpu.memory_space<hbm>> -> memref<1x1x25x100xi32, #tpu.memory_space<hbm>>
        %dma_wait3A_113 = tpu.memref_squeeze %dma_wait3A_112 : memref<1x1x25x100xi32, #tpu.memory_space<hbm>> -> memref<25x100xi32, #tpu.memory_space<hbm>>
        %dma_wait3A_114 = arith.constant 0 : i32
        %dma_wait3A_115 = arith.constant 0 : i32
        %dma_wait3A_116 = tpu.memref_slice %arg6[%add3A, %scan3A_25, %dma_wait3A_114, %dma_wait3A_115] : memref<32x4x25x100xi32, #tpu.memory_space<hbm>> -> memref<1x1x25x100xi32, #tpu.memory_space<hbm>>
        %dma_wait3A_117 = tpu.memref_squeeze %dma_wait3A_116 : memref<1x1x25x100xi32, #tpu.memory_space<hbm>> -> memref<25x100xi32, #tpu.memory_space<hbm>>
        tpu.wait_dma2 semaphore(%run_scoped3A : memref<!tpu.dma_semaphore, #tpu.memory_space<semaphore_mem>>) src(%dma_wait3A_117 : memref<25x100xi32, #tpu.memory_space<hbm>>) dst(%arg9 : memref<25x100xi32, #tpu.memory_space<vmem>>)
        tpu.yield
      }) : () -> ()
      %dma_start3A = arith.constant 0 : i32
      %dma_start3A_26 = arith.constant 0 : i32
      %dma_start3A_27 = arith.constant 0 : i32
      %dma_start3A_28 = arith.constant 0 : i32
      %dma_start3A_29 = tpu.memref_slice %arg10[%dma_start3A_26, %dma_start3A_27, %dma_start3A_28] : memref<3x100x128xf32, #tpu.memory_space<vmem>> -> memref<1x100x128xf32, #tpu.memory_space<vmem>>
      %dma_start3A_30 = tpu.memref_squeeze %dma_start3A_29 : memref<1x100x128xf32, #tpu.memory_space<vmem>> -> memref<100x128xf32, #tpu.memory_space<vmem>>
      %dma_start3A_31 = arith.constant 0 : i32
      %dma_start3A_32 = tpu.memref_slice %arg8[%dma_start3A, %dma_start3A_31] : memref<25x100xi32, #tpu.memory_space<vmem>> -> memref<1x100xi32, #tpu.memory_space<vmem>>
      %dma_start3A_33 = tpu.memref_squeeze %dma_start3A_32 : memref<1x100xi32, #tpu.memory_space<vmem>> -> memref<100xi32, #tpu.memory_space<vmem>>
      %dma_start3A_34 = arith.constant 0 : i32
      %dma_start3A_35 = arith.constant 0 : i32
      %dma_start3A_36 = tpu.memref_slice %arg2[%dma_start3A_34, %dma_start3A_35] : memref<10000x128xf32, #tpu.memory_space<hbm>> -> memref<10000x128xf32, #tpu.memory_space<hbm>>
      tpu.enqueue_indirect_dma source(%dma_start3A_36 : memref<10000x128xf32, #tpu.memory_space<hbm>>) target(%dma_start3A_30 : memref<100x128xf32, #tpu.memory_space<vmem>>) offsets(%dma_start3A_33 : memref<100xi32, #tpu.memory_space<vmem>>) semaphore(%arg12 : memref<!tpu.dma_semaphore, #tpu.memory_space<semaphore_mem>>)
      %dma_start3A_37 = arith.constant 1 : i32
      %dma_start3A_38 = arith.constant 1 : i32
      %dma_start3A_39 = arith.constant 0 : i32
      %dma_start3A_40 = arith.constant 0 : i32
      %dma_start3A_41 = tpu.memref_slice %arg10[%dma_start3A_38, %dma_start3A_39, %dma_start3A_40] : memref<3x100x128xf32, #tpu.memory_space<vmem>> -> memref<1x100x128xf32, #tpu.memory_space<vmem>>
      %dma_start3A_42 = tpu.memref_squeeze %dma_start3A_41 : memref<1x100x128xf32, #tpu.memory_space<vmem>> -> memref<100x128xf32, #tpu.memory_space<vmem>>
      %dma_start3A_43 = arith.constant 0 : i32
      %dma_start3A_44 = tpu.memref_slice %arg8[%dma_start3A_37, %dma_start3A_43] : memref<25x100xi32, #tpu.memory_space<vmem>> -> memref<1x100xi32, #tpu.memory_space<vmem>>
      %dma_start3A_45 = tpu.memref_squeeze %dma_start3A_44 : memref<1x100xi32, #tpu.memory_space<vmem>> -> memref<100xi32, #tpu.memory_space<vmem>>
      %dma_start3A_46 = arith.constant 0 : i32
      %dma_start3A_47 = arith.constant 0 : i32
      %dma_start3A_48 = tpu.memref_slice %arg2[%dma_start3A_46, %dma_start3A_47] : memref<10000x128xf32, #tpu.memory_space<hbm>> -> memref<10000x128xf32, #tpu.memory_space<hbm>>
      tpu.enqueue_indirect_dma source(%dma_start3A_48 : memref<10000x128xf32, #tpu.memory_space<hbm>>) target(%dma_start3A_42 : memref<100x128xf32, #tpu.memory_space<vmem>>) offsets(%dma_start3A_45 : memref<100xi32, #tpu.memory_space<vmem>>) semaphore(%arg13 : memref<!tpu.dma_semaphore, #tpu.memory_space<semaphore_mem>>)
      %dma_start3A_49 = arith.constant 2 : i32
      %dma_start3A_50 = arith.constant 2 : i32
      %dma_start3A_51 = arith.constant 0 : i32
      %dma_start3A_52 = arith.constant 0 : i32
      %dma_start3A_53 = tpu.memref_slice %arg10[%dma_start3A_50, %dma_start3A_51, %dma_start3A_52] : memref<3x100x128xf32, #tpu.memory_space<vmem>> -> memref<1x100x128xf32, #tpu.memory_space<vmem>>
      %dma_start3A_54 = tpu.memref_squeeze %dma_start3A_53 : memref<1x100x128xf32, #tpu.memory_space<vmem>> -> memref<100x128xf32, #tpu.memory_space<vmem>>
      %dma_start3A_55 = arith.constant 0 : i32
      %dma_start3A_56 = tpu.memref_slice %arg8[%dma_start3A_49, %dma_start3A_55] : memref<25x100xi32, #tpu.memory_space<vmem>> -> memref<1x100xi32, #tpu.memory_space<vmem>>
      %dma_start3A_57 = tpu.memref_squeeze %dma_start3A_56 : memref<1x100xi32, #tpu.memory_space<vmem>> -> memref<100xi32, #tpu.memory_space<vmem>>
      %dma_start3A_58 = arith.constant 0 : i32
      %dma_start3A_59 = arith.constant 0 : i32
      %dma_start3A_60 = tpu.memref_slice %arg2[%dma_start3A_58, %dma_start3A_59] : memref<10000x128xf32, #tpu.memory_space<hbm>> -> memref<10000x128xf32, #tpu.memory_space<hbm>>
      tpu.enqueue_indirect_dma source(%dma_start3A_60 : memref<10000x128xf32, #tpu.memory_space<hbm>>) target(%dma_start3A_54 : memref<100x128xf32, #tpu.memory_space<vmem>>) offsets(%dma_start3A_57 : memref<100xi32, #tpu.memory_space<vmem>>) semaphore(%arg14 : memref<!tpu.dma_semaphore, #tpu.memory_space<semaphore_mem>>)
      %scan3A_61 = arith.constant 0 : i32
      %scan3A_62 = arith.constant 0 : i32
      %scan3A_63 = arith.constant 8 : i32
      %scan3A_64 = arith.addi %scan3A_62, %scan3A_63 : i32
      %scan3A_65 = arith.constant 1 : i32
      scf.for %scan3A_102 = %scan3A_62 to %scan3A_64 step %scan3A_65  : i32 {
        %mul3A_103 = arith.constant 3 : i32
        %mul3A_104 = arith.muli %mul3A_103, %scan3A_102 : i32
        %add3A_105 = arith.constant 0 : i32
        %add3A_106 = arith.addi %mul3A_104, %add3A_105 : i32
        %dma_wait3A_107 = arith.constant 0 : i32
        %dma_wait3A_108 = arith.constant 0 : i32
        %dma_wait3A_109 = arith.constant 0 : i32
        %dma_wait3A_110 = tpu.memref_slice %arg10[%dma_wait3A_107, %dma_wait3A_108, %dma_wait3A_109] : memref<3x100x128xf32, #tpu.memory_space<vmem>> -> memref<1x100x128xf32, #tpu.memory_space<vmem>>
        %dma_wait3A_111 = tpu.memref_squeeze %dma_wait3A_110 : memref<1x100x128xf32, #tpu.memory_space<vmem>> -> memref<100x128xf32, #tpu.memory_space<vmem>>
        %dma_wait3A_112 = arith.constant 0 : i32
        %dma_wait3A_113 = tpu.memref_slice %arg8[%add3A_106, %dma_wait3A_112] : memref<25x100xi32, #tpu.memory_space<vmem>> -> memref<1x100xi32, #tpu.memory_space<vmem>>
        %dma_wait3A_114 = tpu.memref_squeeze %dma_wait3A_113 : memref<1x100xi32, #tpu.memory_space<vmem>> -> memref<100xi32, #tpu.memory_space<vmem>>
        %dma_wait3A_115 = arith.constant 0 : i32
        %dma_wait3A_116 = arith.constant 0 : i32
        %dma_wait3A_117 = tpu.memref_slice %arg2[%dma_wait3A_115, %dma_wait3A_116] : memref<10000x128xf32, #tpu.memory_space<hbm>> -> memref<10000x128xf32, #tpu.memory_space<hbm>>
        tpu.wait_indirect_dma semaphore(%arg12 : memref<!tpu.dma_semaphore, #tpu.memory_space<semaphore_mem>>) src(%dma_wait3A_117 : memref<10000x128xf32, #tpu.memory_space<hbm>>) dst(%dma_wait3A_111 : memref<100x128xf32, #tpu.memory_space<vmem>>)
        %add3A_118 = arith.constant 0 : i32
        %add3A_119 = arith.addi %mul3A_104, %add3A_118 : i32
        %dma_start3A_120 = arith.constant 0 : i32
        %dma_start3A_121 = arith.constant 0 : i32
        %dma_start3A_122 = arith.constant 0 : i32
        %dma_start3A_123 = tpu.memref_slice %arg10[%dma_start3A_120, %dma_start3A_121, %dma_start3A_122] : memref<3x100x128xf32, #tpu.memory_space<vmem>> -> memref<1x100x128xf32, #tpu.memory_space<vmem>>
        %dma_start3A_124 = tpu.memref_squeeze %dma_start3A_123 : memref<1x100x128xf32, #tpu.memory_space<vmem>> -> memref<100x128xf32, #tpu.memory_space<vmem>>
        %dma_start3A_125 = arith.constant 0 : i32
        %dma_start3A_126 = tpu.memref_slice %arg9[%add3A_119, %dma_start3A_125] : memref<25x100xi32, #tpu.memory_space<vmem>> -> memref<1x100xi32, #tpu.memory_space<vmem>>
        %dma_start3A_127 = tpu.memref_squeeze %dma_start3A_126 : memref<1x100xi32, #tpu.memory_space<vmem>> -> memref<100xi32, #tpu.memory_space<vmem>>
        %dma_start3A_128 = arith.constant 0 : i32
        %dma_start3A_129 = arith.constant 0 : i32
        %dma_start3A_130 = tpu.memref_slice %arg11[%dma_start3A_128, %dma_start3A_129] : memref<10000x128xf32, #tpu.memory_space<vmem_shared>> -> memref<10000x128xf32, #tpu.memory_space<vmem_shared>>
        tpu.enqueue_indirect_dma source(%dma_start3A_124 : memref<100x128xf32, #tpu.memory_space<vmem>>) target(%dma_start3A_130 : memref<10000x128xf32, #tpu.memory_space<vmem_shared>>) offsets(%dma_start3A_127 : memref<100xi32, #tpu.memory_space<vmem>>) semaphore(%arg15 : memref<!tpu.dma_semaphore, #tpu.memory_space<semaphore_mem>>) {add = true}
        %add3A_131 = arith.constant 1 : i32
        %add3A_132 = arith.addi %mul3A_104, %add3A_131 : i32
        %dma_wait3A_133 = arith.constant 1 : i32
        %dma_wait3A_134 = arith.constant 0 : i32
        %dma_wait3A_135 = arith.constant 0 : i32
        %dma_wait3A_136 = tpu.memref_slice %arg10[%dma_wait3A_133, %dma_wait3A_134, %dma_wait3A_135] : memref<3x100x128xf32, #tpu.memory_space<vmem>> -> memref<1x100x128xf32, #tpu.memory_space<vmem>>
        %dma_wait3A_137 = tpu.memref_squeeze %dma_wait3A_136 : memref<1x100x128xf32, #tpu.memory_space<vmem>> -> memref<100x128xf32, #tpu.memory_space<vmem>>
        %dma_wait3A_138 = arith.constant 0 : i32
        %dma_wait3A_139 = tpu.memref_slice %arg8[%add3A_132, %dma_wait3A_138] : memref<25x100xi32, #tpu.memory_space<vmem>> -> memref<1x100xi32, #tpu.memory_space<vmem>>
        %dma_wait3A_140 = tpu.memref_squeeze %dma_wait3A_139 : memref<1x100xi32, #tpu.memory_space<vmem>> -> memref<100xi32, #tpu.memory_space<vmem>>
        %dma_wait3A_141 = arith.constant 0 : i32
        %dma_wait3A_142 = arith.constant 0 : i32
        %dma_wait3A_143 = tpu.memref_slice %arg2[%dma_wait3A_141, %dma_wait3A_142] : memref<10000x128xf32, #tpu.memory_space<hbm>> -> memref<10000x128xf32, #tpu.memory_space<hbm>>
        tpu.wait_indirect_dma semaphore(%arg13 : memref<!tpu.dma_semaphore, #tpu.memory_space<semaphore_mem>>) src(%dma_wait3A_143 : memref<10000x128xf32, #tpu.memory_space<hbm>>) dst(%dma_wait3A_137 : memref<100x128xf32, #tpu.memory_space<vmem>>)
        %add3A_144 = arith.constant 1 : i32
        %add3A_145 = arith.addi %mul3A_104, %add3A_144 : i32
        %dma_start3A_146 = arith.constant 1 : i32
        %dma_start3A_147 = arith.constant 0 : i32
        %dma_start3A_148 = arith.constant 0 : i32
        %dma_start3A_149 = tpu.memref_slice %arg10[%dma_start3A_146, %dma_start3A_147, %dma_start3A_148] : memref<3x100x128xf32, #tpu.memory_space<vmem>> -> memref<1x100x128xf32, #tpu.memory_space<vmem>>
        %dma_start3A_150 = tpu.memref_squeeze %dma_start3A_149 : memref<1x100x128xf32, #tpu.memory_space<vmem>> -> memref<100x128xf32, #tpu.memory_space<vmem>>
        %dma_start3A_151 = arith.constant 0 : i32
        %dma_start3A_152 = tpu.memref_slice %arg9[%add3A_145, %dma_start3A_151] : memref<25x100xi32, #tpu.memory_space<vmem>> -> memref<1x100xi32, #tpu.memory_space<vmem>>
        %dma_start3A_153 = tpu.memref_squeeze %dma_start3A_152 : memref<1x100xi32, #tpu.memory_space<vmem>> -> memref<100xi32, #tpu.memory_space<vmem>>
        %dma_start3A_154 = arith.constant 0 : i32
        %dma_start3A_155 = arith.constant 0 : i32
        %dma_start3A_156 = tpu.memref_slice %arg11[%dma_start3A_154, %dma_start3A_155] : memref<10000x128xf32, #tpu.memory_space<vmem_shared>> -> memref<10000x128xf32, #tpu.memory_space<vmem_shared>>
        tpu.enqueue_indirect_dma source(%dma_start3A_150 : memref<100x128xf32, #tpu.memory_space<vmem>>) target(%dma_start3A_156 : memref<10000x128xf32, #tpu.memory_space<vmem_shared>>) offsets(%dma_start3A_153 : memref<100xi32, #tpu.memory_space<vmem>>) semaphore(%arg16 : memref<!tpu.dma_semaphore, #tpu.memory_space<semaphore_mem>>) {add = true}
        %add3A_157 = arith.constant 2 : i32
        %add3A_158 = arith.addi %mul3A_104, %add3A_157 : i32
        %dma_wait3A_159 = arith.constant 2 : i32
        %dma_wait3A_160 = arith.constant 0 : i32
        %dma_wait3A_161 = arith.constant 0 : i32
        %dma_wait3A_162 = tpu.memref_slice %arg10[%dma_wait3A_159, %dma_wait3A_160, %dma_wait3A_161] : memref<3x100x128xf32, #tpu.memory_space<vmem>> -> memref<1x100x128xf32, #tpu.memory_space<vmem>>
        %dma_wait3A_163 = tpu.memref_squeeze %dma_wait3A_162 : memref<1x100x128xf32, #tpu.memory_space<vmem>> -> memref<100x128xf32, #tpu.memory_space<vmem>>
        %dma_wait3A_164 = arith.constant 0 : i32
        %dma_wait3A_165 = tpu.memref_slice %arg8[%add3A_158, %dma_wait3A_164] : memref<25x100xi32, #tpu.memory_space<vmem>> -> memref<1x100xi32, #tpu.memory_space<vmem>>
        %dma_wait3A_166 = tpu.memref_squeeze %dma_wait3A_165 : memref<1x100xi32, #tpu.memory_space<vmem>> -> memref<100xi32, #tpu.memory_space<vmem>>
        %dma_wait3A_167 = arith.constant 0 : i32
        %dma_wait3A_168 = arith.constant 0 : i32
        %dma_wait3A_169 = tpu.memref_slice %arg2[%dma_wait3A_167, %dma_wait3A_168] : memref<10000x128xf32, #tpu.memory_space<hbm>> -> memref<10000x128xf32, #tpu.memory_space<hbm>>
        tpu.wait_indirect_dma semaphore(%arg14 : memref<!tpu.dma_semaphore, #tpu.memory_space<semaphore_mem>>) src(%dma_wait3A_169 : memref<10000x128xf32, #tpu.memory_space<hbm>>) dst(%dma_wait3A_163 : memref<100x128xf32, #tpu.memory_space<vmem>>)
        %add3A_170 = arith.constant 2 : i32
        %add3A_171 = arith.addi %mul3A_104, %add3A_170 : i32
        %dma_start3A_172 = arith.constant 2 : i32
        %dma_start3A_173 = arith.constant 0 : i32
        %dma_start3A_174 = arith.constant 0 : i32
        %dma_start3A_175 = tpu.memref_slice %arg10[%dma_start3A_172, %dma_start3A_173, %dma_start3A_174] : memref<3x100x128xf32, #tpu.memory_space<vmem>> -> memref<1x100x128xf32, #tpu.memory_space<vmem>>
        %dma_start3A_176 = tpu.memref_squeeze %dma_start3A_175 : memref<1x100x128xf32, #tpu.memory_space<vmem>> -> memref<100x128xf32, #tpu.memory_space<vmem>>
        %dma_start3A_177 = arith.constant 0 : i32
        %dma_start3A_178 = tpu.memref_slice %arg9[%add3A_171, %dma_start3A_177] : memref<25x100xi32, #tpu.memory_space<vmem>> -> memref<1x100xi32, #tpu.memory_space<vmem>>
        %dma_start3A_179 = tpu.memref_squeeze %dma_start3A_178 : memref<1x100xi32, #tpu.memory_space<vmem>> -> memref<100xi32, #tpu.memory_space<vmem>>
        %dma_start3A_180 = arith.constant 0 : i32
        %dma_start3A_181 = arith.constant 0 : i32
        %dma_start3A_182 = tpu.memref_slice %arg11[%dma_start3A_180, %dma_start3A_181] : memref<10000x128xf32, #tpu.memory_space<vmem_shared>> -> memref<10000x128xf32, #tpu.memory_space<vmem_shared>>
        tpu.enqueue_indirect_dma source(%dma_start3A_176 : memref<100x128xf32, #tpu.memory_space<vmem>>) target(%dma_start3A_182 : memref<10000x128xf32, #tpu.memory_space<vmem_shared>>) offsets(%dma_start3A_179 : memref<100xi32, #tpu.memory_space<vmem>>) semaphore(%arg17 : memref<!tpu.dma_semaphore, #tpu.memory_space<semaphore_mem>>) {add = true}
        %add3A_183 = arith.constant 0 : i32
        %add3A_184 = arith.addi %mul3A_104, %add3A_183 : i32
        %dma_wait3A_185 = arith.constant 0 : i32
        %dma_wait3A_186 = arith.constant 0 : i32
        %dma_wait3A_187 = arith.constant 0 : i32
        %dma_wait3A_188 = tpu.memref_slice %arg10[%dma_wait3A_185, %dma_wait3A_186, %dma_wait3A_187] : memref<3x100x128xf32, #tpu.memory_space<vmem>> -> memref<1x100x128xf32, #tpu.memory_space<vmem>>
        %dma_wait3A_189 = tpu.memref_squeeze %dma_wait3A_188 : memref<1x100x128xf32, #tpu.memory_space<vmem>> -> memref<100x128xf32, #tpu.memory_space<vmem>>
        %dma_wait3A_190 = arith.constant 0 : i32
        %dma_wait3A_191 = tpu.memref_slice %arg9[%add3A_184, %dma_wait3A_190] : memref<25x100xi32, #tpu.memory_space<vmem>> -> memref<1x100xi32, #tpu.memory_space<vmem>>
        %dma_wait3A_192 = tpu.memref_squeeze %dma_wait3A_191 : memref<1x100xi32, #tpu.memory_space<vmem>> -> memref<100xi32, #tpu.memory_space<vmem>>
        %dma_wait3A_193 = arith.constant 0 : i32
        %dma_wait3A_194 = arith.constant 0 : i32
        %dma_wait3A_195 = tpu.memref_slice %arg11[%dma_wait3A_193, %dma_wait3A_194] : memref<10000x128xf32, #tpu.memory_space<vmem_shared>> -> memref<10000x128xf32, #tpu.memory_space<vmem_shared>>
        tpu.wait_indirect_dma semaphore(%arg15 : memref<!tpu.dma_semaphore, #tpu.memory_space<semaphore_mem>>) src(%dma_wait3A_189 : memref<100x128xf32, #tpu.memory_space<vmem>>) dst(%dma_wait3A_195 : memref<10000x128xf32, #tpu.memory_space<vmem_shared>>)
        %add3A_196 = arith.constant 0 : i32
        %add3A_197 = arith.addi %mul3A_104, %add3A_196 : i32
        %add3A_198 = arith.constant 3 : i32
        %add3A_199 = arith.addi %add3A_197, %add3A_198 : i32
        %lt3A_200 = arith.constant 25 : i32
        %lt3A_201 = arith.cmpi slt, %add3A_199, %lt3A_200 : i32
        %convert_element_type3A_202 = arith.extui %lt3A_201 : i1 to i32
        %cond3A_203 = arith.constant 0 : i32
        %cond3A_204 = arith.cmpi ne, %convert_element_type3A_202, %cond3A_203 : i32
        scf.if %cond3A_204 {
          %add3A_249 = arith.constant 0 : i32
          %add3A_250 = arith.addi %mul3A_104, %add3A_249 : i32
          %add3A_251 = arith.constant 3 : i32
          %add3A_252 = arith.addi %add3A_250, %add3A_251 : i32
          %dma_start3A_253 = arith.constant 0 : i32
          %dma_start3A_254 = arith.constant 0 : i32
          %dma_start3A_255 = arith.constant 0 : i32
          %dma_start3A_256 = tpu.memref_slice %arg10[%dma_start3A_253, %dma_start3A_254, %dma_start3A_255] : memref<3x100x128xf32, #tpu.memory_space<vmem>> -> memref<1x100x128xf32, #tpu.memory_space<vmem>>
          %dma_start3A_257 = tpu.memref_squeeze %dma_start3A_256 : memref<1x100x128xf32, #tpu.memory_space<vmem>> -> memref<100x128xf32, #tpu.memory_space<vmem>>
          %dma_start3A_258 = arith.constant 0 : i32
          %dma_start3A_259 = tpu.memref_slice %arg8[%add3A_252, %dma_start3A_258] : memref<25x100xi32, #tpu.memory_space<vmem>> -> memref<1x100xi32, #tpu.memory_space<vmem>>
          %dma_start3A_260 = tpu.memref_squeeze %dma_start3A_259 : memref<1x100xi32, #tpu.memory_space<vmem>> -> memref<100xi32, #tpu.memory_space<vmem>>
          %dma_start3A_261 = arith.constant 0 : i32
          %dma_start3A_262 = arith.constant 0 : i32
          %dma_start3A_263 = tpu.memref_slice %arg2[%dma_start3A_261, %dma_start3A_262] : memref<10000x128xf32, #tpu.memory_space<hbm>> -> memref<10000x128xf32, #tpu.memory_space<hbm>>
          tpu.enqueue_indirect_dma source(%dma_start3A_263 : memref<10000x128xf32, #tpu.memory_space<hbm>>) target(%dma_start3A_257 : memref<100x128xf32, #tpu.memory_space<vmem>>) offsets(%dma_start3A_260 : memref<100xi32, #tpu.memory_space<vmem>>) semaphore(%arg12 : memref<!tpu.dma_semaphore, #tpu.memory_space<semaphore_mem>>)
        } else {
        }
        %add3A_205 = arith.constant 1 : i32
        %add3A_206 = arith.addi %mul3A_104, %add3A_205 : i32
        %dma_wait3A_207 = arith.constant 1 : i32
        %dma_wait3A_208 = arith.constant 0 : i32
        %dma_wait3A_209 = arith.constant 0 : i32
        %dma_wait3A_210 = tpu.memref_slice %arg10[%dma_wait3A_207, %dma_wait3A_208, %dma_wait3A_209] : memref<3x100x128xf32, #tpu.memory_space<vmem>> -> memref<1x100x128xf32, #tpu.memory_space<vmem>>
        %dma_wait3A_211 = tpu.memref_squeeze %dma_wait3A_210 : memref<1x100x128xf32, #tpu.memory_space<vmem>> -> memref<100x128xf32, #tpu.memory_space<vmem>>
        %dma_wait3A_212 = arith.constant 0 : i32
        %dma_wait3A_213 = tpu.memref_slice %arg9[%add3A_206, %dma_wait3A_212] : memref<25x100xi32, #tpu.memory_space<vmem>> -> memref<1x100xi32, #tpu.memory_space<vmem>>
        %dma_wait3A_214 = tpu.memref_squeeze %dma_wait3A_213 : memref<1x100xi32, #tpu.memory_space<vmem>> -> memref<100xi32, #tpu.memory_space<vmem>>
        %dma_wait3A_215 = arith.constant 0 : i32
        %dma_wait3A_216 = arith.constant 0 : i32
        %dma_wait3A_217 = tpu.memref_slice %arg11[%dma_wait3A_215, %dma_wait3A_216] : memref<10000x128xf32, #tpu.memory_space<vmem_shared>> -> memref<10000x128xf32, #tpu.memory_space<vmem_shared>>
        tpu.wait_indirect_dma semaphore(%arg16 : memref<!tpu.dma_semaphore, #tpu.memory_space<semaphore_mem>>) src(%dma_wait3A_211 : memref<100x128xf32, #tpu.memory_space<vmem>>) dst(%dma_wait3A_217 : memref<10000x128xf32, #tpu.memory_space<vmem_shared>>)
        %add3A_218 = arith.constant 1 : i32
        %add3A_219 = arith.addi %mul3A_104, %add3A_218 : i32
        %add3A_220 = arith.constant 3 : i32
        %add3A_221 = arith.addi %add3A_219, %add3A_220 : i32
        %lt3A_222 = arith.constant 25 : i32
        %lt3A_223 = arith.cmpi slt, %add3A_221, %lt3A_222 : i32
        %convert_element_type3A_224 = arith.extui %lt3A_223 : i1 to i32
        %cond3A_225 = arith.constant 0 : i32
        %cond3A_226 = arith.cmpi ne, %convert_element_type3A_224, %cond3A_225 : i32
        scf.if %cond3A_226 {
          %add3A_249 = arith.constant 1 : i32
          %add3A_250 = arith.addi %mul3A_104, %add3A_249 : i32
          %add3A_251 = arith.constant 3 : i32
          %add3A_252 = arith.addi %add3A_250, %add3A_251 : i32
          %dma_start3A_253 = arith.constant 1 : i32
          %dma_start3A_254 = arith.constant 0 : i32
          %dma_start3A_255 = arith.constant 0 : i32
          %dma_start3A_256 = tpu.memref_slice %arg10[%dma_start3A_253, %dma_start3A_254, %dma_start3A_255] : memref<3x100x128xf32, #tpu.memory_space<vmem>> -> memref<1x100x128xf32, #tpu.memory_space<vmem>>
          %dma_start3A_257 = tpu.memref_squeeze %dma_start3A_256 : memref<1x100x128xf32, #tpu.memory_space<vmem>> -> memref<100x128xf32, #tpu.memory_space<vmem>>
          %dma_start3A_258 = arith.constant 0 : i32
          %dma_start3A_259 = tpu.memref_slice %arg8[%add3A_252, %dma_start3A_258] : memref<25x100xi32, #tpu.memory_space<vmem>> -> memref<1x100xi32, #tpu.memory_space<vmem>>
          %dma_start3A_260 = tpu.memref_squeeze %dma_start3A_259 : memref<1x100xi32, #tpu.memory_space<vmem>> -> memref<100xi32, #tpu.memory_space<vmem>>
          %dma_start3A_261 = arith.constant 0 : i32
          %dma_start3A_262 = arith.constant 0 : i32
          %dma_start3A_263 = tpu.memref_slice %arg2[%dma_start3A_261, %dma_start3A_262] : memref<10000x128xf32, #tpu.memory_space<hbm>> -> memref<10000x128xf32, #tpu.memory_space<hbm>>
          tpu.enqueue_indirect_dma source(%dma_start3A_263 : memref<10000x128xf32, #tpu.memory_space<hbm>>) target(%dma_start3A_257 : memref<100x128xf32, #tpu.memory_space<vmem>>) offsets(%dma_start3A_260 : memref<100xi32, #tpu.memory_space<vmem>>) semaphore(%arg13 : memref<!tpu.dma_semaphore, #tpu.memory_space<semaphore_mem>>)
        } else {
        }
        %add3A_227 = arith.constant 2 : i32
        %add3A_228 = arith.addi %mul3A_104, %add3A_227 : i32
        %dma_wait3A_229 = arith.constant 2 : i32
        %dma_wait3A_230 = arith.constant 0 : i32
        %dma_wait3A_231 = arith.constant 0 : i32
        %dma_wait3A_232 = tpu.memref_slice %arg10[%dma_wait3A_229, %dma_wait3A_230, %dma_wait3A_231] : memref<3x100x128xf32, #tpu.memory_space<vmem>> -> memref<1x100x128xf32, #tpu.memory_space<vmem>>
        %dma_wait3A_233 = tpu.memref_squeeze %dma_wait3A_232 : memref<1x100x128xf32, #tpu.memory_space<vmem>> -> memref<100x128xf32, #tpu.memory_space<vmem>>
        %dma_wait3A_234 = arith.constant 0 : i32
        %dma_wait3A_235 = tpu.memref_slice %arg9[%add3A_228, %dma_wait3A_234] : memref<25x100xi32, #tpu.memory_space<vmem>> -> memref<1x100xi32, #tpu.memory_space<vmem>>
        %dma_wait3A_236 = tpu.memref_squeeze %dma_wait3A_235 : memref<1x100xi32, #tpu.memory_space<vmem>> -> memref<100xi32, #tpu.memory_space<vmem>>
        %dma_wait3A_237 = arith.constant 0 : i32
        %dma_wait3A_238 = arith.constant 0 : i32
        %dma_wait3A_239 = tpu.memref_slice %arg11[%dma_wait3A_237, %dma_wait3A_238] : memref<10000x128xf32, #tpu.memory_space<vmem_shared>> -> memref<10000x128xf32, #tpu.memory_space<vmem_shared>>
        tpu.wait_indirect_dma semaphore(%arg17 : memref<!tpu.dma_semaphore, #tpu.memory_space<semaphore_mem>>) src(%dma_wait3A_233 : memref<100x128xf32, #tpu.memory_space<vmem>>) dst(%dma_wait3A_239 : memref<10000x128xf32, #tpu.memory_space<vmem_shared>>)
        %add3A_240 = arith.constant 2 : i32
        %add3A_241 = arith.addi %mul3A_104, %add3A_240 : i32
        %add3A_242 = arith.constant 3 : i32
        %add3A_243 = arith.addi %add3A_241, %add3A_242 : i32
        %lt3A_244 = arith.constant 25 : i32
        %lt3A_245 = arith.cmpi slt, %add3A_243, %lt3A_244 : i32
        %convert_element_type3A_246 = arith.extui %lt3A_245 : i1 to i32
        %cond3A_247 = arith.constant 0 : i32
        %cond3A_248 = arith.cmpi ne, %convert_element_type3A_246, %cond3A_247 : i32
        scf.if %cond3A_248 {
          %add3A_249 = arith.constant 2 : i32
          %add3A_250 = arith.addi %mul3A_104, %add3A_249 : i32
          %add3A_251 = arith.constant 3 : i32
          %add3A_252 = arith.addi %add3A_250, %add3A_251 : i32
          %dma_start3A_253 = arith.constant 2 : i32
          %dma_start3A_254 = arith.constant 0 : i32
          %dma_start3A_255 = arith.constant 0 : i32
          %dma_start3A_256 = tpu.memref_slice %arg10[%dma_start3A_253, %dma_start3A_254, %dma_start3A_255] : memref<3x100x128xf32, #tpu.memory_space<vmem>> -> memref<1x100x128xf32, #tpu.memory_space<vmem>>
          %dma_start3A_257 = tpu.memref_squeeze %dma_start3A_256 : memref<1x100x128xf32, #tpu.memory_space<vmem>> -> memref<100x128xf32, #tpu.memory_space<vmem>>
          %dma_start3A_258 = arith.constant 0 : i32
          %dma_start3A_259 = tpu.memref_slice %arg8[%add3A_252, %dma_start3A_258] : memref<25x100xi32, #tpu.memory_space<vmem>> -> memref<1x100xi32, #tpu.memory_space<vmem>>
          %dma_start3A_260 = tpu.memref_squeeze %dma_start3A_259 : memref<1x100xi32, #tpu.memory_space<vmem>> -> memref<100xi32, #tpu.memory_space<vmem>>
          %dma_start3A_261 = arith.constant 0 : i32
          %dma_start3A_262 = arith.constant 0 : i32
          %dma_start3A_263 = tpu.memref_slice %arg2[%dma_start3A_261, %dma_start3A_262] : memref<10000x128xf32, #tpu.memory_space<hbm>> -> memref<10000x128xf32, #tpu.memory_space<hbm>>
          tpu.enqueue_indirect_dma source(%dma_start3A_263 : memref<10000x128xf32, #tpu.memory_space<hbm>>) target(%dma_start3A_257 : memref<100x128xf32, #tpu.memory_space<vmem>>) offsets(%dma_start3A_260 : memref<100xi32, #tpu.memory_space<vmem>>) semaphore(%arg14 : memref<!tpu.dma_semaphore, #tpu.memory_space<semaphore_mem>>)
        } else {
        }
      }
      %scan3A_66 = arith.constant 8 : i32
      %dma_wait3A = arith.constant 24 : i32
      %dma_wait3A_67 = arith.constant 0 : i32
      %dma_wait3A_68 = arith.constant 0 : i32
      %dma_wait3A_69 = arith.constant 0 : i32
      %dma_wait3A_70 = tpu.memref_slice %arg10[%dma_wait3A_67, %dma_wait3A_68, %dma_wait3A_69] : memref<3x100x128xf32, #tpu.memory_space<vmem>> -> memref<1x100x128xf32, #tpu.memory_space<vmem>>
      %dma_wait3A_71 = tpu.memref_squeeze %dma_wait3A_70 : memref<1x100x128xf32, #tpu.memory_space<vmem>> -> memref<100x128xf32, #tpu.memory_space<vmem>>
      %dma_wait3A_72 = arith.constant 0 : i32
      %dma_wait3A_73 = tpu.memref_slice %arg8[%dma_wait3A, %dma_wait3A_72] : memref<25x100xi32, #tpu.memory_space<vmem>> -> memref<1x100xi32, #tpu.memory_space<vmem>>
      %dma_wait3A_74 = tpu.memref_squeeze %dma_wait3A_73 : memref<1x100xi32, #tpu.memory_space<vmem>> -> memref<100xi32, #tpu.memory_space<vmem>>
      %dma_wait3A_75 = arith.constant 0 : i32
      %dma_wait3A_76 = arith.constant 0 : i32
      %dma_wait3A_77 = tpu.memref_slice %arg2[%dma_wait3A_75, %dma_wait3A_76] : memref<10000x128xf32, #tpu.memory_space<hbm>> -> memref<10000x128xf32, #tpu.memory_space<hbm>>
      tpu.wait_indirect_dma semaphore(%arg12 : memref<!tpu.dma_semaphore, #tpu.memory_space<semaphore_mem>>) src(%dma_wait3A_77 : memref<10000x128xf32, #tpu.memory_space<hbm>>) dst(%dma_wait3A_71 : memref<100x128xf32, #tpu.memory_space<vmem>>)
      %dma_start3A_78 = arith.constant 0 : i32
      %dma_start3A_79 = arith.constant 24 : i32
      %dma_start3A_80 = arith.constant 0 : i32
      %dma_start3A_81 = arith.constant 0 : i32
      %dma_start3A_82 = tpu.memref_slice %arg10[%dma_start3A_78, %dma_start3A_80, %dma_start3A_81] : memref<3x100x128xf32, #tpu.memory_space<vmem>> -> memref<1x100x128xf32, #tpu.memory_space<vmem>>
      %dma_start3A_83 = tpu.memref_squeeze %dma_start3A_82 : memref<1x100x128xf32, #tpu.memory_space<vmem>> -> memref<100x128xf32, #tpu.memory_space<vmem>>
      %dma_start3A_84 = arith.constant 0 : i32
      %dma_start3A_85 = tpu.memref_slice %arg9[%dma_start3A_79, %dma_start3A_84] : memref<25x100xi32, #tpu.memory_space<vmem>> -> memref<1x100xi32, #tpu.memory_space<vmem>>
      %dma_start3A_86 = tpu.memref_squeeze %dma_start3A_85 : memref<1x100xi32, #tpu.memory_space<vmem>> -> memref<100xi32, #tpu.memory_space<vmem>>
      %dma_start3A_87 = arith.constant 0 : i32
      %dma_start3A_88 = arith.constant 0 : i32
      %dma_start3A_89 = tpu.memref_slice %arg11[%dma_start3A_87, %dma_start3A_88] : memref<10000x128xf32, #tpu.memory_space<vmem_shared>> -> memref<10000x128xf32, #tpu.memory_space<vmem_shared>>
      tpu.enqueue_indirect_dma source(%dma_start3A_83 : memref<100x128xf32, #tpu.memory_space<vmem>>) target(%dma_start3A_89 : memref<10000x128xf32, #tpu.memory_space<vmem_shared>>) offsets(%dma_start3A_86 : memref<100xi32, #tpu.memory_space<vmem>>) semaphore(%arg15 : memref<!tpu.dma_semaphore, #tpu.memory_space<semaphore_mem>>) {add = true}
      %dma_wait3A_90 = arith.constant 0 : i32
      %dma_wait3A_91 = arith.constant 24 : i32
      %dma_wait3A_92 = arith.constant 0 : i32
      %dma_wait3A_93 = arith.constant 0 : i32
      %dma_wait3A_94 = tpu.memref_slice %arg10[%dma_wait3A_90, %dma_wait3A_92, %dma_wait3A_93] : memref<3x100x128xf32, #tpu.memory_space<vmem>> -> memref<1x100x128xf32, #tpu.memory_space<vmem>>
      %dma_wait3A_95 = tpu.memref_squeeze %dma_wait3A_94 : memref<1x100x128xf32, #tpu.memory_space<vmem>> -> memref<100x128xf32, #tpu.memory_space<vmem>>
      %dma_wait3A_96 = arith.constant 0 : i32
      %dma_wait3A_97 = tpu.memref_slice %arg9[%dma_wait3A_91, %dma_wait3A_96] : memref<25x100xi32, #tpu.memory_space<vmem>> -> memref<1x100xi32, #tpu.memory_space<vmem>>
      %dma_wait3A_98 = tpu.memref_squeeze %dma_wait3A_97 : memref<1x100xi32, #tpu.memory_space<vmem>> -> memref<100xi32, #tpu.memory_space<vmem>>
      %dma_wait3A_99 = arith.constant 0 : i32
      %dma_wait3A_100 = arith.constant 0 : i32
      %dma_wait3A_101 = tpu.memref_slice %arg11[%dma_wait3A_99, %dma_wait3A_100] : memref<10000x128xf32, #tpu.memory_space<vmem_shared>> -> memref<10000x128xf32, #tpu.memory_space<vmem_shared>>
      tpu.wait_indirect_dma semaphore(%arg15 : memref<!tpu.dma_semaphore, #tpu.memory_space<semaphore_mem>>) src(%dma_wait3A_95 : memref<100x128xf32, #tpu.memory_space<vmem>>) dst(%dma_wait3A_101 : memref<10000x128xf32, #tpu.memory_space<vmem_shared>>)
    }
    %scan3A_13 = arith.constant 4 : i32
    %barrier3A_14 = arith.constant 0 : index
    tpu.barrier barrier_id(%barrier3A_14)
    %lt3A_15 = arith.constant 15 : i32
    %lt3A_16 = arith.cmpi slt, %arg1, %lt3A_15 : i32
    %convert_element_type3A_17 = arith.extui %lt3A_16 : i1 to i32
    %cond3A_18 = arith.constant 0 : i32
    %cond3A_19 = arith.cmpi ne, %convert_element_type3A_17, %cond3A_18 : i32
    scf.if %cond3A_19 {
      "tpu.region"() ({
        %run_scoped3A = tpu.sem_alloc : memref<!tpu.dma_semaphore, #tpu.memory_space<semaphore_mem>>
        %dma_start3A = arith.constant 0 : i32
        %dma_start3A_25 = tpu.memref_slice %arg7[%arg0, %mul3A_2, %dma_start3A] : memref<2x10000x128xf32, #tpu.memory_space<hbm>> -> memref<1x624x128xf32, #tpu.memory_space<hbm>>
        %dma_start3A_26 = tpu.memref_squeeze %dma_start3A_25 : memref<1x624x128xf32, #tpu.memory_space<hbm>> -> memref<624x128xf32, #tpu.memory_space<hbm>>
        %dma_start3A_27 = arith.constant 0 : i32
        %dma_start3A_28 = tpu.memref_slice %arg11[%mul3A_2, %dma_start3A_27] : memref<10000x128xf32, #tpu.memory_space<vmem_shared>> -> memref<624x128xf32, #tpu.memory_space<vmem_shared>>
        tpu.enqueue_dma source(%dma_start3A_28 : memref<624x128xf32, #tpu.memory_space<vmem_shared>>) target(%dma_start3A_26 : memref<624x128xf32, #tpu.memory_space<hbm>>) target_semaphore(%run_scoped3A : memref<!tpu.dma_semaphore, #tpu.memory_space<semaphore_mem>>)
        %dma_wait3A = arith.constant 0 : i32
        %dma_wait3A_29 = tpu.memref_slice %arg7[%arg0, %mul3A_2, %dma_wait3A] : memref<2x10000x128xf32, #tpu.memory_space<hbm>> -> memref<1x624x128xf32, #tpu.memory_space<hbm>>
        %dma_wait3A_30 = tpu.memref_squeeze %dma_wait3A_29 : memref<1x624x128xf32, #tpu.memory_space<hbm>> -> memref<624x128xf32, #tpu.memory_space<hbm>>
        %dma_wait3A_31 = arith.constant 0 : i32
        %dma_wait3A_32 = tpu.memref_slice %arg11[%mul3A_2, %dma_wait3A_31] : memref<10000x128xf32, #tpu.memory_space<vmem_shared>> -> memref<624x128xf32, #tpu.memory_space<vmem_shared>>
        tpu.wait_dma2 semaphore(%run_scoped3A : memref<!tpu.dma_semaphore, #tpu.memory_space<semaphore_mem>>) src(%dma_wait3A_32 : memref<624x128xf32, #tpu.memory_space<vmem_shared>>) dst(%dma_wait3A_30 : memref<624x128xf32, #tpu.memory_space<hbm>>)
        tpu.yield
      }) : () -> ()
    } else {
    }
    %eq3A_20 = arith.constant 15 : i32
    %eq3A_21 = arith.cmpi eq, %arg1, %eq3A_20 : i32
    %convert_element_type3A_22 = arith.extui %eq3A_21 : i1 to i32
    %cond3A_23 = arith.constant 0 : i32
    %cond3A_24 = arith.cmpi ne, %convert_element_type3A_22, %cond3A_23 : i32
    scf.if %cond3A_24 {
      "tpu.region"() ({
        %run_scoped3A = tpu.sem_alloc : memref<!tpu.dma_semaphore, #tpu.memory_space<semaphore_mem>>
        %dma_start3A = arith.constant 0 : i32
        %dma_start3A_25 = tpu.memref_slice %arg7[%arg0, %mul3A_2, %dma_start3A] : memref<2x10000x128xf32, #tpu.memory_space<hbm>> -> memref<1x640x128xf32, #tpu.memory_space<hbm>>
        %dma_start3A_26 = tpu.memref_squeeze %dma_start3A_25 : memref<1x640x128xf32, #tpu.memory_space<hbm>> -> memref<640x128xf32, #tpu.memory_space<hbm>>
        %dma_start3A_27 = arith.constant 0 : i32
        %dma_start3A_28 = tpu.memref_slice %arg11[%mul3A_2, %dma_start3A_27] : memref<10000x128xf32, #tpu.memory_space<vmem_shared>> -> memref<640x128xf32, #tpu.memory_space<vmem_shared>>
        tpu.enqueue_dma source(%dma_start3A_28 : memref<640x128xf32, #tpu.memory_space<vmem_shared>>) target(%dma_start3A_26 : memref<640x128xf32, #tpu.memory_space<hbm>>) target_semaphore(%run_scoped3A : memref<!tpu.dma_semaphore, #tpu.memory_space<semaphore_mem>>)
        %dma_wait3A = arith.constant 0 : i32
        %dma_wait3A_29 = tpu.memref_slice %arg7[%arg0, %mul3A_2, %dma_wait3A] : memref<2x10000x128xf32, #tpu.memory_space<hbm>> -> memref<1x640x128xf32, #tpu.memory_space<hbm>>
        %dma_wait3A_30 = tpu.memref_squeeze %dma_wait3A_29 : memref<1x640x128xf32, #tpu.memory_space<hbm>> -> memref<640x128xf32, #tpu.memory_space<hbm>>
        %dma_wait3A_31 = arith.constant 0 : i32
        %dma_wait3A_32 = tpu.memref_slice %arg11[%mul3A_2, %dma_wait3A_31] : memref<10000x128xf32, #tpu.memory_space<vmem_shared>> -> memref<640x128xf32, #tpu.memory_space<vmem_shared>>
        tpu.wait_dma2 semaphore(%run_scoped3A : memref<!tpu.dma_semaphore, #tpu.memory_space<semaphore_mem>>) src(%dma_wait3A_32 : memref<640x128xf32, #tpu.memory_space<vmem_shared>>) dst(%dma_wait3A_30 : memref<640x128xf32, #tpu.memory_space<hbm>>)
        tpu.yield
      }) : () -> ()
    } else {
    }
    return
  }
}

module attributes {stable_mosaic.version = 14 : i64} {
  func.func @_tc_layer1(%arg0: memref<2x10000x128xf32, #tpu.memory_space<vmem>>, %arg1: memref<128x128xf32, #tpu.memory_space<vmem>>, %arg2: memref<1x128xf32, #tpu.memory_space<vmem>>, %arg3: memref<1x128xf32, #tpu.memory_space<vmem>>, %arg4: memref<1x128xf32, #tpu.memory_space<vmem>>, %arg5: memref<10000x128xf32, #tpu.memory_space<vmem>>) attributes {dimension_semantics = [], scalar_prefetch = 0 : i64, scratch_operands = 0 : i64, tpu.core_type = #tpu.core_type<tc>} {
    %get3A = arith.constant 0 : index
    %get3A_0 = arith.constant 0 : index
    %get3A_1 = arith.constant 0 : index
    %get3A_2 = vector.load %arg0[%get3A, %get3A_0, %get3A_1] : memref<2x10000x128xf32, #tpu.memory_space<vmem>>, vector<1x10000x128xf32>
    %get3A_3 = vector.shape_cast %get3A_2 : vector<1x10000x128xf32> to vector<10000x128xf32>
    %get3A_4 = arith.constant 1 : index
    %get3A_5 = arith.constant 0 : index
    %get3A_6 = arith.constant 0 : index
    %get3A_7 = vector.load %arg0[%get3A_4, %get3A_5, %get3A_6] : memref<2x10000x128xf32, #tpu.memory_space<vmem>>, vector<1x10000x128xf32>
    %get3A_8 = vector.shape_cast %get3A_7 : vector<1x10000x128xf32> to vector<10000x128xf32>
    %add3A = arith.addf %get3A_3, %get3A_8 : vector<10000x128xf32>
    %get3A_9 = arith.constant 0 : index
    %get3A_10 = arith.constant 0 : index
    %get3A_11 = vector.load %arg1[%get3A_9, %get3A_10] : memref<128x128xf32, #tpu.memory_space<vmem>>, vector<128x128xf32>
    %dot_general3A = arith.constant dense<0.000000e+00> : vector<10000x128xf32>
    %dot_general3A_12 = tpu.matmul %add3A, %get3A_11, %dot_general3A {dimension_numbers = #tpu.dot_dimension_numbers<[1], [1], [0], [0], [0, 0, 1, 0], [], []>, transpose_lhs_hint = false} : vector<10000x128xf32>, vector<128x128xf32>, vector<10000x128xf32> -> vector<10000x128xf32>
    %get3A_13 = arith.constant 0 : index
    %get3A_14 = arith.constant 0 : index
    %get3A_15 = vector.load %arg2[%get3A_13, %get3A_14] : memref<1x128xf32, #tpu.memory_space<vmem>>, vector<1x128xf32>
    %add3A_16 = vector.broadcast %get3A_15 : vector<1x128xf32> to vector<10000x128xf32>
    %add3A_17 = arith.addf %dot_general3A_12, %add3A_16 : vector<10000x128xf32>
    %reduce_sum3A = arith.constant dense<0.000000e+00> : vector<128xf32>
    %reduce_sum3A_18 = vector.multi_reduction <add>, %add3A_17, %reduce_sum3A [0] : vector<10000x128xf32> to vector<128xf32>
    %broadcast_in_dim3A = vector.shape_cast %reduce_sum3A_18 : vector<128xf32> to vector<1x128xf32>
    %div3A = arith.constant 1.000000e+04 : f32
    %div3A_19 = vector.broadcast %div3A : f32 to vector<1x128xf32>
    %div3A_20 = arith.divf %broadcast_in_dim3A, %div3A_19 : vector<1x128xf32>
    %sub3A = vector.broadcast %div3A_20 : vector<1x128xf32> to vector<10000x128xf32>
    %sub3A_21 = arith.subf %add3A_17, %sub3A : vector<10000x128xf32>
    %integer_pow3A = arith.mulf %sub3A_21, %sub3A_21 : vector<10000x128xf32>
    %reduce_sum3A_22 = arith.constant dense<0.000000e+00> : vector<128xf32>
    %reduce_sum3A_23 = vector.multi_reduction <add>, %integer_pow3A, %reduce_sum3A_22 [0] : vector<10000x128xf32> to vector<128xf32>
    %broadcast_in_dim3A_24 = vector.shape_cast %reduce_sum3A_23 : vector<128xf32> to vector<1x128xf32>
    %div3A_25 = arith.constant 1.000000e+04 : f32
    %div3A_26 = vector.broadcast %div3A_25 : f32 to vector<1x128xf32>
    %div3A_27 = arith.divf %broadcast_in_dim3A_24, %div3A_26 : vector<1x128xf32>
    %sub3A_28 = vector.broadcast %div3A_20 : vector<1x128xf32> to vector<10000x128xf32>
    %sub3A_29 = arith.subf %add3A_17, %sub3A_28 : vector<10000x128xf32>
    %add3A_30 = arith.constant 9.99999974E-6 : f32
    %add3A_31 = vector.broadcast %add3A_30 : f32 to vector<1x128xf32>
    %add3A_32 = arith.addf %div3A_27, %add3A_31 : vector<1x128xf32>
    %sqrt3A = math.sqrt %add3A_32 : vector<1x128xf32>
    %div3A_33 = vector.broadcast %sqrt3A : vector<1x128xf32> to vector<10000x128xf32>
    %div3A_34 = arith.divf %sub3A_29, %div3A_33 : vector<10000x128xf32>
    %get3A_35 = arith.constant 0 : index
    %get3A_36 = arith.constant 0 : index
    %get3A_37 = vector.load %arg3[%get3A_35, %get3A_36] : memref<1x128xf32, #tpu.memory_space<vmem>>, vector<1x128xf32>
    %mul3A = vector.broadcast %get3A_37 : vector<1x128xf32> to vector<10000x128xf32>
    %mul3A_38 = arith.mulf %div3A_34, %mul3A : vector<10000x128xf32>
    %get3A_39 = arith.constant 0 : index
    %get3A_40 = arith.constant 0 : index
    %get3A_41 = vector.load %arg4[%get3A_39, %get3A_40] : memref<1x128xf32, #tpu.memory_space<vmem>>, vector<1x128xf32>
    %add3A_42 = vector.broadcast %get3A_41 : vector<1x128xf32> to vector<10000x128xf32>
    %add3A_43 = arith.addf %mul3A_38, %add3A_42 : vector<10000x128xf32>
    %max3A = arith.constant 0.000000e+00 : f32
    %max3A_44 = vector.broadcast %max3A : f32 to vector<10000x128xf32>
    %max3A_45 = arith.maximumf %add3A_43, %max3A_44 : vector<10000x128xf32>
    %swap3A = arith.constant 0 : index
    %swap3A_46 = arith.constant 0 : index
    %swap3A_47 = vector.load %arg5[%swap3A, %swap3A_46] : memref<10000x128xf32, #tpu.memory_space<vmem>>, vector<10000x128xf32>
    tpu.vector_store %arg5[%swap3A, %swap3A_46], %max3A_45 {strides = array<i32>} : memref<10000x128xf32, #tpu.memory_space<vmem>>, vector<10000x128xf32>,
    return
  }
}

module attributes {stable_mosaic.version = 14 : i64} {
  func.func @_tc_layer2(%arg0: i32, %arg1: memref<2x2000x128xf32, #tpu.memory_space<vmem>>, %arg2: memref<128x128xf32, #tpu.memory_space<vmem>>, %arg3: memref<1x128xf32, #tpu.memory_space<vmem>>, %arg4: memref<2000x128xf32, #tpu.memory_space<vmem>>) attributes {dimension_semantics = [#tpu.dimension_semantics<arbitrary>], iteration_bounds = array<i64: 5>, scalar_prefetch = 0 : i64, scratch_operands = 0 : i64, tpu.core_type = #tpu.core_type<tc>, window_params = [{transform_indices = @transform_0, window_bounds = array<i64: 2, 2000, 128>}, {pipeline_mode = #tpu.pipeline_mode<synchronous>, transform_indices = @transform_1, window_bounds = array<i64: 128, 128>}, {pipeline_mode = #tpu.pipeline_mode<synchronous>, transform_indices = @transform_2, window_bounds = array<i64: 1, 128>}, {transform_indices = @transform_3, window_bounds = array<i64: 2000, 128>}]} {
    %get3A = arith.constant 0 : index
    %get3A_0 = arith.constant 0 : index
    %get3A_1 = arith.constant 0 : index
    %get3A_2 = vector.load %arg1[%get3A, %get3A_0, %get3A_1] : memref<2x2000x128xf32, #tpu.memory_space<vmem>>, vector<1x2000x128xf32>
    %get3A_3 = vector.shape_cast %get3A_2 : vector<1x2000x128xf32> to vector<2000x128xf32>
    %get3A_4 = arith.constant 1 : index
    %get3A_5 = arith.constant 0 : index
    %get3A_6 = arith.constant 0 : index
    %get3A_7 = vector.load %arg1[%get3A_4, %get3A_5, %get3A_6] : memref<2x2000x128xf32, #tpu.memory_space<vmem>>, vector<1x2000x128xf32>
    %get3A_8 = vector.shape_cast %get3A_7 : vector<1x2000x128xf32> to vector<2000x128xf32>
    %add3A = arith.addf %get3A_3, %get3A_8 : vector<2000x128xf32>
    %get3A_9 = arith.constant 0 : index
    %get3A_10 = arith.constant 0 : index
    %get3A_11 = vector.load %arg2[%get3A_9, %get3A_10] : memref<128x128xf32, #tpu.memory_space<vmem>>, vector<128x128xf32>
    %dot_general3A = arith.constant dense<0.000000e+00> : vector<2000x128xf32>
    %dot_general3A_12 = tpu.matmul %add3A, %get3A_11, %dot_general3A {dimension_numbers = #tpu.dot_dimension_numbers<[1], [1], [0], [0], [0, 0, 1, 0], [], []>, transpose_lhs_hint = false} : vector<2000x128xf32>, vector<128x128xf32>, vector<2000x128xf32> -> vector<2000x128xf32>
    %get3A_13 = arith.constant 0 : index
    %get3A_14 = arith.constant 0 : index
    %get3A_15 = vector.load %arg3[%get3A_13, %get3A_14] : memref<1x128xf32, #tpu.memory_space<vmem>>, vector<1x128xf32>
    %add3A_16 = vector.broadcast %get3A_15 : vector<1x128xf32> to vector<2000x128xf32>
    %add3A_17 = arith.addf %dot_general3A_12, %add3A_16 : vector<2000x128xf32>
    %swap3A = arith.constant 0 : index
    %swap3A_18 = arith.constant 0 : index
    %swap3A_19 = vector.load %arg4[%swap3A, %swap3A_18] : memref<2000x128xf32, #tpu.memory_space<vmem>>, vector<2000x128xf32>
    tpu.vector_store %arg4[%swap3A, %swap3A_18], %add3A_17 {strides = array<i32>} : memref<2000x128xf32, #tpu.memory_space<vmem>>, vector<2000x128xf32>,
    return
  }
  func.func @transform_0(%arg0: i32) -> (i32, i32, i32) {
    %c0_i32 = arith.constant 0 : i32
    %c0_i32_0 = arith.constant 0 : i32
    %c0_i32_1 = arith.constant 0 : i32
    return %c0_i32, %arg0, %c0_i32_0 : i32, i32, i32
  }
  func.func @transform_1(%arg0: i32) -> (i32, i32) {
    %c0_i32 = arith.constant 0 : i32
    %c0_i32_0 = arith.constant 0 : i32
    %c0_i32_1 = arith.constant 0 : i32
    return %c0_i32, %c0_i32_0 : i32, i32
  }
  func.func @transform_2(%arg0: i32) -> (i32, i32) {
    %c0_i32 = arith.constant 0 : i32
    %c0_i32_0 = arith.constant 0 : i32
    %c0_i32_1 = arith.constant 0 : i32
    return %c0_i32, %c0_i32_0 : i32, i32
  }
  func.func @transform_3(%arg0: i32) -> (i32, i32) {
    %c0_i32 = arith.constant 0 : i32
    %c0_i32_0 = arith.constant 0 : i32
    return %arg0, %c0_i32 : i32, i32
  }
}

</mosaic_0001>

<sc_bundles>
// kernel: kernel.6.cloned.1.call-start
scs
__scs_entry_jumppad:
0x0: {  	(pc) =	sbr.rel $0x88, $3  }
0x1: {  	(tag) =	ssettag $0x0;
	lr =	simm.s32 $0x1  }
0x2: {  	[smem:$0x3F99] =	sst lr;
	_ =	strace $0xD0000000  }
0x3: {  	_ = 	snop  }
0x4: {  	_ = 	snop  }
0x5: {  	_ = 	snop  }
0x6: {  	_ = 	snop  }
0x7: {  	_ = 	snop  }
__scs_overlays_trampoline_lowered:
0x8: {  	[smem:$0x3FA8] =	sst s0  }
0x9: {  	[smem:$0x3FA9] =	sst s1  }
0xa: {  	[smem:$0x3FAA] =	sst s2  }
0xb: {  	[smem:$0x3FAB] =	sst s3  }
0xc: {  	[smem:$0x3FAC] =	sst s4  }
0xd: {  	[smem:$0x3FAD] =	sst s5  }
0xe: {  	[smem:$0x3FAE] =	sst s6  }
0xf: {  	[smem:$0x3FAF] =	sst s7  }
0x10: {  	[smem:$0x3FB0] =	sst s8  }
0x11: {  	[smem:$0x3FB1] =	sst s9;
	s0 =	simm.s32 @!p0 $0x0  }
0x12: {  	s1 =	sld [smem:$0x3F97];
	s0 =	simm.s32 @p0 $0x1  }
0x13: {  	[smem:$0x3FB2] =	sst s0;
	s0 =	simm.s32 @!p1 $0x0  }
0x14: {  	s2 =	sld [smem:$0x3F96];
	s0 =	simm.s32 @p1 $0x1  }
0x15: {  	[smem:$0x3FB3] =	sst s0;
	s0 =	simm.s32 @!p2 $0x0  }
0x16: {  	s3 =	sld [smem:$0x3FDB];
	s0 =	simm.s32 @p2 $0x1  }
0x17: {  	s4 =	simm.s32 $0x1BF5;
	[smem:$0x3FB5] =	sst s0  }
0x18: {  	s0 =	sld [smem:$0x3F98];
	_ =	swait.ge [sflag:s4], $0x0  }
0x19: {  	s7 =	sld [smem:$0x3F99]  }
0x1a: {  	s8 =	sadd.s32 $0xFFFFE003, lr  }
0x1b: {  	s9 =	sadd.s32 $0xFFFFFEF7, lr;
	s5 =	simm.s32 $0xFFFFFFFF;
	p2 =	slt.u32 s8, $0xFFFFF086  }
0x1c: {  	p1 =	slt.u32 s9, $0xF7A;
	s5 =	simm.s32 @!p2 $0x0  }
0x1d: {  	s5 =	simm.s32 @p1 $0x1;
	p0 =	seq.s32 s7, s2  }
0x1e: {  	s7 =	smul.u32 @!p0 $0xF7A, s2;
	p2 =	seq.s32 @!p0 s5, $0x0  }
0x1f: {  	s9 =	smul.u32 $0xF7A, s1;
	s8 =	simm.s32 @!p0 $0x1BF5;
	p2 =	por !p2, p0  }
0x20: {  	[sflag:s8] =	ssyncset.s32 @!p0 $0xFFFFF086;
	s6 =	sadd.s32 @!p0 s3, s7;
	s7 =	simm.s32 @!p0 $0x108  }
0x21: {  	s3 =	sadd.s32 s3, s9;
	s6 =	sadd.s32 @!p0 $0x88, s6;
	s7 =	simm.s32 @p2 $0x1082  }
0x22: {  	[simem:s7], [sflag:s8] =	dma.local @!p0 [hbm:s6], $0xF7A  }
0x23: {  	s9 =	sor.u32 $0xD0000000, s2;
	s6 =	simm.s32 $0x108;
	_ =	swait.ge @!p0 [sflag:s8], $0x0  }
0x24: {  	s3 =	sadd.s32 $0x88, s3;
	s6 =	simm.s32 @!p1 $0x1082;
	[sflag:s4] =	ssyncset.s32 $0xFFFFF086  }
0x25: {  	[simem:s6], [sflag:s4] =	dma.local [hbm:s3], $0xF7A  }
0x26: {  	[smem:$0x3F99] =	sst s1;
	(tag) =	ssettag s2;
	_ =	strace s9  }
0x27: {  	s1 =	sld [smem:$0x3FA9]  }
0x28: {  	s2 =	sld [smem:$0x3FAA]  }
0x29: {  	s4 =	sld [smem:$0x3FAC]  }
0x2a: {  	p0 =	seq.s32 s5, $0x0;
	s5 =	sld [smem:$0x3FAD]  }
0x2b: {  	s6 =	sld [smem:$0x3FAE]  }
0x2c: {  	s7 =	sld [smem:$0x3FAF]  }
0x2d: {  	s3 =	simm.s32 $0x108;
	s8 =	sld [smem:$0x3FB0]  }
0x2e: {  	s3 =	simm.s32 @!p0 $0x1082;
	s9 =	sld [smem:$0x3FB1]  }
0x2f: {  	lr =	sadd.s32 s0, s3;
	s0 =	sld [smem:$0x3FA8]  }
0x30: {  	s3 =	sld [smem:$0x3FAB]  }
0x31: {  	[smem:$0x3FB4] =	sst s10  }
0x32: {  	s10 =	sld [smem:$0x3FB2];
	_ =	sdelay $0x3  }
0x33: {  	p0 =	seq.s32 s10, $0x1;
	s10 =	sld [smem:$0x3FB4];
	_ =	sdelay $0x3  }
0x34: {  	[smem:$0x3FB4] =	sst s10  }
0x35: {  	s10 =	sld [smem:$0x3FB3];
	_ =	sdelay $0x3  }
0x36: {  	p1 =	seq.s32 s10, $0x1;
	s10 =	sld [smem:$0x3FB4];
	_ =	sdelay $0x3  }
0x37: {  	[smem:$0x3FB4] =	sst s10  }
0x38: {  	s10 =	sld [smem:$0x3FB5]  }
0x39: {  	_ = 	snop;
	(pc) =	sbr.ind lr, $3  }
0x3a: {  	_ = 	snop  }
0x3b: {  	_ = 	snop  }
0x3c: {  	p2 =	seq.s32 s10, $0x1;
	s10 =	sld [smem:$0x3FB4]  }
0x3d: {  	_ =	shalt  }
0x3e: {  	_ =	shalt  }
0x3f: {  	_ =	shalt  }
0x40: {  	_ =	shalt  }
0x41: {  	_ =	shalt  }
0x42: {  	_ =	shalt  }
0x43: {  	_ =	shalt  }
0x44: {  	_ =	shalt  }
0x45: {  	_ =	shalt  }
0x46: {  	_ =	shalt  }
0x47: {  	_ =	shalt  }
0x48: {  	_ =	shalt  }
0x49: {  	_ =	shalt  }
0x4a: {  	_ =	shalt  }
0x4b: {  	_ =	shalt  }
0x4c: {  	_ =	shalt  }
0x4d: {  	_ =	shalt  }
0x4e: {  	_ =	shalt  }
0x4f: {  	_ =	shalt  }
0x50: {  	_ =	shalt  }
0x51: {  	_ =	shalt  }
0x52: {  	_ =	shalt  }
0x53: {  	_ =	shalt  }
0x54: {  	_ =	shalt  }
0x55: {  	_ =	shalt  }
0x56: {  	_ =	shalt  }
0x57: {  	_ =	shalt  }
0x58: {  	_ =	shalt  }
0x59: {  	_ =	shalt  }
0x5a: {  	_ =	shalt  }
0x5b: {  	_ =	shalt  }
0x5c: {  	_ =	shalt  }
0x5d: {  	_ =	shalt  }
0x5e: {  	_ =	shalt  }
0x5f: {  	_ =	shalt  }
0x60: {  	_ =	shalt  }
0x61: {  	_ =	shalt  }
0x62: {  	_ =	shalt  }
0x63: {  	_ =	shalt  }
0x64: {  	_ =	shalt  }
0x65: {  	_ =	shalt  }
0x66: {  	_ =	shalt  }
0x67: {  	_ =	shalt  }
0x68: {  	_ =	shalt  }
0x69: {  	_ =	shalt  }
0x6a: {  	_ =	shalt  }
0x6b: {  	_ =	shalt  }
0x6c: {  	_ =	shalt  }
0x6d: {  	_ =	shalt  }
0x6e: {  	_ =	shalt  }
0x6f: {  	_ =	shalt  }
0x70: {  	_ =	shalt  }
0x71: {  	_ =	shalt  }
0x72: {  	_ =	shalt  }
0x73: {  	_ =	shalt  }
0x74: {  	_ =	shalt  }
0x75: {  	_ =	shalt  }
0x76: {  	_ =	shalt  }
0x77: {  	_ =	shalt  }
0x78: {  	_ =	shalt  }
0x79: {  	_ =	shalt  }
0x7a: {  	_ =	shalt  }
0x7b: {  	_ =	shalt  }
0x7c: {  	_ =	shalt  }
0x7d: {  	_ =	shalt  }
0x7e: {  	_ =	shalt  }
0x7f: {  	_ =	shalt  }
0x80: {  	_ =	shalt  }
0x81: {  	_ =	shalt  }
0x82: {  	_ =	shalt  }
0x83: {  	_ =	shalt  }
0x84: {  	_ =	shalt  }
0x85: {  	_ =	shalt  }
0x86: {  	_ =	shalt  }
0x87: {  	_ =	shalt  }
.Lfunc_end0:
.L_simem_size_0:
called_computation_lowered:
.L_overlay_start_0:
0x88: {  	s2 =	sld [smem:$0x3FD9]  }
0x89: {  	s3 =	sld [smem:$0x3FFE];
	_ =	sdelay $0x1  }
0x8a: {  	s1 =	srdreg.scid  }
0x8b: {  	s0 =	sand.u32 $0x1, s1  }
0x8c: {  	s17 =	sshll.u32 s0, $0xA;
	s2 =	sadd.s32 s3, s2  }
0x8d: {  	s2 =	sadd.s32 s2, s17  }
0x8e: {  	[smem:$0x3FC0] =	sst s2  }
0x8f: {  	_ = 	snop  }
0x90: {  	s2 =	sld [smem:$0x3FC9]  }
0x91: {  	s18 =	sld [smem:$0x3FD0];
	(tm) =	ssettm $0x1  }
0x92: {  	s4 =	sld [smem:$0x3FFB];
	_ =	sdelay $0x3  }
0x93: {  	_ =	strace s4  }
0x94: {  	s4 =	sld [smem:$0x3FFC];
	_ =	sdelay $0x3  }
0x95: {  	_ =	strace s4  }
0x96: {  	s4 =	sld [smem:$0x3FFD];
	_ =	sdelay $0x3  }
0x97: {  	_ =	strace s4  }
0x98: {  	_ =	strace $0x8FFFFFFF  }
0x99: {  	s19 =	sld [smem:$0x3FDB];
	_ =	sdelay $0x1  }
0x9a: {  	s5 =	simm.s32 $_scs_section_size  }
0x9b: {  	s6 =	simm.s32 $_size__tile_overlayer_lowered;
	s7 =	simm.s32 $_tile_overlayer_lowered  }
0x9c: {  	s22 =	simm.s32 $0x1BFF;
	s21 =	sshll.u32 s7, $0x1;
	s4 =	sadd.s32 s5, s19  }
0x9d: {  	s8 =	simm.s32 $0x0;
	s20 =	sshll.u32 s6, $0x1;
	s6 =	sadd.s32 s21, s4  }
0x9e: {  	[timem:s8], [sflag:s22] =	dma.local [hbm:s6], s20  }
0x9f: {  	_ =	swait.ge [sflag:s22], s20  }
0xa0: {  	s5 =	ssub.s32 $0x0, s20;
	[sflag:s22] =	ssyncset.done $0x0  }
0xa1: {  	[sflag:s22] =	ssyncadd.s32 s5;
	_ =	sdelay $0x1  }
0xa2: {  	s23 =	simm.s32 $0x1B8B  }
0xa3: {  	_ =	swait.ge [sflag:s23], $0x1  }
0xa4: {  	[sflag:s23] =	ssyncset.done $0x0  }
0xa5: {  	s25 =	simm.s32 $0x1B8E;
	s24 =	sld [smem:$0x3FFE];
	[sflag:s23] =	ssyncadd.s32 $0xFFFFFFFF  }
0xa6: {  	s26 =	simm.s32 $execute0_lowered;
	[smem:$0x3FD2] =	sst s25  }
0xa7: {  	s6 =	sshll.u32 s26, $0x1;
	_ =	strace $0x80000046;
	[dreg:$0x1] =	wrdreg $0xFFFFFFFF  }
0xa8: {  	s28 =	simm.s32 $_size_execute0_lowered;
	s4 =	sadd.s32 s4, s6;
	[dreg:$0x0] =	wrdreg $0x0  }
0xa9: {  	s6 =	sshll.u32 s28, $0x1;
	[dreg:$0x2] =	wrdreg s4  }
0xaa: {  	[dreg:$0x3] =	wrdreg s6  }
0xab: {  	[dreg:$0x4] =	wrdreg $0xC0  }
0xac: {  	_ =	task [dreg:s8], $0x5FFFF  }
0xad: {  	[dreg:$0x1] =	wrdreg $0xFFFFFFFF  }
0xae: {  	[dreg:$0x0] =	wrdreg $0x60  }
0xaf: {  	[dreg:$0x2] =	wrdreg s2  }
0xb0: {  	[dreg:$0x3] =	wrdreg s18  }
0xb1: {  	[dreg:$0x4] =	wrdreg s24  }
0xb2: {  	[dreg:$0x5] =	wrdreg $0xBC000  }
0xb3: {  	[dreg:$0x6] =	wrdreg $0x9  }
0xb4: {  	_ =	task.clear_ibuf [dreg:s8], $0x7FFFF;
	_ =	strace $0x90000046  }
0xb5: {  	s29 =	simm.s32 $0x9;
	_ =	strace $0x80000048  }
0xb6: {  	_ =	swait.ge [sflag:s29], $0x1  }
0xb7: {  	[sflag:s29] =	ssyncadd.s32 $0xFFFFFFFF  }
0xb8: {  	_ =	strace $0x90000048  }
0xb9: {  	_ =	sfence  }
0xba: {  	s30 =	sld [smem:$0x0];
	_ =	sdelay $0x2  }
0xbb: {  	s31 =	sshll.u32 s1, $0xD;
	s1 =	sshrl.u32 s1, $0x2  }
0xbc: {  	s3 =	sand.u32 $0x4000, s31;
	s1 =	sadd.s32 s1, s30  }
0xbd: {  	s0 =	sor.u32 s3, s0;
	s1 =	sshll.u32 s1, $0x11  }
0xbe: {  	s0 =	sor.u32 s1, s0  }
0xbf: {  	s0 =	sadd.s32 $0x8F2B, s0  }
0xc0: {  	[sflag:s0] =	ssyncadd.remote.s32 $0x1  }
0xc1: {  	_ =	sfence.sel $0xFFFF  }
0xc2: {  	[dreg:$0x0] =	wrdreg $0xFFFFFFFF;
	(pc) =	sbr.abs _section_cstart, $3  }
0xc3: {  	[dreg:$0x1] =	wrdreg $0xFFFFFFFF  }
0xc4: {  	_ =	task.clear_ibuf [dreg:s8], $0x2FFFF;
	_ =	strace $0x9FFFFFFF  }
0xc5: {  	(tm) =	ssettm $0x7FFFFFFF  }
tec
execute0_lowered:
.L_overlay_start_1:
0x0: {  	(tag) =	ssettag $0x1  }
0x1: {  	s1 =	rddreg [dreg:$0x0]  }
0x2: {  	s2 =	rddreg [dreg:$0x1]  }
0x3: {  	s5 =	rddreg [dreg:$0x2]  }
0x4: {  	s3 =	rddreg [dreg:$0x3];
	s4 =	simm.s32 $0x0  }
0x5: {  	s11 =	stileid.u32;
	s22 =	simm.s32 $0x80;
	[smem:$0x7FF] =	sst s4  }
0x6: {  	s23 =	simm.s32 $0x100;
	_ =	strace $0x80000047;
	[dreg:$0x7] =	wrdreg s22  }
0x7: {  	s0 =	srdreg.scid;
	s25 =	simm.s32 $0x1080;
	[dreg:$0x8] =	wrdreg s23  }
0x8: {  	s26 =	simm.s32 $0x1100;
	s12 =	simm.s32 $0x200;
	[dreg:$0x9] =	wrdreg s25  }
0x9: {  	s14 =	simm.s32 $0x280;
	s16 =	simm.s32 $0x1180;
	[dreg:$0xa] =	wrdreg s26  }
0xa: {  	s17 =	simm.s32 $0x1200;
	s18 =	simm.s32 $0x1280;
	[dreg:$0xc] =	wrdreg s12  }
0xb: {  	s19 =	simm.s32 $0x300;
	s28 =	simm.s32 $0x2;
	[dreg:$0xd] =	wrdreg s14  }
0xc: {  	s29 =	simm.s32 $0x3;
	s30 =	simm.s32 $0x4;
	[dreg:$0xe] =	wrdreg s16  }
0xd: {  	s31 =	simm.s32 $0x5;
	s6 =	sshll.u32 s11, $0xC;
	[dreg:$0xf] =	wrdreg s17  }
0xe: {  	s0 =	sand.u32 $0x1, s0;
	s10 =	smul.u32 $0x4E000, s11;
	[dreg:$0x10] =	wrdreg s18  }
0xf: {  	s21 =	smul.u32 $0x2700, s11;
	s12 =	sadd.s32 $0x24900, s1;
	[dreg:$0x11] =	wrdreg s19  }
0x10: {  	s15 =	smul.u32 $0x13800, s11;
	s22 =	simm.s32 $0x1300;
	[smem:$0x7E7] =	sst s12  }
0x11: {  	p0 =	seq.s32 s11, $0xF;
	s23 =	simm.s32 $0x1380;
	[dreg:$0x14] =	wrdreg s22  }
0x12: {  	s6 =	sadd.s32 s6, s5;
	s25 =	simm.s32 $0x1400;
	[dreg:$0x15] =	wrdreg s23  }
0x13: {  	s7 =	ssub.s32 $0x2, s0;
	s26 =	simm.s32 $0x480;
	[dreg:$0x16] =	wrdreg s25  }
0x14: {  	s8 =	sshll.u32 s0, $0xB;
	s14 =	simm.s32 $0x680;
	[dreg:$0x17] =	wrdreg s26  }
0x15: {  	s5 =	sadd.s32 $0x21200, s5;
	s16 =	simm.s32 $0x1600;
	[dreg:$0x1e] =	wrdreg s14  }
0x16: {  	s13 =	smul.u32 $0x138800, s0;
	s17 =	simm.s32 $0x1680;
	[smem:$0x7F0] =	sst s16  }
0x17: {  	p2 =	sne.s32 @p0 s0, $0x0;
	s18 =	simm.s32 $0x1700;
	[smem:$0x7F1] =	sst s17  }
0x18: {  	p4 =	sne.s32 @!p0 s0, $0x0;
	s19 =	simm.s32 $0x780;
	[smem:$0x7F2] =	sst s18  }
0x19: {  	s0 =	simm.s32 $0x6;
	s24 =	sadd.s32 s2, s21;
	[smem:$0x7F4] =	sst s19  }
0x1a: {  	s9 =	sshrl.u32 s7, $0x1;
	s2 =	sadd.s32 $0x24900, s2;
	[smem:$0x7E4] =	sst s24  }
0x1b: {  	s20 =	sshrl.u32 s10, $0x2;
	s10 =	sadd.s32 $0x124800, s3;
	[smem:$0x7E6] =	sst s2  }
0x1c: {  	s6 =	sadd.s32 s8, s6;
	s12 =	simm.s32 $0x1580;
	[smem:$0x7EC] =	sst s10  }
0x1d: {  	p1 =	por !p2, !p0;
	s22 =	simm.s32 $0x1780;
	[dreg:$0x1c] =	wrdreg s12  }
0x1e: {  	p2 =	por p2, !p0;
	s23 =	simm.s32 $0x1800;
	[smem:$0x7F9] =	sst s22  }
0x1f: {  	p3 =	por !p4, p0;
	s25 =	simm.s32 $0x900;
	[smem:$0x7FA] =	sst s23  }
0x20: {  	p4 =	por p4, p0;
	s26 =	simm.s32 $0x980;
	[smem:$0x7FC] =	sst s25  }
0x21: {  	s14 =	simm.s32 $0x1B00;
	s8 =	sadd.s32 $0x1200, s6;
	[smem:$0x7FD] =	sst s26  }
0x22: {  	s7 =	ssub.s32 s7, s9;
	s6 =	sadd.s32 $0x11200, s6;
	[dreg:$0x5] =	wrdreg s8  }
0x23: {  	s9 =	sadd.s32 s20, s3;
	s20 =	simm.s32 $0x380;
	[dreg:$0x6] =	wrdreg s6  }
0x24: {  	s16 =	simm.s32 $0x1C00;
	s18 =	simm.s32 $0x0;
	[dreg:$0x12] =	wrdreg s20  }
0x25: {  	s2 =	sshll.u32 @!p3 s11, $0x6;
	s8 =	sadd.s32 s1, s21;
	[smem:$0x7F5] =	sst s9  }
0x26: {  	s22 =	simm.s32 $0x64;
	s21 =	simm.s32 $0x400;
	[smem:$0x7E5] =	sst s8  }
0x27: {  	s23 =	simm.s32 $0x2000;
	s24 =	smax.u32 s7, $0x1;
	[dreg:$0x13] =	wrdreg s21  }
0x28: {  	s25 =	simm.s32 $0x8800;
	s7 =	simm.s32 $0x1480;
	[smem:$0x7EA] =	sst s24  }
0x29: {  	s26 =	simm.s32 $0x1;
	s2 =	sor.u32 @!p3 $0x1C07, s2;
	[dreg:$0x1a] =	wrdreg s7  }
0x2a: {  	s12 =	simm.s32 $0xB80;
	s20 =	simm.s32 $0x800;
	[smem:$0x7EE] =	sst s2  }
0x2b: {  	s6 =	sshrl.u32 s13, $0x3;
	s8 =	simm.s32 $0x180;
	[smem:$0x7F7] =	sst s20  }
0x2c: {  	s2 =	sshrl.u32 @!p3 s9, $0x3;
	s21 =	simm.s32 $0x880;
	[dreg:$0xb] =	wrdreg s8  }
0x2d: {  	s20 =	simm.s32 $0x7;
	s24 =	simm.s32 $0x1880;
	[smem:$0x7EF] =	sst s2  }
0x2e: {  	s7 =	simm.s32 $0x1980;
	s8 =	sadd.s32 s15, s13;
	[smem:$0x7F8] =	sst s21  }
0x2f: {  	s13 =	simm.s32 $0x600;
	s15 =	simm.s32 $0x700;
	[smem:$0x7FB] =	sst s24  }
0x30: {  	s2 =	sshll.u32 @!p4 s11, $0x6;
	s21 =	simm.s32 $0x1000;
	[dreg:$0x1d] =	wrdreg s13  }
0x31: {  	s8 =	sshrl.u32 s8, $0x3;
	[dreg:$0x1f] =	wrdreg s15;
	s2 =	sor.u32 @!p4 $0x1C07, s2  }
0x32: {  	s24 =	simm.s32 $0x5400;
	s8 =	sadd.s32 s5, s8;
	[smem:$0x7F3] =	sst s2  }
0x33: {  	s5 =	sadd.s32 s5, s6;
	s6 =	simm.s32 $0x580;
	[smem:$0x7E8] =	sst s8  }
0x34: {  	s11 =	simm.s32 $0xB00;
	s2 =	sshrl.u32 @!p4 s9, $0x3;
	[dreg:$0x19] =	wrdreg s6  }
0x35: {  	s13 =	simm.s32 $0x1A80;
	s5 =	sadd.s32 $0x24900, s5;
	[smem:$0x7F6] =	sst s2  }
0x36: {  	s15 =	simm.s32 $0x1B80;
	s8 =	simm.s32 $0x1500;
	[smem:$0x7E9] =	sst s5  }
0x37: {  	s9 =	simm.s32 $0x1A00;
	s5 =	simm.s32 $0x500;
	[dreg:$0x1b] =	wrdreg s8  }
0x38: {  	s2 =	simm.s32 $0xA00;
	[dreg:$0x18] =	wrdreg s5;
	s5 =	sshrl.u32 @!p1 s10, $0x3  }
0x39: {  	s6 =	simm.s32 $0x1900;
	[smem:$0x7EB] =	sst s5;
	s5 =	sshrl.u32 @!p2 s10, $0x3  }
0x3a: {  	s10 =	simm.s32 $0xA80;
	[smem:$0x7ED] =	sst s5;
	s5 =	simm.s32 $0xC00  }
.LBB2_1:
0x3b: {  	[smem:$0x7E3] =	sst s18  }
0x3c: {  	s17 =	sld [smem:$0x7E6]  }
0x3d: {  	s18 =	sld [smem:$0x7EB];
	_ =	sdelay $0x1  }
0x3e: {  	s8 =	simm.s32 @!p1 $0x1FC7  }
0x3f: {  	[spmem:s18], [sflag:s8] =	dma.local @!p1 [hbm:s17], $0x2800  }
0x40: {  	s8 =	simm.s32 @!p1 $0x7  }
0x41: {  	_ =	swait.ge @!p1 [sflag:s8], $0x2800  }
0x42: {  	s17 =	sld [smem:$0x7E7]  }
0x43: {  	s18 =	sld [smem:$0x7ED]  }
0x44: {  	[sflag:s8] =	ssyncset.done @!p1 $0x0  }
0x45: {  	[sflag:s8] =	ssyncadd.s32 @!p1 $0xFFFFD800;
	s8 =	simm.s32 @!p2 $0x1FC7  }
0x46: {  	[spmem:s18], [sflag:s8] =	dma.local @!p2 [hbm:s17], $0x2800  }
0x47: {  	s8 =	simm.s32 @!p2 $0x7  }
0x48: {  	_ =	swait.ge @!p2 [sflag:s8], $0x2800  }
0x49: {  	s17 =	sld [smem:$0x7EE]  }
0x4a: {  	[sflag:s8] =	ssyncset.done @!p2 $0x0;
	s18 =	sld [smem:$0x7EF]  }
0x4b: {  	[sflag:s8] =	ssyncadd.s32 @!p2 $0xFFFFD800;
	s8 =	sld [smem:$0x7E4];
	_ =	sdelay $0x2  }
0x4c: {  	[spmem:s18], [sflag:s17] =	dma.local @!p3 [hbm:s8], $0x2700  }
0x4d: {  	s8 =	simm.s32 @!p3 $0x7  }
0x4e: {  	_ =	swait.ge @!p3 [sflag:s8], $0x2700  }
0x4f: {  	s17 =	sld [smem:$0x7F3]  }
0x50: {  	[sflag:s8] =	ssyncset.done @!p3 $0x0;
	s18 =	sld [smem:$0x7F6]  }
0x51: {  	[sflag:s8] =	ssyncadd.s32 @!p3 $0xFFFFD900;
	s8 =	sld [smem:$0x7E5];
	_ =	sdelay $0x2  }
0x52: {  	[spmem:s18], [sflag:s17] =	dma.local @!p4 [hbm:s8], $0x2700  }
0x53: {  	s8 =	simm.s32 @!p4 $0x7  }
0x54: {  	_ =	swait.ge @!p4 [sflag:s8], $0x2700  }
0x55: {  	[sflag:s8] =	ssyncset.done @!p4 $0x0  }
0x56: {  	[sflag:s8] =	ssyncadd.s32 @!p4 $0xFFFFD900  }
0x57: {  	[bflag:$0x0] =	sbarrier.arrive $0xFFFF  }
0x58: {  	s17 =	rddreg [dreg:$0x6]  }
0x59: {  	s8 =	sadd.s32 $0x0, s17  }
0x5a: {  	[tilespmem:s4], [sflag:$0x7] =	stream.linear.gather [hbm4b:s8+s4], $0xC80, $0x38;
	[tilespmem:$0x1F480] =	vst v63  }
0x5b: {  	_ =	swait.ge [sflag:s20], $0xC80  }
0x5c: {  	s18 =	rddreg [dreg:$0x5];
	[sflag:s20] =	ssyncset.done $0x0  }
0x5d: {  	[sflag:s20] =	ssyncadd.s32 $0xFFFFF380;
	s8 =	sadd.s32 $0x0, s18  }
0x5e: {  	[tilespmem:s21], [sflag:$0x7] =	stream.linear.gather [hbm4b:s8+s4], $0xC80, $0x38;
	[tilespmem:$0x1F480] =	vst v63  }
0x5f: {  	_ =	swait.ge [sflag:s20], $0xC80  }
0x60: {  	[sflag:s20] =	ssyncset.done $0x0  }
0x61: {  	[sflag:s20] =	ssyncadd.s32 $0xFFFFF380  }
0x62: {  	[tilespmem:s23], [sflag:$0x1] =	stream.indirect.gather [hbm4b:s1+s22], $0x80, s4, s22, $0xb8;
	[tilespmem:$0x1F480] =	vst v63  }
0x63: {  	s19 =	rddreg [dreg:$0x7]  }
0x64: {  	[tilespmem:s24], [sflag:$0x2] =	stream.indirect.gather [hbm4b:s1+s22], $0x80, s19, s22, $0xb8;
	[tilespmem:$0x1F480] =	vst v63  }
0x65: {  	s17 =	rddreg [dreg:$0x8]  }
0x66: {  	[tilespmem:s25], [sflag:$0x3] =	stream.indirect.gather [hbm4b:s1+s22], $0x80, s17, s22, $0xb8;
	[tilespmem:$0x1F480] =	vst v63  }
0x67: {  	_ =	swait.ge [sflag:s26], $0x3200  }
0x68: {  	[sflag:s26] =	ssyncset.done $0x0  }
0x69: {  	[sflag:s26] =	ssyncadd.s32 $0xFFFFCE00  }
0x6a: {  	[spmem:s3] =	stream.indirect.scatter.add.f32 [tilespmem:s23], [sflag:$0x4], $0x80, s21, s22, $0xb8;
	[tilespmem:$0x1F480] =	vst v63  }
0x6b: {  	_ =	swait.ge [sflag:s28], $0x3200  }
0x6c: {  	[sflag:s28] =	ssyncset.done $0x0  }
0x6d: {  	s19 =	rddreg [dreg:$0x9];
	[sflag:s28] =	ssyncadd.s32 $0xFFFFCE00  }
0x6e: {  	[spmem:s3] =	stream.indirect.scatter.add.f32 [tilespmem:s24], [sflag:$0x5], $0x80, s19, s22, $0xb8;
	[tilespmem:$0x1F480] =	vst v63  }
0x6f: {  	_ =	swait.ge [sflag:s29], $0x3200  }
0x70: {  	[sflag:s29] =	ssyncset.done $0x0  }
0x71: {  	s17 =	rddreg [dreg:$0xa];
	[sflag:s29] =	ssyncadd.s32 $0xFFFFCE00  }
0x72: {  	[spmem:s3] =	stream.indirect.scatter.add.f32 [tilespmem:s25], [sflag:$0x6], $0x80, s17, s22, $0xb8;
	[tilespmem:$0x1F480] =	vst v63  }
0x73: {  	_ =	swait.ge [sflag:s30], $0x3200  }
0x74: {  	[sflag:s30] =	ssyncset.done $0x0  }
0x75: {  	s18 =	rddreg [dreg:$0xb];
	[sflag:s30] =	ssyncadd.s32 $0xFFFFCE00  }
0x76: {  	[tilespmem:s23], [sflag:$0x1] =	stream.indirect.gather [hbm4b:s1+s22], $0x80, s18, s22, $0xb8;
	[tilespmem:$0x1F480] =	vst v63  }
0x77: {  	_ =	swait.ge [sflag:s31], $0x3200  }
0x78: {  	[sflag:s31] =	ssyncset.done $0x0  }
0x79: {  	s19 =	rddreg [dreg:$0xc];
	[sflag:s31] =	ssyncadd.s32 $0xFFFFCE00  }
0x7a: {  	[tilespmem:s24], [sflag:$0x2] =	stream.indirect.gather [hbm4b:s1+s22], $0x80, s19, s22, $0xb8;
	[tilespmem:$0x1F480] =	vst v63  }
0x7b: {  	_ =	swait.ge [sflag:s0], $0x3200  }
0x7c: {  	[sflag:s0] =	ssyncset.done $0x0  }
0x7d: {  	s17 =	rddreg [dreg:$0xd];
	[sflag:s0] =	ssyncadd.s32 $0xFFFFCE00  }
0x7e: {  	[tilespmem:s25], [sflag:$0x3] =	stream.indirect.gather [hbm4b:s1+s22], $0x80, s17, s22, $0xb8;
	[tilespmem:$0x1F480] =	vst v63  }
0x7f: {  	_ =	swait.ge [sflag:s26], $0x3200  }
0x80: {  	[sflag:s26] =	ssyncset.done $0x0  }
0x81: {  	s18 =	rddreg [dreg:$0xe];
	[sflag:s26] =	ssyncadd.s32 $0xFFFFCE00  }
0x82: {  	[spmem:s3] =	stream.indirect.scatter.add.f32 [tilespmem:s23], [sflag:$0x4], $0x80, s18, s22, $0xb8;
	[tilespmem:$0x1F480] =	vst v63  }
0x83: {  	_ =	swait.ge [sflag:s28], $0x3200  }
0x84: {  	[sflag:s28] =	ssyncset.done $0x0  }
0x85: {  	s19 =	rddreg [dreg:$0xf];
	[sflag:s28] =	ssyncadd.s32 $0xFFFFCE00  }
0x86: {  	[spmem:s3] =	stream.indirect.scatter.add.f32 [tilespmem:s24], [sflag:$0x5], $0x80, s19, s22, $0xb8;
	[tilespmem:$0x1F480] =	vst v63  }
0x87: {  	_ =	swait.ge [sflag:s29], $0x3200  }
0x88: {  	[sflag:s29] =	ssyncset.done $0x0  }
0x89: {  	s17 =	rddreg [dreg:$0x10];
	[sflag:s29] =	ssyncadd.s32 $0xFFFFCE00  }
0x8a: {  	[spmem:s3] =	stream.indirect.scatter.add.f32 [tilespmem:s25], [sflag:$0x6], $0x80, s17, s22, $0xb8;
	[tilespmem:$0x1F480] =	vst v63  }
0x8b: {  	_ =	swait.ge [sflag:s30], $0x3200  }
0x8c: {  	[sflag:s30] =	ssyncset.done $0x0  }
0x8d: {  	s18 =	rddreg [dreg:$0x11];
	[sflag:s30] =	ssyncadd.s32 $0xFFFFCE00  }
0x8e: {  	[tilespmem:s23], [sflag:$0x1] =	stream.indirect.gather [hbm4b:s1+s22], $0x80, s18, s22, $0xb8;
	[tilespmem:$0x1F480] =	vst v63  }
0x8f: {  	_ =	swait.ge [sflag:s31], $0x3200  }
0x90: {  	[sflag:s31] =	ssyncset.done $0x0  }
0x91: {  	s19 =	rddreg [dreg:$0x12];
	[sflag:s31] =	ssyncadd.s32 $0xFFFFCE00  }
0x92: {  	[tilespmem:s24], [sflag:$0x2] =	stream.indirect.gather [hbm4b:s1+s22], $0x80, s19, s22, $0xb8;
	[tilespmem:$0x1F480] =	vst v63  }
0x93: {  	_ =	swait.ge [sflag:s0], $0x3200  }
0x94: {  	[sflag:s0] =	ssyncset.done $0x0  }
0x95: {  	s17 =	rddreg [dreg:$0x13];
	[sflag:s0] =	ssyncadd.s32 $0xFFFFCE00  }
0x96: {  	[tilespmem:s25], [sflag:$0x3] =	stream.indirect.gather [hbm4b:s1+s22], $0x80, s17, s22, $0xb8;
	[tilespmem:$0x1F480] =	vst v63  }
0x97: {  	_ =	swait.ge [sflag:s26], $0x3200  }
0x98: {  	[sflag:s26] =	ssyncset.done $0x0  }
0x99: {  	s18 =	rddreg [dreg:$0x14];
	[sflag:s26] =	ssyncadd.s32 $0xFFFFCE00  }
0x9a: {  	[spmem:s3] =	stream.indirect.scatter.add.f32 [tilespmem:s23], [sflag:$0x4], $0x80, s18, s22, $0xb8;
	[tilespmem:$0x1F480] =	vst v63  }
0x9b: {  	_ =	swait.ge [sflag:s28], $0x3200  }
0x9c: {  	[sflag:s28] =	ssyncset.done $0x0  }
0x9d: {  	s19 =	rddreg [dreg:$0x15];
	[sflag:s28] =	ssyncadd.s32 $0xFFFFCE00  }
0x9e: {  	[spmem:s3] =	stream.indirect.scatter.add.f32 [tilespmem:s24], [sflag:$0x5], $0x80, s19, s22, $0xb8;
	[tilespmem:$0x1F480] =	vst v63  }
0x9f: {  	_ =	swait.ge [sflag:s29], $0x3200  }
0xa0: {  	[sflag:s29] =	ssyncset.done $0x0  }
0xa1: {  	s17 =	rddreg [dreg:$0x16];
	[sflag:s29] =	ssyncadd.s32 $0xFFFFCE00  }
0xa2: {  	[spmem:s3] =	stream.indirect.scatter.add.f32 [tilespmem:s25], [sflag:$0x6], $0x80, s17, s22, $0xb8;
	[tilespmem:$0x1F480] =	vst v63  }
0xa3: {  	_ =	swait.ge [sflag:s30], $0x3200  }
0xa4: {  	[sflag:s30] =	ssyncset.done $0x0  }
0xa5: {  	s18 =	rddreg [dreg:$0x17];
	[sflag:s30] =	ssyncadd.s32 $0xFFFFCE00  }
0xa6: {  	[tilespmem:s23], [sflag:$0x1] =	stream.indirect.gather [hbm4b:s1+s22], $0x80, s18, s22, $0xb8;
	[tilespmem:$0x1F480] =	vst v63  }
0xa7: {  	_ =	swait.ge [sflag:s31], $0x3200  }
0xa8: {  	[sflag:s31] =	ssyncset.done $0x0  }
0xa9: {  	s19 =	rddreg [dreg:$0x18];
	[sflag:s31] =	ssyncadd.s32 $0xFFFFCE00  }
0xaa: {  	[tilespmem:s24], [sflag:$0x2] =	stream.indirect.gather [hbm4b:s1+s22], $0x80, s19, s22, $0xb8;
	[tilespmem:$0x1F480] =	vst v63  }
0xab: {  	_ =	swait.ge [sflag:s0], $0x3200  }
0xac: {  	[sflag:s0] =	ssyncset.done $0x0  }
0xad: {  	s17 =	rddreg [dreg:$0x19];
	[sflag:s0] =	ssyncadd.s32 $0xFFFFCE00  }
0xae: {  	[tilespmem:s25], [sflag:$0x3] =	stream.indirect.gather [hbm4b:s1+s22], $0x80, s17, s22, $0xb8;
	[tilespmem:$0x1F480] =	vst v63  }
0xaf: {  	_ =	swait.ge [sflag:s26], $0x3200  }
0xb0: {  	[sflag:s26] =	ssyncset.done $0x0  }
0xb1: {  	s18 =	rddreg [dreg:$0x1a];
	[sflag:s26] =	ssyncadd.s32 $0xFFFFCE00  }
0xb2: {  	[spmem:s3] =	stream.indirect.scatter.add.f32 [tilespmem:s23], [sflag:$0x4], $0x80, s18, s22, $0xb8;
	[tilespmem:$0x1F480] =	vst v63  }
0xb3: {  	_ =	swait.ge [sflag:s28], $0x3200  }
0xb4: {  	[sflag:s28] =	ssyncset.done $0x0  }
0xb5: {  	s19 =	rddreg [dreg:$0x1b];
	[sflag:s28] =	ssyncadd.s32 $0xFFFFCE00  }
0xb6: {  	[spmem:s3] =	stream.indirect.scatter.add.f32 [tilespmem:s24], [sflag:$0x5], $0x80, s19, s22, $0xb8;
	[tilespmem:$0x1F480] =	vst v63  }
0xb7: {  	_ =	swait.ge [sflag:s29], $0x3200  }
0xb8: {  	[sflag:s29] =	ssyncset.done $0x0  }
0xb9: {  	s17 =	rddreg [dreg:$0x1c];
	[sflag:s29] =	ssyncadd.s32 $0xFFFFCE00  }
0xba: {  	[spmem:s3] =	stream.indirect.scatter.add.f32 [tilespmem:s25], [sflag:$0x6], $0x80, s17, s22, $0xb8;
	[tilespmem:$0x1F480] =	vst v63  }
0xbb: {  	_ =	swait.ge [sflag:s30], $0x3200  }
0xbc: {  	[sflag:s30] =	ssyncset.done $0x0  }
0xbd: {  	s18 =	rddreg [dreg:$0x1d];
	[sflag:s30] =	ssyncadd.s32 $0xFFFFCE00  }
0xbe: {  	[tilespmem:s23], [sflag:$0x1] =	stream.indirect.gather [hbm4b:s1+s22], $0x80, s18, s22, $0xb8;
	[tilespmem:$0x1F480] =	vst v63  }
0xbf: {  	_ =	swait.ge [sflag:s31], $0x3200  }
0xc0: {  	[sflag:s31] =	ssyncset.done $0x0  }
0xc1: {  	s19 =	rddreg [dreg:$0x1e];
	[sflag:s31] =	ssyncadd.s32 $0xFFFFCE00  }
0xc2: {  	[tilespmem:s24], [sflag:$0x2] =	stream.indirect.gather [hbm4b:s1+s22], $0x80, s19, s22, $0xb8;
	[tilespmem:$0x1F480] =	vst v63  }
0xc3: {  	_ =	swait.ge [sflag:s0], $0x3200  }
0xc4: {  	[sflag:s0] =	ssyncset.done $0x0  }
0xc5: {  	s17 =	rddreg [dreg:$0x1f];
	[sflag:s0] =	ssyncadd.s32 $0xFFFFCE00  }
0xc6: {  	[tilespmem:s25], [sflag:$0x3] =	stream.indirect.gather [hbm4b:s1+s22], $0x80, s17, s22, $0xb8;
	[tilespmem:$0x1F480] =	vst v63  }
0xc7: {  	_ =	swait.ge [sflag:s26], $0x3200  }
0xc8: {  	s18 =	sld [smem:$0x7F0]  }
0xc9: {  	[sflag:s26] =	ssyncset.done $0x0  }
0xca: {  	[sflag:s26] =	ssyncadd.s32 $0xFFFFCE00  }
0xcb: {  	[spmem:s3] =	stream.indirect.scatter.add.f32 [tilespmem:s23], [sflag:$0x4], $0x80, s18, s22, $0xb8;
	[tilespmem:$0x1F480] =	vst v63  }
0xcc: {  	_ =	swait.ge [sflag:s28], $0x3200  }
0xcd: {  	s19 =	sld [smem:$0x7F1]  }
0xce: {  	[sflag:s28] =	ssyncset.done $0x0  }
0xcf: {  	[sflag:s28] =	ssyncadd.s32 $0xFFFFCE00  }
0xd0: {  	[spmem:s3] =	stream.indirect.scatter.add.f32 [tilespmem:s24], [sflag:$0x5], $0x80, s19, s22, $0xb8;
	[tilespmem:$0x1F480] =	vst v63  }
0xd1: {  	_ =	swait.ge [sflag:s29], $0x3200  }
0xd2: {  	s17 =	sld [smem:$0x7F2]  }
0xd3: {  	[sflag:s29] =	ssyncset.done $0x0  }
0xd4: {  	[sflag:s29] =	ssyncadd.s32 $0xFFFFCE00  }
0xd5: {  	[spmem:s3] =	stream.indirect.scatter.add.f32 [tilespmem:s25], [sflag:$0x6], $0x80, s17, s22, $0xb8;
	[tilespmem:$0x1F480] =	vst v63  }
0xd6: {  	_ =	swait.ge [sflag:s30], $0x3200  }
0xd7: {  	s18 =	sld [smem:$0x7F4]  }
0xd8: {  	[sflag:s30] =	ssyncset.done $0x0  }
0xd9: {  	[sflag:s30] =	ssyncadd.s32 $0xFFFFCE00  }
0xda: {  	[tilespmem:s23], [sflag:$0x1] =	stream.indirect.gather [hbm4b:s1+s22], $0x80, s18, s22, $0xb8;
	[tilespmem:$0x1F480] =	vst v63  }
0xdb: {  	_ =	swait.ge [sflag:s31], $0x3200  }
0xdc: {  	s19 =	sld [smem:$0x7F7]  }
0xdd: {  	[sflag:s31] =	ssyncset.done $0x0  }
0xde: {  	[sflag:s31] =	ssyncadd.s32 $0xFFFFCE00  }
0xdf: {  	[tilespmem:s24], [sflag:$0x2] =	stream.indirect.gather [hbm4b:s1+s22], $0x80, s19, s22, $0xb8;
	[tilespmem:$0x1F480] =	vst v63  }
0xe0: {  	_ =	swait.ge [sflag:s0], $0x3200  }
0xe1: {  	s17 =	sld [smem:$0x7F8]  }
0xe2: {  	[sflag:s0] =	ssyncset.done $0x0  }
0xe3: {  	[sflag:s0] =	ssyncadd.s32 $0xFFFFCE00  }
0xe4: {  	[tilespmem:s25], [sflag:$0x3] =	stream.indirect.gather [hbm4b:s1+s22], $0x80, s17, s22, $0xb8;
	[tilespmem:$0x1F480] =	vst v63  }
0xe5: {  	_ =	swait.ge [sflag:s26], $0x3200  }
0xe6: {  	s18 =	sld [smem:$0x7F9]  }
0xe7: {  	[sflag:s26] =	ssyncset.done $0x0  }
0xe8: {  	[sflag:s26] =	ssyncadd.s32 $0xFFFFCE00  }
0xe9: {  	[spmem:s3] =	stream.indirect.scatter.add.f32 [tilespmem:s23], [sflag:$0x4], $0x80, s18, s22, $0xb8;
	[tilespmem:$0x1F480] =	vst v63  }
0xea: {  	_ =	swait.ge [sflag:s28], $0x3200  }
0xeb: {  	s19 =	sld [smem:$0x7FA]  }
0xec: {  	[sflag:s28] =	ssyncset.done $0x0  }
0xed: {  	[sflag:s28] =	ssyncadd.s32 $0xFFFFCE00  }
0xee: {  	[spmem:s3] =	stream.indirect.scatter.add.f32 [tilespmem:s24], [sflag:$0x5], $0x80, s19, s22, $0xb8;
	[tilespmem:$0x1F480] =	vst v63  }
0xef: {  	_ =	swait.ge [sflag:s29], $0x3200  }
0xf0: {  	s17 =	sld [smem:$0x7FB]  }
0xf1: {  	[sflag:s29] =	ssyncset.done $0x0  }
0xf2: {  	[sflag:s29] =	ssyncadd.s32 $0xFFFFCE00  }
0xf3: {  	[spmem:s3] =	stream.indirect.scatter.add.f32 [tilespmem:s25], [sflag:$0x6], $0x80, s17, s22, $0xb8;
	[tilespmem:$0x1F480] =	vst v63  }
0xf4: {  	_ =	swait.ge [sflag:s30], $0x3200  }
0xf5: {  	s18 =	sld [smem:$0x7FC]  }
0xf6: {  	[sflag:s30] =	ssyncset.done $0x0  }
0xf7: {  	[sflag:s30] =	ssyncadd.s32 $0xFFFFCE00  }
0xf8: {  	[tilespmem:s23], [sflag:$0x1] =	stream.indirect.gather [hbm4b:s1+s22], $0x80, s18, s22, $0xb8;
	[tilespmem:$0x1F480] =	vst v63  }
0xf9: {  	_ =	swait.ge [sflag:s31], $0x3200  }
0xfa: {  	s19 =	sld [smem:$0x7FD]  }
0xfb: {  	[sflag:s31] =	ssyncset.done $0x0  }
0xfc: {  	[sflag:s31] =	ssyncadd.s32 $0xFFFFCE00  }
0xfd: {  	[tilespmem:s24], [sflag:$0x2] =	stream.indirect.gather [hbm4b:s1+s22], $0x80, s19, s22, $0xb8;
	[tilespmem:$0x1F480] =	vst v63  }
0xfe: {  	_ =	swait.ge [sflag:s0], $0x3200  }
0xff: {  	[sflag:s0] =	ssyncset.done $0x0  }
0x100: {  	[sflag:s0] =	ssyncadd.s32 $0xFFFFCE00  }
0x101: {  	[tilespmem:s25], [sflag:$0x3] =	stream.indirect.gather [hbm4b:s1+s22], $0x80, s2, s22, $0xb8;
	[tilespmem:$0x1F480] =	vst v63  }
0x102: {  	_ =	swait.ge [sflag:s26], $0x3200  }
0x103: {  	[sflag:s26] =	ssyncset.done $0x0  }
0x104: {  	[sflag:s26] =	ssyncadd.s32 $0xFFFFCE00  }
0x105: {  	[spmem:s3] =	stream.indirect.scatter.add.f32 [tilespmem:s23], [sflag:$0x4], $0x80, s6, s22, $0xb8;
	[tilespmem:$0x1F480] =	vst v63  }
0x106: {  	_ =	swait.ge [sflag:s28], $0x3200  }
0x107: {  	[sflag:s28] =	ssyncset.done $0x0  }
0x108: {  	[sflag:s28] =	ssyncadd.s32 $0xFFFFCE00  }
0x109: {  	[spmem:s3] =	stream.indirect.scatter.add.f32 [tilespmem:s24], [sflag:$0x5], $0x80, s7, s22, $0xb8;
	[tilespmem:$0x1F480] =	vst v63  }
0x10a: {  	_ =	swait.ge [sflag:s29], $0x3200  }
0x10b: {  	[sflag:s29] =	ssyncset.done $0x0  }
0x10c: {  	[sflag:s29] =	ssyncadd.s32 $0xFFFFCE00  }
0x10d: {  	[spmem:s3] =	stream.indirect.scatter.add.f32 [tilespmem:s25], [sflag:$0x6], $0x80, s9, s22, $0xb8;
	[tilespmem:$0x1F480] =	vst v63  }
0x10e: {  	_ =	swait.ge [sflag:s30], $0x3200  }
0x10f: {  	[sflag:s30] =	ssyncset.done $0x0  }
0x110: {  	[sflag:s30] =	ssyncadd.s32 $0xFFFFCE00  }
0x111: {  	[tilespmem:s23], [sflag:$0x1] =	stream.indirect.gather [hbm4b:s1+s22], $0x80, s10, s22, $0xb8;
	[tilespmem:$0x1F480] =	vst v63  }
0x112: {  	_ =	swait.ge [sflag:s31], $0x3200  }
0x113: {  	[sflag:s31] =	ssyncset.done $0x0  }
0x114: {  	[sflag:s31] =	ssyncadd.s32 $0xFFFFCE00  }
0x115: {  	[tilespmem:s24], [sflag:$0x2] =	stream.indirect.gather [hbm4b:s1+s22], $0x80, s11, s22, $0xb8;
	[tilespmem:$0x1F480] =	vst v63  }
0x116: {  	_ =	swait.ge [sflag:s0], $0x3200  }
0x117: {  	[sflag:s0] =	ssyncset.done $0x0  }
0x118: {  	[sflag:s0] =	ssyncadd.s32 $0xFFFFCE00  }
0x119: {  	[tilespmem:s25], [sflag:$0x3] =	stream.indirect.gather [hbm4b:s1+s22], $0x80, s12, s22, $0xb8;
	[tilespmem:$0x1F480] =	vst v63  }
0x11a: {  	_ =	swait.ge [sflag:s26], $0x3200  }
0x11b: {  	[sflag:s26] =	ssyncset.done $0x0  }
0x11c: {  	[sflag:s26] =	ssyncadd.s32 $0xFFFFCE00  }
0x11d: {  	[spmem:s3] =	stream.indirect.scatter.add.f32 [tilespmem:s23], [sflag:$0x4], $0x80, s13, s22, $0xb8;
	[tilespmem:$0x1F480] =	vst v63  }
0x11e: {  	_ =	swait.ge [sflag:s28], $0x3200  }
0x11f: {  	[sflag:s28] =	ssyncset.done $0x0  }
0x120: {  	[sflag:s28] =	ssyncadd.s32 $0xFFFFCE00  }
0x121: {  	[spmem:s3] =	stream.indirect.scatter.add.f32 [tilespmem:s24], [sflag:$0x5], $0x80, s14, s22, $0xb8;
	[tilespmem:$0x1F480] =	vst v63  }
0x122: {  	_ =	swait.ge [sflag:s29], $0x3200  }
0x123: {  	[sflag:s29] =	ssyncset.done $0x0  }
0x124: {  	[sflag:s29] =	ssyncadd.s32 $0xFFFFCE00  }
0x125: {  	[spmem:s3] =	stream.indirect.scatter.add.f32 [tilespmem:s25], [sflag:$0x6], $0x80, s15, s22, $0xb8;
	[tilespmem:$0x1F480] =	vst v63  }
0x126: {  	_ =	swait.ge [sflag:s30], $0x3200  }
0x127: {  	[sflag:s30] =	ssyncset.done $0x0  }
0x128: {  	[sflag:s30] =	ssyncadd.s32 $0xFFFFCE00  }
0x129: {  	[tilespmem:s23], [sflag:$0x1] =	stream.indirect.gather [hbm4b:s1+s22], $0x80, s5, s22, $0xb8;
	[tilespmem:$0x1F480] =	vst v63  }
0x12a: {  	_ =	swait.ge [sflag:s31], $0x3200  }
0x12b: {  	[sflag:s31] =	ssyncset.done $0x0  }
0x12c: {  	[sflag:s31] =	ssyncadd.s32 $0xFFFFCE00  }
0x12d: {  	_ =	swait.ge [sflag:s0], $0x3200  }
0x12e: {  	[sflag:s0] =	ssyncset.done $0x0  }
0x12f: {  	[sflag:s0] =	ssyncadd.s32 $0xFFFFCE00  }
0x130: {  	_ =	swait.ge [sflag:s26], $0x3200  }
0x131: {  	[sflag:s26] =	ssyncset.done $0x0  }
0x132: {  	[sflag:s26] =	ssyncadd.s32 $0xFFFFCE00  }
0x133: {  	[spmem:s3] =	stream.indirect.scatter.add.f32 [tilespmem:s23], [sflag:$0x4], $0x80, s16, s22, $0xb8;
	[tilespmem:$0x1F480] =	vst v63  }
0x134: {  	s8 =	simm.s32 $0x200;
	_ =	swait.ge [sflag:s30], $0x3200  }
0x135: {  	s18 =	simm.s32 $0x400;
	s19 =	rddreg [dreg:$0x6];
	[sflag:s30] =	ssyncset.done $0x0  }
.LBB2_2:
0x136: {  	[sflag:s30] =	ssyncadd.s32 $0xFFFFCE00;
	s19 =	sadd.s32 s8, s19  }
0x137: {  	[tilespmem:s4], [sflag:$0x7] =	stream.linear.gather [hbm4b:s19+s4], $0xC80, $0x38;
	[tilespmem:$0x1F480] =	vst v63  }
0x138: {  	_ =	swait.ge [sflag:s20], $0xC80  }
0x139: {  	s19 =	rddreg [dreg:$0x5];
	[sflag:s20] =	ssyncset.done $0x0  }
0x13a: {  	[sflag:s20] =	ssyncadd.s32 $0xFFFFF380;
	s19 =	sadd.s32 s8, s19  }
0x13b: {  	[tilespmem:s21], [sflag:$0x7] =	stream.linear.gather [hbm4b:s19+s4], $0xC80, $0x38;
	[tilespmem:$0x1F480] =	vst v63  }
0x13c: {  	_ =	swait.ge [sflag:s20], $0xC80  }
0x13d: {  	[sflag:s20] =	ssyncset.done $0x0  }
0x13e: {  	s17 =	smov.u32 s18;
	[sflag:s20] =	ssyncadd.s32 $0xFFFFF380  }
0x13f: {  	[tilespmem:s23], [sflag:$0x1] =	stream.indirect.gather [hbm4b:s1+s22], $0x80, s4, s22, $0xb8;
	[tilespmem:$0x1F480] =	vst v63  }
0x140: {  	s8 =	smov.u32 s17;
	s17 =	rddreg [dreg:$0x7]  }
0x141: {  	[tilespmem:s24], [sflag:$0x2] =	stream.indirect.gather [hbm4b:s1+s22], $0x80, s17, s22, $0xb8;
	[tilespmem:$0x1F480] =	vst v63  }
0x142: {  	s19 =	rddreg [dreg:$0x8]  }
0x143: {  	[tilespmem:s25], [sflag:$0x3] =	stream.indirect.gather [hbm4b:s1+s22], $0x80, s19, s22, $0xb8;
	[tilespmem:$0x1F480] =	vst v63  }
0x144: {  	_ =	swait.ge [sflag:s26], $0x3200  }
0x145: {  	[sflag:s26] =	ssyncset.done $0x0  }
0x146: {  	[sflag:s26] =	ssyncadd.s32 $0xFFFFCE00  }
0x147: {  	[spmem:s3] =	stream.indirect.scatter.add.f32 [tilespmem:s23], [sflag:$0x4], $0x80, s21, s22, $0xb8;
	[tilespmem:$0x1F480] =	vst v63  }
0x148: {  	_ =	swait.ge [sflag:s28], $0x3200  }
0x149: {  	[sflag:s28] =	ssyncset.done $0x0  }
0x14a: {  	s19 =	rddreg [dreg:$0x9];
	[sflag:s28] =	ssyncadd.s32 $0xFFFFCE00  }
0x14b: {  	[spmem:s3] =	stream.indirect.scatter.add.f32 [tilespmem:s24], [sflag:$0x5], $0x80, s19, s22, $0xb8;
	[tilespmem:$0x1F480] =	vst v63  }
0x14c: {  	_ =	swait.ge [sflag:s29], $0x3200  }
0x14d: {  	[sflag:s29] =	ssyncset.done $0x0  }
0x14e: {  	s19 =	rddreg [dreg:$0xa];
	[sflag:s29] =	ssyncadd.s32 $0xFFFFCE00  }
0x14f: {  	[spmem:s3] =	stream.indirect.scatter.add.f32 [tilespmem:s25], [sflag:$0x6], $0x80, s19, s22, $0xb8;
	[tilespmem:$0x1F480] =	vst v63  }
0x150: {  	_ =	swait.ge [sflag:s30], $0x3200  }
0x151: {  	[sflag:s30] =	ssyncset.done $0x0  }
0x152: {  	s19 =	rddreg [dreg:$0xb];
	[sflag:s30] =	ssyncadd.s32 $0xFFFFCE00  }
0x153: {  	[tilespmem:s23], [sflag:$0x1] =	stream.indirect.gather [hbm4b:s1+s22], $0x80, s19, s22, $0xb8;
	[tilespmem:$0x1F480] =	vst v63  }
0x154: {  	_ =	swait.ge [sflag:s31], $0x3200  }
0x155: {  	[sflag:s31] =	ssyncset.done $0x0  }
0x156: {  	s19 =	rddreg [dreg:$0xc];
	[sflag:s31] =	ssyncadd.s32 $0xFFFFCE00  }
0x157: {  	[tilespmem:s24], [sflag:$0x2] =	stream.indirect.gather [hbm4b:s1+s22], $0x80, s19, s22, $0xb8;
	[tilespmem:$0x1F480] =	vst v63  }
0x158: {  	_ =	swait.ge [sflag:s0], $0x3200  }
0x159: {  	[sflag:s0] =	ssyncset.done $0x0  }
0x15a: {  	s19 =	rddreg [dreg:$0xd];
	[sflag:s0] =	ssyncadd.s32 $0xFFFFCE00  }
0x15b: {  	[tilespmem:s25], [sflag:$0x3] =	stream.indirect.gather [hbm4b:s1+s22], $0x80, s19, s22, $0xb8;
	[tilespmem:$0x1F480] =	vst v63  }
0x15c: {  	_ =	swait.ge [sflag:s26], $0x3200  }
0x15d: {  	[sflag:s26] =	ssyncset.done $0x0  }
0x15e: {  	s19 =	rddreg [dreg:$0xe];
	[sflag:s26] =	ssyncadd.s32 $0xFFFFCE00  }
0x15f: {  	[spmem:s3] =	stream.indirect.scatter.add.f32 [tilespmem:s23], [sflag:$0x4], $0x80, s19, s22, $0xb8;
	[tilespmem:$0x1F480] =	vst v63  }
0x160: {  	_ =	swait.ge [sflag:s28], $0x3200  }
0x161: {  	[sflag:s28] =	ssyncset.done $0x0  }
0x162: {  	s19 =	rddreg [dreg:$0xf];
	[sflag:s28] =	ssyncadd.s32 $0xFFFFCE00  }
0x163: {  	[spmem:s3] =	stream.indirect.scatter.add.f32 [tilespmem:s24], [sflag:$0x5], $0x80, s19, s22, $0xb8;
	[tilespmem:$0x1F480] =	vst v63  }
0x164: {  	_ =	swait.ge [sflag:s29], $0x3200  }
0x165: {  	[sflag:s29] =	ssyncset.done $0x0  }
0x166: {  	s19 =	rddreg [dreg:$0x10];
	[sflag:s29] =	ssyncadd.s32 $0xFFFFCE00  }
0x167: {  	[spmem:s3] =	stream.indirect.scatter.add.f32 [tilespmem:s25], [sflag:$0x6], $0x80, s19, s22, $0xb8;
	[tilespmem:$0x1F480] =	vst v63  }
0x168: {  	_ =	swait.ge [sflag:s30], $0x3200  }
0x169: {  	[sflag:s30] =	ssyncset.done $0x0  }
0x16a: {  	s19 =	rddreg [dreg:$0x11];
	[sflag:s30] =	ssyncadd.s32 $0xFFFFCE00  }
0x16b: {  	[tilespmem:s23], [sflag:$0x1] =	stream.indirect.gather [hbm4b:s1+s22], $0x80, s19, s22, $0xb8;
	[tilespmem:$0x1F480] =	vst v63  }
0x16c: {  	_ =	swait.ge [sflag:s31], $0x3200  }
0x16d: {  	[sflag:s31] =	ssyncset.done $0x0  }
0x16e: {  	s19 =	rddreg [dreg:$0x12];
	[sflag:s31] =	ssyncadd.s32 $0xFFFFCE00  }
0x16f: {  	[tilespmem:s24], [sflag:$0x2] =	stream.indirect.gather [hbm4b:s1+s22], $0x80, s19, s22, $0xb8;
	[tilespmem:$0x1F480] =	vst v63  }
0x170: {  	_ =	swait.ge [sflag:s0], $0x3200  }
0x171: {  	[sflag:s0] =	ssyncset.done $0x0  }
0x172: {  	s19 =	rddreg [dreg:$0x13];
	[sflag:s0] =	ssyncadd.s32 $0xFFFFCE00  }
0x173: {  	[tilespmem:s25], [sflag:$0x3] =	stream.indirect.gather [hbm4b:s1+s22], $0x80, s19, s22, $0xb8;
	[tilespmem:$0x1F480] =	vst v63  }
0x174: {  	_ =	swait.ge [sflag:s26], $0x3200  }
0x175: {  	[sflag:s26] =	ssyncset.done $0x0  }
0x176: {  	s19 =	rddreg [dreg:$0x14];
	[sflag:s26] =	ssyncadd.s32 $0xFFFFCE00  }
0x177: {  	[spmem:s3] =	stream.indirect.scatter.add.f32 [tilespmem:s23], [sflag:$0x4], $0x80, s19, s22, $0xb8;
	[tilespmem:$0x1F480] =	vst v63  }
0x178: {  	_ =	swait.ge [sflag:s28], $0x3200  }
0x179: {  	[sflag:s28] =	ssyncset.done $0x0  }
0x17a: {  	s19 =	rddreg [dreg:$0x15];
	[sflag:s28] =	ssyncadd.s32 $0xFFFFCE00  }
0x17b: {  	[spmem:s3] =	stream.indirect.scatter.add.f32 [tilespmem:s24], [sflag:$0x5], $0x80, s19, s22, $0xb8;
	[tilespmem:$0x1F480] =	vst v63  }
0x17c: {  	_ =	swait.ge [sflag:s29], $0x3200  }
0x17d: {  	[sflag:s29] =	ssyncset.done $0x0  }
0x17e: {  	s19 =	rddreg [dreg:$0x16];
	[sflag:s29] =	ssyncadd.s32 $0xFFFFCE00  }
0x17f: {  	[spmem:s3] =	stream.indirect.scatter.add.f32 [tilespmem:s25], [sflag:$0x6], $0x80, s19, s22, $0xb8;
	[tilespmem:$0x1F480] =	vst v63  }
0x180: {  	_ =	swait.ge [sflag:s30], $0x3200  }
0x181: {  	[sflag:s30] =	ssyncset.done $0x0  }
0x182: {  	s19 =	rddreg [dreg:$0x17];
	[sflag:s30] =	ssyncadd.s32 $0xFFFFCE00  }
0x183: {  	[tilespmem:s23], [sflag:$0x1] =	stream.indirect.gather [hbm4b:s1+s22], $0x80, s19, s22, $0xb8;
	[tilespmem:$0x1F480] =	vst v63  }
0x184: {  	_ =	swait.ge [sflag:s31], $0x3200  }
0x185: {  	[sflag:s31] =	ssyncset.done $0x0  }
0x186: {  	s19 =	rddreg [dreg:$0x18];
	[sflag:s31] =	ssyncadd.s32 $0xFFFFCE00  }
0x187: {  	[tilespmem:s24], [sflag:$0x2] =	stream.indirect.gather [hbm4b:s1+s22], $0x80, s19, s22, $0xb8;
	[tilespmem:$0x1F480] =	vst v63  }
0x188: {  	_ =	swait.ge [sflag:s0], $0x3200  }
0x189: {  	[sflag:s0] =	ssyncset.done $0x0  }
0x18a: {  	s19 =	rddreg [dreg:$0x19];
	[sflag:s0] =	ssyncadd.s32 $0xFFFFCE00  }
0x18b: {  	[tilespmem:s25], [sflag:$0x3] =	stream.indirect.gather [hbm4b:s1+s22], $0x80, s19, s22, $0xb8;
	[tilespmem:$0x1F480] =	vst v63  }
0x18c: {  	_ =	swait.ge [sflag:s26], $0x3200  }
0x18d: {  	[sflag:s26] =	ssyncset.done $0x0  }
0x18e: {  	s19 =	rddreg [dreg:$0x1a];
	[sflag:s26] =	ssyncadd.s32 $0xFFFFCE00  }
0x18f: {  	[spmem:s3] =	stream.indirect.scatter.add.f32 [tilespmem:s23], [sflag:$0x4], $0x80, s19, s22, $0xb8;
	[tilespmem:$0x1F480] =	vst v63  }
0x190: {  	_ =	swait.ge [sflag:s28], $0x3200  }
0x191: {  	[sflag:s28] =	ssyncset.done $0x0  }
0x192: {  	s19 =	rddreg [dreg:$0x1b];
	[sflag:s28] =	ssyncadd.s32 $0xFFFFCE00  }
0x193: {  	[spmem:s3] =	stream.indirect.scatter.add.f32 [tilespmem:s24], [sflag:$0x5], $0x80, s19, s22, $0xb8;
	[tilespmem:$0x1F480] =	vst v63  }
0x194: {  	_ =	swait.ge [sflag:s29], $0x3200  }
0x195: {  	[sflag:s29] =	ssyncset.done $0x0  }
0x196: {  	s19 =	rddreg [dreg:$0x1c];
	[sflag:s29] =	ssyncadd.s32 $0xFFFFCE00  }
0x197: {  	[spmem:s3] =	stream.indirect.scatter.add.f32 [tilespmem:s25], [sflag:$0x6], $0x80, s19, s22, $0xb8;
	[tilespmem:$0x1F480] =	vst v63  }
0x198: {  	_ =	swait.ge [sflag:s30], $0x3200  }
0x199: {  	[sflag:s30] =	ssyncset.done $0x0  }
0x19a: {  	s19 =	rddreg [dreg:$0x1d];
	[sflag:s30] =	ssyncadd.s32 $0xFFFFCE00  }
0x19b: {  	[tilespmem:s23], [sflag:$0x1] =	stream.indirect.gather [hbm4b:s1+s22], $0x80, s19, s22, $0xb8;
	[tilespmem:$0x1F480] =	vst v63  }
0x19c: {  	_ =	swait.ge [sflag:s31], $0x3200  }
0x19d: {  	[sflag:s31] =	ssyncset.done $0x0  }
0x19e: {  	s19 =	rddreg [dreg:$0x1e];
	[sflag:s31] =	ssyncadd.s32 $0xFFFFCE00  }
0x19f: {  	[tilespmem:s24], [sflag:$0x2] =	stream.indirect.gather [hbm4b:s1+s22], $0x80, s19, s22, $0xb8;
	[tilespmem:$0x1F480] =	vst v63  }
0x1a0: {  	_ =	swait.ge [sflag:s0], $0x3200  }
0x1a1: {  	[sflag:s0] =	ssyncset.done $0x0  }
0x1a2: {  	s19 =	rddreg [dreg:$0x1f];
	[sflag:s0] =	ssyncadd.s32 $0xFFFFCE00  }
0x1a3: {  	[tilespmem:s25], [sflag:$0x3] =	stream.indirect.gather [hbm4b:s1+s22], $0x80, s19, s22, $0xb8;
	[tilespmem:$0x1F480] =	vst v63  }
0x1a4: {  	_ =	swait.ge [sflag:s26], $0x3200  }
0x1a5: {  	s19 =	sld [smem:$0x7F0]  }
0x1a6: {  	[sflag:s26] =	ssyncset.done $0x0  }
0x1a7: {  	[sflag:s26] =	ssyncadd.s32 $0xFFFFCE00  }
0x1a8: {  	[spmem:s3] =	stream.indirect.scatter.add.f32 [tilespmem:s23], [sflag:$0x4], $0x80, s19, s22, $0xb8;
	[tilespmem:$0x1F480] =	vst v63  }
0x1a9: {  	_ =	swait.ge [sflag:s28], $0x3200  }
0x1aa: {  	s19 =	sld [smem:$0x7F1]  }
0x1ab: {  	[sflag:s28] =	ssyncset.done $0x0  }
0x1ac: {  	[sflag:s28] =	ssyncadd.s32 $0xFFFFCE00  }
0x1ad: {  	[spmem:s3] =	stream.indirect.scatter.add.f32 [tilespmem:s24], [sflag:$0x5], $0x80, s19, s22, $0xb8;
	[tilespmem:$0x1F480] =	vst v63  }
0x1ae: {  	_ =	swait.ge [sflag:s29], $0x3200  }
0x1af: {  	s19 =	sld [smem:$0x7F2]  }
0x1b0: {  	[sflag:s29] =	ssyncset.done $0x0  }
0x1b1: {  	[sflag:s29] =	ssyncadd.s32 $0xFFFFCE00  }
0x1b2: {  	[spmem:s3] =	stream.indirect.scatter.add.f32 [tilespmem:s25], [sflag:$0x6], $0x80, s19, s22, $0xb8;
	[tilespmem:$0x1F480] =	vst v63  }
0x1b3: {  	_ =	swait.ge [sflag:s30], $0x3200  }
0x1b4: {  	s19 =	sld [smem:$0x7F4]  }
0x1b5: {  	[sflag:s30] =	ssyncset.done $0x0  }
0x1b6: {  	[sflag:s30] =	ssyncadd.s32 $0xFFFFCE00  }
0x1b7: {  	[tilespmem:s23], [sflag:$0x1] =	stream.indirect.gather [hbm4b:s1+s22], $0x80, s19, s22, $0xb8;
	[tilespmem:$0x1F480] =	vst v63  }
0x1b8: {  	_ =	swait.ge [sflag:s31], $0x3200  }
0x1b9: {  	s19 =	sld [smem:$0x7F7]  }
0x1ba: {  	[sflag:s31] =	ssyncset.done $0x0  }
0x1bb: {  	[sflag:s31] =	ssyncadd.s32 $0xFFFFCE00  }
0x1bc: {  	[tilespmem:s24], [sflag:$0x2] =	stream.indirect.gather [hbm4b:s1+s22], $0x80, s19, s22, $0xb8;
	[tilespmem:$0x1F480] =	vst v63  }
0x1bd: {  	_ =	swait.ge [sflag:s0], $0x3200  }
0x1be: {  	s19 =	sld [smem:$0x7F8]  }
0x1bf: {  	[sflag:s0] =	ssyncset.done $0x0  }
0x1c0: {  	[sflag:s0] =	ssyncadd.s32 $0xFFFFCE00  }
0x1c1: {  	[tilespmem:s25], [sflag:$0x3] =	stream.indirect.gather [hbm4b:s1+s22], $0x80, s19, s22, $0xb8;
	[tilespmem:$0x1F480] =	vst v63  }
0x1c2: {  	_ =	swait.ge [sflag:s26], $0x3200  }
0x1c3: {  	s19 =	sld [smem:$0x7F9]  }
0x1c4: {  	[sflag:s26] =	ssyncset.done $0x0  }
0x1c5: {  	[sflag:s26] =	ssyncadd.s32 $0xFFFFCE00  }
0x1c6: {  	[spmem:s3] =	stream.indirect.scatter.add.f32 [tilespmem:s23], [sflag:$0x4], $0x80, s19, s22, $0xb8;
	[tilespmem:$0x1F480] =	vst v63  }
0x1c7: {  	_ =	swait.ge [sflag:s28], $0x3200  }
0x1c8: {  	s19 =	sld [smem:$0x7FA]  }
0x1c9: {  	[sflag:s28] =	ssyncset.done $0x0  }
0x1ca: {  	[sflag:s28] =	ssyncadd.s32 $0xFFFFCE00  }
0x1cb: {  	[spmem:s3] =	stream.indirect.scatter.add.f32 [tilespmem:s24], [sflag:$0x5], $0x80, s19, s22, $0xb8;
	[tilespmem:$0x1F480] =	vst v63  }
0x1cc: {  	_ =	swait.ge [sflag:s29], $0x3200  }
0x1cd: {  	s19 =	sld [smem:$0x7FB]  }
0x1ce: {  	[sflag:s29] =	ssyncset.done $0x0  }
0x1cf: {  	[sflag:s29] =	ssyncadd.s32 $0xFFFFCE00  }
0x1d0: {  	[spmem:s3] =	stream.indirect.scatter.add.f32 [tilespmem:s25], [sflag:$0x6], $0x80, s19, s22, $0xb8;
	[tilespmem:$0x1F480] =	vst v63  }
0x1d1: {  	_ =	swait.ge [sflag:s30], $0x3200  }
0x1d2: {  	s19 =	sld [smem:$0x7FC]  }
0x1d3: {  	[sflag:s30] =	ssyncset.done $0x0  }
0x1d4: {  	[sflag:s30] =	ssyncadd.s32 $0xFFFFCE00  }
0x1d5: {  	[tilespmem:s23], [sflag:$0x1] =	stream.indirect.gather [hbm4b:s1+s22], $0x80, s19, s22, $0xb8;
	[tilespmem:$0x1F480] =	vst v63  }
0x1d6: {  	_ =	swait.ge [sflag:s31], $0x3200  }
0x1d7: {  	s19 =	sld [smem:$0x7FD]  }
0x1d8: {  	[sflag:s31] =	ssyncset.done $0x0  }
0x1d9: {  	[sflag:s31] =	ssyncadd.s32 $0xFFFFCE00  }
0x1da: {  	[tilespmem:s24], [sflag:$0x2] =	stream.indirect.gather [hbm4b:s1+s22], $0x80, s19, s22, $0xb8;
	[tilespmem:$0x1F480] =	vst v63  }
0x1db: {  	_ =	swait.ge [sflag:s0], $0x3200  }
0x1dc: {  	[sflag:s0] =	ssyncset.done $0x0  }
0x1dd: {  	[sflag:s0] =	ssyncadd.s32 $0xFFFFCE00  }
0x1de: {  	[tilespmem:s25], [sflag:$0x3] =	stream.indirect.gather [hbm4b:s1+s22], $0x80, s2, s22, $0xb8;
	[tilespmem:$0x1F480] =	vst v63  }
0x1df: {  	_ =	swait.ge [sflag:s26], $0x3200  }
0x1e0: {  	[sflag:s26] =	ssyncset.done $0x0  }
0x1e1: {  	[sflag:s26] =	ssyncadd.s32 $0xFFFFCE00  }
0x1e2: {  	[spmem:s3] =	stream.indirect.scatter.add.f32 [tilespmem:s23], [sflag:$0x4], $0x80, s6, s22, $0xb8;
	[tilespmem:$0x1F480] =	vst v63  }
0x1e3: {  	_ =	swait.ge [sflag:s28], $0x3200  }
0x1e4: {  	[sflag:s28] =	ssyncset.done $0x0  }
0x1e5: {  	[sflag:s28] =	ssyncadd.s32 $0xFFFFCE00  }
0x1e6: {  	[spmem:s3] =	stream.indirect.scatter.add.f32 [tilespmem:s24], [sflag:$0x5], $0x80, s7, s22, $0xb8;
	[tilespmem:$0x1F480] =	vst v63  }
0x1e7: {  	_ =	swait.ge [sflag:s29], $0x3200  }
0x1e8: {  	[sflag:s29] =	ssyncset.done $0x0  }
0x1e9: {  	[sflag:s29] =	ssyncadd.s32 $0xFFFFCE00  }
0x1ea: {  	[spmem:s3] =	stream.indirect.scatter.add.f32 [tilespmem:s25], [sflag:$0x6], $0x80, s9, s22, $0xb8;
	[tilespmem:$0x1F480] =	vst v63  }
0x1eb: {  	_ =	swait.ge [sflag:s30], $0x3200  }
0x1ec: {  	[sflag:s30] =	ssyncset.done $0x0  }
0x1ed: {  	[sflag:s30] =	ssyncadd.s32 $0xFFFFCE00  }
0x1ee: {  	[tilespmem:s23], [sflag:$0x1] =	stream.indirect.gather [hbm4b:s1+s22], $0x80, s10, s22, $0xb8;
	[tilespmem:$0x1F480] =	vst v63  }
0x1ef: {  	_ =	swait.ge [sflag:s31], $0x3200  }
0x1f0: {  	[sflag:s31] =	ssyncset.done $0x0  }
0x1f1: {  	[sflag:s31] =	ssyncadd.s32 $0xFFFFCE00  }
0x1f2: {  	[tilespmem:s24], [sflag:$0x2] =	stream.indirect.gather [hbm4b:s1+s22], $0x80, s11, s22, $0xb8;
	[tilespmem:$0x1F480] =	vst v63  }
0x1f3: {  	_ =	swait.ge [sflag:s0], $0x3200  }
0x1f4: {  	[sflag:s0] =	ssyncset.done $0x0  }
0x1f5: {  	[sflag:s0] =	ssyncadd.s32 $0xFFFFCE00  }
0x1f6: {  	[tilespmem:s25], [sflag:$0x3] =	stream.indirect.gather [hbm4b:s1+s22], $0x80, s12, s22, $0xb8;
	[tilespmem:$0x1F480] =	vst v63  }
0x1f7: {  	_ =	swait.ge [sflag:s26], $0x3200  }
0x1f8: {  	[sflag:s26] =	ssyncset.done $0x0  }
0x1f9: {  	[sflag:s26] =	ssyncadd.s32 $0xFFFFCE00  }
0x1fa: {  	[spmem:s3] =	stream.indirect.scatter.add.f32 [tilespmem:s23], [sflag:$0x4], $0x80, s13, s22, $0xb8;
	[tilespmem:$0x1F480] =	vst v63  }
0x1fb: {  	_ =	swait.ge [sflag:s28], $0x3200  }
0x1fc: {  	[sflag:s28] =	ssyncset.done $0x0  }
0x1fd: {  	[sflag:s28] =	ssyncadd.s32 $0xFFFFCE00  }
0x1fe: {  	[spmem:s3] =	stream.indirect.scatter.add.f32 [tilespmem:s24], [sflag:$0x5], $0x80, s14, s22, $0xb8;
	[tilespmem:$0x1F480] =	vst v63  }
0x1ff: {  	_ =	swait.ge [sflag:s29], $0x3200  }
0x200: {  	[sflag:s29] =	ssyncset.done $0x0  }
0x201: {  	[sflag:s29] =	ssyncadd.s32 $0xFFFFCE00  }
0x202: {  	[spmem:s3] =	stream.indirect.scatter.add.f32 [tilespmem:s25], [sflag:$0x6], $0x80, s15, s22, $0xb8;
	[tilespmem:$0x1F480] =	vst v63  }
0x203: {  	_ =	swait.ge [sflag:s30], $0x3200  }
0x204: {  	[sflag:s30] =	ssyncset.done $0x0  }
0x205: {  	[sflag:s30] =	ssyncadd.s32 $0xFFFFCE00  }
0x206: {  	[tilespmem:s23], [sflag:$0x1] =	stream.indirect.gather [hbm4b:s1+s22], $0x80, s5, s22, $0xb8;
	[tilespmem:$0x1F480] =	vst v63  }
0x207: {  	_ =	swait.ge [sflag:s31], $0x3200  }
0x208: {  	[sflag:s31] =	ssyncset.done $0x0  }
0x209: {  	[sflag:s31] =	ssyncadd.s32 $0xFFFFCE00  }
0x20a: {  	_ =	swait.ge [sflag:s0], $0x3200  }
0x20b: {  	[sflag:s0] =	ssyncset.done $0x0  }
0x20c: {  	[sflag:s0] =	ssyncadd.s32 $0xFFFFCE00  }
0x20d: {  	p5 =	sne.s32 s18, $0x600;
	_ =	swait.ge [sflag:s26], $0x3200  }
.Ltmp0:
0x20e: {  	[sflag:s26] =	ssyncset.done $0x0;
	(pc) =	sbr.rel @p5 .LBB2_2-.Ltmp0, $4  }
0x20f: {  	[sflag:s26] =	ssyncadd.s32 $0xFFFFCE00  }
0x210: {  	[spmem:s3] =	stream.indirect.scatter.add.f32 [tilespmem:s23], [sflag:$0x4], $0x80, s16, s22, $0xb8;
	[tilespmem:$0x1F480] =	vst v63  }
0x211: {  	_ =	swait.ge [sflag:s30], $0x3200  }
0x212: {  	s18 =	sadd.s32 $0x200, s18;
	s19 =	rddreg [dreg:$0x6];
	[sflag:s30] =	ssyncset.done $0x0  }
0x213: {  	[sflag:s30] =	ssyncadd.s32 $0xFFFFCE00;
	s17 =	sadd.s32 s8, s19  }
0x214: {  	[tilespmem:s4], [sflag:$0x7] =	stream.linear.gather [hbm4b:s17+s4], $0xC80, $0x38;
	[tilespmem:$0x1F480] =	vst v63  }
0x215: {  	_ =	swait.ge [sflag:s20], $0xC80  }
0x216: {  	s18 =	rddreg [dreg:$0x5];
	[sflag:s20] =	ssyncset.done $0x0  }
0x217: {  	[sflag:s20] =	ssyncadd.s32 $0xFFFFF380;
	s19 =	sadd.s32 s8, s18  }
0x218: {  	[tilespmem:s21], [sflag:$0x7] =	stream.linear.gather [hbm4b:s19+s4], $0xC80, $0x38;
	[tilespmem:$0x1F480] =	vst v63  }
0x219: {  	_ =	swait.ge [sflag:s20], $0xC80  }
0x21a: {  	[sflag:s20] =	ssyncset.done $0x0  }
0x21b: {  	[sflag:s20] =	ssyncadd.s32 $0xFFFFF380  }
0x21c: {  	[tilespmem:s23], [sflag:$0x1] =	stream.indirect.gather [hbm4b:s1+s22], $0x80, s4, s22, $0xb8;
	[tilespmem:$0x1F480] =	vst v63  }
0x21d: {  	s17 =	rddreg [dreg:$0x7]  }
0x21e: {  	[tilespmem:s24], [sflag:$0x2] =	stream.indirect.gather [hbm4b:s1+s22], $0x80, s17, s22, $0xb8;
	[tilespmem:$0x1F480] =	vst v63  }
0x21f: {  	s18 =	rddreg [dreg:$0x8]  }
0x220: {  	[tilespmem:s25], [sflag:$0x3] =	stream.indirect.gather [hbm4b:s1+s22], $0x80, s18, s22, $0xb8;
	[tilespmem:$0x1F480] =	vst v63  }
0x221: {  	_ =	swait.ge [sflag:s26], $0x3200  }
0x222: {  	[sflag:s26] =	ssyncset.done $0x0  }
0x223: {  	[sflag:s26] =	ssyncadd.s32 $0xFFFFCE00  }
0x224: {  	[spmem:s3] =	stream.indirect.scatter.add.f32 [tilespmem:s23], [sflag:$0x4], $0x80, s21, s22, $0xb8;
	[tilespmem:$0x1F480] =	vst v63  }
0x225: {  	_ =	swait.ge [sflag:s28], $0x3200  }
0x226: {  	[sflag:s28] =	ssyncset.done $0x0  }
0x227: {  	s19 =	rddreg [dreg:$0x9];
	[sflag:s28] =	ssyncadd.s32 $0xFFFFCE00  }
0x228: {  	[spmem:s3] =	stream.indirect.scatter.add.f32 [tilespmem:s24], [sflag:$0x5], $0x80, s19, s22, $0xb8;
	[tilespmem:$0x1F480] =	vst v63  }
0x229: {  	_ =	swait.ge [sflag:s29], $0x3200  }
0x22a: {  	[sflag:s29] =	ssyncset.done $0x0  }
0x22b: {  	s17 =	rddreg [dreg:$0xa];
	[sflag:s29] =	ssyncadd.s32 $0xFFFFCE00  }
0x22c: {  	[spmem:s3] =	stream.indirect.scatter.add.f32 [tilespmem:s25], [sflag:$0x6], $0x80, s17, s22, $0xb8;
	[tilespmem:$0x1F480] =	vst v63  }
0x22d: {  	_ =	swait.ge [sflag:s30], $0x3200  }
0x22e: {  	[sflag:s30] =	ssyncset.done $0x0  }
0x22f: {  	s18 =	rddreg [dreg:$0xb];
	[sflag:s30] =	ssyncadd.s32 $0xFFFFCE00  }
0x230: {  	[tilespmem:s23], [sflag:$0x1] =	stream.indirect.gather [hbm4b:s1+s22], $0x80, s18, s22, $0xb8;
	[tilespmem:$0x1F480] =	vst v63  }
0x231: {  	_ =	swait.ge [sflag:s31], $0x3200  }
0x232: {  	[sflag:s31] =	ssyncset.done $0x0  }
0x233: {  	s19 =	rddreg [dreg:$0xc];
	[sflag:s31] =	ssyncadd.s32 $0xFFFFCE00  }
0x234: {  	[tilespmem:s24], [sflag:$0x2] =	stream.indirect.gather [hbm4b:s1+s22], $0x80, s19, s22, $0xb8;
	[tilespmem:$0x1F480] =	vst v63  }
0x235: {  	_ =	swait.ge [sflag:s0], $0x3200  }
0x236: {  	[sflag:s0] =	ssyncset.done $0x0  }
0x237: {  	s17 =	rddreg [dreg:$0xd];
	[sflag:s0] =	ssyncadd.s32 $0xFFFFCE00  }
0x238: {  	[tilespmem:s25], [sflag:$0x3] =	stream.indirect.gather [hbm4b:s1+s22], $0x80, s17, s22, $0xb8;
	[tilespmem:$0x1F480] =	vst v63  }
0x239: {  	_ =	swait.ge [sflag:s26], $0x3200  }
0x23a: {  	[sflag:s26] =	ssyncset.done $0x0  }
0x23b: {  	s18 =	rddreg [dreg:$0xe];
	[sflag:s26] =	ssyncadd.s32 $0xFFFFCE00  }
0x23c: {  	[spmem:s3] =	stream.indirect.scatter.add.f32 [tilespmem:s23], [sflag:$0x4], $0x80, s18, s22, $0xb8;
	[tilespmem:$0x1F480] =	vst v63  }
0x23d: {  	_ =	swait.ge [sflag:s28], $0x3200  }
0x23e: {  	[sflag:s28] =	ssyncset.done $0x0  }
0x23f: {  	s19 =	rddreg [dreg:$0xf];
	[sflag:s28] =	ssyncadd.s32 $0xFFFFCE00  }
0x240: {  	[spmem:s3] =	stream.indirect.scatter.add.f32 [tilespmem:s24], [sflag:$0x5], $0x80, s19, s22, $0xb8;
	[tilespmem:$0x1F480] =	vst v63  }
0x241: {  	_ =	swait.ge [sflag:s29], $0x3200  }
0x242: {  	[sflag:s29] =	ssyncset.done $0x0  }
0x243: {  	s17 =	rddreg [dreg:$0x10];
	[sflag:s29] =	ssyncadd.s32 $0xFFFFCE00  }
0x244: {  	[spmem:s3] =	stream.indirect.scatter.add.f32 [tilespmem:s25], [sflag:$0x6], $0x80, s17, s22, $0xb8;
	[tilespmem:$0x1F480] =	vst v63  }
0x245: {  	_ =	swait.ge [sflag:s30], $0x3200  }
0x246: {  	[sflag:s30] =	ssyncset.done $0x0  }
0x247: {  	s18 =	rddreg [dreg:$0x11];
	[sflag:s30] =	ssyncadd.s32 $0xFFFFCE00  }
0x248: {  	[tilespmem:s23], [sflag:$0x1] =	stream.indirect.gather [hbm4b:s1+s22], $0x80, s18, s22, $0xb8;
	[tilespmem:$0x1F480] =	vst v63  }
0x249: {  	_ =	swait.ge [sflag:s31], $0x3200  }
0x24a: {  	[sflag:s31] =	ssyncset.done $0x0  }
0x24b: {  	s19 =	rddreg [dreg:$0x12];
	[sflag:s31] =	ssyncadd.s32 $0xFFFFCE00  }
0x24c: {  	[tilespmem:s24], [sflag:$0x2] =	stream.indirect.gather [hbm4b:s1+s22], $0x80, s19, s22, $0xb8;
	[tilespmem:$0x1F480] =	vst v63  }
0x24d: {  	_ =	swait.ge [sflag:s0], $0x3200  }
0x24e: {  	[sflag:s0] =	ssyncset.done $0x0  }
0x24f: {  	s17 =	rddreg [dreg:$0x13];
	[sflag:s0] =	ssyncadd.s32 $0xFFFFCE00  }
0x250: {  	[tilespmem:s25], [sflag:$0x3] =	stream.indirect.gather [hbm4b:s1+s22], $0x80, s17, s22, $0xb8;
	[tilespmem:$0x1F480] =	vst v63  }
0x251: {  	_ =	swait.ge [sflag:s26], $0x3200  }
0x252: {  	[sflag:s26] =	ssyncset.done $0x0  }
0x253: {  	s18 =	rddreg [dreg:$0x14];
	[sflag:s26] =	ssyncadd.s32 $0xFFFFCE00  }
0x254: {  	[spmem:s3] =	stream.indirect.scatter.add.f32 [tilespmem:s23], [sflag:$0x4], $0x80, s18, s22, $0xb8;
	[tilespmem:$0x1F480] =	vst v63  }
0x255: {  	_ =	swait.ge [sflag:s28], $0x3200  }
0x256: {  	[sflag:s28] =	ssyncset.done $0x0  }
0x257: {  	s19 =	rddreg [dreg:$0x15];
	[sflag:s28] =	ssyncadd.s32 $0xFFFFCE00  }
0x258: {  	[spmem:s3] =	stream.indirect.scatter.add.f32 [tilespmem:s24], [sflag:$0x5], $0x80, s19, s22, $0xb8;
	[tilespmem:$0x1F480] =	vst v63  }
0x259: {  	_ =	swait.ge [sflag:s29], $0x3200  }
0x25a: {  	[sflag:s29] =	ssyncset.done $0x0  }
0x25b: {  	s17 =	rddreg [dreg:$0x16];
	[sflag:s29] =	ssyncadd.s32 $0xFFFFCE00  }
0x25c: {  	[spmem:s3] =	stream.indirect.scatter.add.f32 [tilespmem:s25], [sflag:$0x6], $0x80, s17, s22, $0xb8;
	[tilespmem:$0x1F480] =	vst v63  }
0x25d: {  	_ =	swait.ge [sflag:s30], $0x3200  }
0x25e: {  	[sflag:s30] =	ssyncset.done $0x0  }
0x25f: {  	s18 =	rddreg [dreg:$0x17];
	[sflag:s30] =	ssyncadd.s32 $0xFFFFCE00  }
0x260: {  	[tilespmem:s23], [sflag:$0x1] =	stream.indirect.gather [hbm4b:s1+s22], $0x80, s18, s22, $0xb8;
	[tilespmem:$0x1F480] =	vst v63  }
0x261: {  	_ =	swait.ge [sflag:s31], $0x3200  }
0x262: {  	[sflag:s31] =	ssyncset.done $0x0  }
0x263: {  	s19 =	rddreg [dreg:$0x18];
	[sflag:s31] =	ssyncadd.s32 $0xFFFFCE00  }
0x264: {  	[tilespmem:s24], [sflag:$0x2] =	stream.indirect.gather [hbm4b:s1+s22], $0x80, s19, s22, $0xb8;
	[tilespmem:$0x1F480] =	vst v63  }
0x265: {  	_ =	swait.ge [sflag:s0], $0x3200  }
0x266: {  	[sflag:s0] =	ssyncset.done $0x0  }
0x267: {  	s17 =	rddreg [dreg:$0x19];
	[sflag:s0] =	ssyncadd.s32 $0xFFFFCE00  }
0x268: {  	[tilespmem:s25], [sflag:$0x3] =	stream.indirect.gather [hbm4b:s1+s22], $0x80, s17, s22, $0xb8;
	[tilespmem:$0x1F480] =	vst v63  }
0x269: {  	_ =	swait.ge [sflag:s26], $0x3200  }
0x26a: {  	[sflag:s26] =	ssyncset.done $0x0  }
0x26b: {  	s18 =	rddreg [dreg:$0x1a];
	[sflag:s26] =	ssyncadd.s32 $0xFFFFCE00  }
0x26c: {  	[spmem:s3] =	stream.indirect.scatter.add.f32 [tilespmem:s23], [sflag:$0x4], $0x80, s18, s22, $0xb8;
	[tilespmem:$0x1F480] =	vst v63  }
0x26d: {  	_ =	swait.ge [sflag:s28], $0x3200  }
0x26e: {  	[sflag:s28] =	ssyncset.done $0x0  }
0x26f: {  	s19 =	rddreg [dreg:$0x1b];
	[sflag:s28] =	ssyncadd.s32 $0xFFFFCE00  }
0x270: {  	[spmem:s3] =	stream.indirect.scatter.add.f32 [tilespmem:s24], [sflag:$0x5], $0x80, s19, s22, $0xb8;
	[tilespmem:$0x1F480] =	vst v63  }
0x271: {  	_ =	swait.ge [sflag:s29], $0x3200  }
0x272: {  	[sflag:s29] =	ssyncset.done $0x0  }
0x273: {  	s17 =	rddreg [dreg:$0x1c];
	[sflag:s29] =	ssyncadd.s32 $0xFFFFCE00  }
0x274: {  	[spmem:s3] =	stream.indirect.scatter.add.f32 [tilespmem:s25], [sflag:$0x6], $0x80, s17, s22, $0xb8;
	[tilespmem:$0x1F480] =	vst v63  }
0x275: {  	_ =	swait.ge [sflag:s30], $0x3200  }
0x276: {  	[sflag:s30] =	ssyncset.done $0x0  }
0x277: {  	s18 =	rddreg [dreg:$0x1d];
	[sflag:s30] =	ssyncadd.s32 $0xFFFFCE00  }
0x278: {  	[tilespmem:s23], [sflag:$0x1] =	stream.indirect.gather [hbm4b:s1+s22], $0x80, s18, s22, $0xb8;
	[tilespmem:$0x1F480] =	vst v63  }
0x279: {  	_ =	swait.ge [sflag:s31], $0x3200  }
0x27a: {  	[sflag:s31] =	ssyncset.done $0x0  }
0x27b: {  	s19 =	rddreg [dreg:$0x1e];
	[sflag:s31] =	ssyncadd.s32 $0xFFFFCE00  }
0x27c: {  	[tilespmem:s24], [sflag:$0x2] =	stream.indirect.gather [hbm4b:s1+s22], $0x80, s19, s22, $0xb8;
	[tilespmem:$0x1F480] =	vst v63  }
0x27d: {  	_ =	swait.ge [sflag:s0], $0x3200  }
0x27e: {  	[sflag:s0] =	ssyncset.done $0x0  }
0x27f: {  	s17 =	rddreg [dreg:$0x1f];
	[sflag:s0] =	ssyncadd.s32 $0xFFFFCE00  }
0x280: {  	[tilespmem:s25], [sflag:$0x3] =	stream.indirect.gather [hbm4b:s1+s22], $0x80, s17, s22, $0xb8;
	[tilespmem:$0x1F480] =	vst v63  }
0x281: {  	_ =	swait.ge [sflag:s26], $0x3200  }
0x282: {  	s18 =	sld [smem:$0x7F0]  }
0x283: {  	[sflag:s26] =	ssyncset.done $0x0  }
0x284: {  	[sflag:s26] =	ssyncadd.s32 $0xFFFFCE00  }
0x285: {  	[spmem:s3] =	stream.indirect.scatter.add.f32 [tilespmem:s23], [sflag:$0x4], $0x80, s18, s22, $0xb8;
	[tilespmem:$0x1F480] =	vst v63  }
0x286: {  	_ =	swait.ge [sflag:s28], $0x3200  }
0x287: {  	s19 =	sld [smem:$0x7F1]  }
0x288: {  	[sflag:s28] =	ssyncset.done $0x0  }
0x289: {  	[sflag:s28] =	ssyncadd.s32 $0xFFFFCE00  }
0x28a: {  	[spmem:s3] =	stream.indirect.scatter.add.f32 [tilespmem:s24], [sflag:$0x5], $0x80, s19, s22, $0xb8;
	[tilespmem:$0x1F480] =	vst v63  }
0x28b: {  	_ =	swait.ge [sflag:s29], $0x3200  }
0x28c: {  	s17 =	sld [smem:$0x7F2]  }
0x28d: {  	[sflag:s29] =	ssyncset.done $0x0  }
0x28e: {  	[sflag:s29] =	ssyncadd.s32 $0xFFFFCE00  }
0x28f: {  	[spmem:s3] =	stream.indirect.scatter.add.f32 [tilespmem:s25], [sflag:$0x6], $0x80, s17, s22, $0xb8;
	[tilespmem:$0x1F480] =	vst v63  }
0x290: {  	_ =	swait.ge [sflag:s30], $0x3200  }
0x291: {  	s18 =	sld [smem:$0x7F4]  }
0x292: {  	[sflag:s30] =	ssyncset.done $0x0  }
0x293: {  	[sflag:s30] =	ssyncadd.s32 $0xFFFFCE00  }
0x294: {  	[tilespmem:s23], [sflag:$0x1] =	stream.indirect.gather [hbm4b:s1+s22], $0x80, s18, s22, $0xb8;
	[tilespmem:$0x1F480] =	vst v63  }
0x295: {  	_ =	swait.ge [sflag:s31], $0x3200  }
0x296: {  	s19 =	sld [smem:$0x7F7]  }
0x297: {  	[sflag:s31] =	ssyncset.done $0x0  }
0x298: {  	[sflag:s31] =	ssyncadd.s32 $0xFFFFCE00  }
0x299: {  	[tilespmem:s24], [sflag:$0x2] =	stream.indirect.gather [hbm4b:s1+s22], $0x80, s19, s22, $0xb8;
	[tilespmem:$0x1F480] =	vst v63  }
0x29a: {  	_ =	swait.ge [sflag:s0], $0x3200  }
0x29b: {  	s17 =	sld [smem:$0x7F8]  }
0x29c: {  	[sflag:s0] =	ssyncset.done $0x0  }
0x29d: {  	[sflag:s0] =	ssyncadd.s32 $0xFFFFCE00  }
0x29e: {  	[tilespmem:s25], [sflag:$0x3] =	stream.indirect.gather [hbm4b:s1+s22], $0x80, s17, s22, $0xb8;
	[tilespmem:$0x1F480] =	vst v63  }
0x29f: {  	_ =	swait.ge [sflag:s26], $0x3200  }
0x2a0: {  	s18 =	sld [smem:$0x7F9]  }
0x2a1: {  	[sflag:s26] =	ssyncset.done $0x0  }
0x2a2: {  	[sflag:s26] =	ssyncadd.s32 $0xFFFFCE00  }
0x2a3: {  	[spmem:s3] =	stream.indirect.scatter.add.f32 [tilespmem:s23], [sflag:$0x4], $0x80, s18, s22, $0xb8;
	[tilespmem:$0x1F480] =	vst v63  }
0x2a4: {  	_ =	swait.ge [sflag:s28], $0x3200  }
0x2a5: {  	s19 =	sld [smem:$0x7FA]  }
0x2a6: {  	[sflag:s28] =	ssyncset.done $0x0  }
0x2a7: {  	[sflag:s28] =	ssyncadd.s32 $0xFFFFCE00  }
0x2a8: {  	[spmem:s3] =	stream.indirect.scatter.add.f32 [tilespmem:s24], [sflag:$0x5], $0x80, s19, s22, $0xb8;
	[tilespmem:$0x1F480] =	vst v63  }
0x2a9: {  	_ =	swait.ge [sflag:s29], $0x3200  }
0x2aa: {  	s17 =	sld [smem:$0x7FB]  }
0x2ab: {  	[sflag:s29] =	ssyncset.done $0x0  }
0x2ac: {  	[sflag:s29] =	ssyncadd.s32 $0xFFFFCE00  }
0x2ad: {  	[spmem:s3] =	stream.indirect.scatter.add.f32 [tilespmem:s25], [sflag:$0x6], $0x80, s17, s22, $0xb8;
	[tilespmem:$0x1F480] =	vst v63  }
0x2ae: {  	_ =	swait.ge [sflag:s30], $0x3200  }
0x2af: {  	s18 =	sld [smem:$0x7FC]  }
0x2b0: {  	[sflag:s30] =	ssyncset.done $0x0  }
0x2b1: {  	[sflag:s30] =	ssyncadd.s32 $0xFFFFCE00  }
0x2b2: {  	[tilespmem:s23], [sflag:$0x1] =	stream.indirect.gather [hbm4b:s1+s22], $0x80, s18, s22, $0xb8;
	[tilespmem:$0x1F480] =	vst v63  }
0x2b3: {  	_ =	swait.ge [sflag:s31], $0x3200  }
0x2b4: {  	s19 =	sld [smem:$0x7FD]  }
0x2b5: {  	[sflag:s31] =	ssyncset.done $0x0  }
0x2b6: {  	[sflag:s31] =	ssyncadd.s32 $0xFFFFCE00  }
0x2b7: {  	[tilespmem:s24], [sflag:$0x2] =	stream.indirect.gather [hbm4b:s1+s22], $0x80, s19, s22, $0xb8;
	[tilespmem:$0x1F480] =	vst v63  }
0x2b8: {  	_ =	swait.ge [sflag:s0], $0x3200  }
0x2b9: {  	[sflag:s0] =	ssyncset.done $0x0  }
0x2ba: {  	[sflag:s0] =	ssyncadd.s32 $0xFFFFCE00  }
0x2bb: {  	[tilespmem:s25], [sflag:$0x3] =	stream.indirect.gather [hbm4b:s1+s22], $0x80, s2, s22, $0xb8;
	[tilespmem:$0x1F480] =	vst v63  }
0x2bc: {  	_ =	swait.ge [sflag:s26], $0x3200  }
0x2bd: {  	[sflag:s26] =	ssyncset.done $0x0  }
0x2be: {  	[sflag:s26] =	ssyncadd.s32 $0xFFFFCE00  }
0x2bf: {  	[spmem:s3] =	stream.indirect.scatter.add.f32 [tilespmem:s23], [sflag:$0x4], $0x80, s6, s22, $0xb8;
	[tilespmem:$0x1F480] =	vst v63  }
0x2c0: {  	_ =	swait.ge [sflag:s28], $0x3200  }
0x2c1: {  	[sflag:s28] =	ssyncset.done $0x0  }
0x2c2: {  	[sflag:s28] =	ssyncadd.s32 $0xFFFFCE00  }
0x2c3: {  	[spmem:s3] =	stream.indirect.scatter.add.f32 [tilespmem:s24], [sflag:$0x5], $0x80, s7, s22, $0xb8;
	[tilespmem:$0x1F480] =	vst v63  }
0x2c4: {  	_ =	swait.ge [sflag:s29], $0x3200  }
0x2c5: {  	[sflag:s29] =	ssyncset.done $0x0  }
0x2c6: {  	[sflag:s29] =	ssyncadd.s32 $0xFFFFCE00  }
0x2c7: {  	[spmem:s3] =	stream.indirect.scatter.add.f32 [tilespmem:s25], [sflag:$0x6], $0x80, s9, s22, $0xb8;
	[tilespmem:$0x1F480] =	vst v63  }
0x2c8: {  	_ =	swait.ge [sflag:s30], $0x3200  }
0x2c9: {  	[sflag:s30] =	ssyncset.done $0x0  }
0x2ca: {  	[sflag:s30] =	ssyncadd.s32 $0xFFFFCE00  }
0x2cb: {  	[tilespmem:s23], [sflag:$0x1] =	stream.indirect.gather [hbm4b:s1+s22], $0x80, s10, s22, $0xb8;
	[tilespmem:$0x1F480] =	vst v63  }
0x2cc: {  	_ =	swait.ge [sflag:s31], $0x3200  }
0x2cd: {  	[sflag:s31] =	ssyncset.done $0x0  }
0x2ce: {  	[sflag:s31] =	ssyncadd.s32 $0xFFFFCE00  }
0x2cf: {  	[tilespmem:s24], [sflag:$0x2] =	stream.indirect.gather [hbm4b:s1+s22], $0x80, s11, s22, $0xb8;
	[tilespmem:$0x1F480] =	vst v63  }
0x2d0: {  	_ =	swait.ge [sflag:s0], $0x3200  }
0x2d1: {  	[sflag:s0] =	ssyncset.done $0x0  }
0x2d2: {  	[sflag:s0] =	ssyncadd.s32 $0xFFFFCE00  }
0x2d3: {  	[tilespmem:s25], [sflag:$0x3] =	stream.indirect.gather [hbm4b:s1+s22], $0x80, s12, s22, $0xb8;
	[tilespmem:$0x1F480] =	vst v63  }
0x2d4: {  	_ =	swait.ge [sflag:s26], $0x3200  }
0x2d5: {  	[sflag:s26] =	ssyncset.done $0x0  }
0x2d6: {  	[sflag:s26] =	ssyncadd.s32 $0xFFFFCE00  }
0x2d7: {  	[spmem:s3] =	stream.indirect.scatter.add.f32 [tilespmem:s23], [sflag:$0x4], $0x80, s13, s22, $0xb8;
	[tilespmem:$0x1F480] =	vst v63  }
0x2d8: {  	_ =	swait.ge [sflag:s28], $0x3200  }
0x2d9: {  	[sflag:s28] =	ssyncset.done $0x0  }
0x2da: {  	[sflag:s28] =	ssyncadd.s32 $0xFFFFCE00  }
0x2db: {  	[spmem:s3] =	stream.indirect.scatter.add.f32 [tilespmem:s24], [sflag:$0x5], $0x80, s14, s22, $0xb8;
	[tilespmem:$0x1F480] =	vst v63  }
0x2dc: {  	_ =	swait.ge [sflag:s29], $0x3200  }
0x2dd: {  	[sflag:s29] =	ssyncset.done $0x0  }
0x2de: {  	[sflag:s29] =	ssyncadd.s32 $0xFFFFCE00  }
0x2df: {  	[spmem:s3] =	stream.indirect.scatter.add.f32 [tilespmem:s25], [sflag:$0x6], $0x80, s15, s22, $0xb8;
	[tilespmem:$0x1F480] =	vst v63  }
0x2e0: {  	_ =	swait.ge [sflag:s30], $0x3200  }
0x2e1: {  	[sflag:s30] =	ssyncset.done $0x0  }
0x2e2: {  	[sflag:s30] =	ssyncadd.s32 $0xFFFFCE00  }
0x2e3: {  	[tilespmem:s23], [sflag:$0x1] =	stream.indirect.gather [hbm4b:s1+s22], $0x80, s5, s22, $0xb8;
	[tilespmem:$0x1F480] =	vst v63  }
0x2e4: {  	_ =	swait.ge [sflag:s31], $0x3200  }
0x2e5: {  	[sflag:s31] =	ssyncset.done $0x0  }
0x2e6: {  	[sflag:s31] =	ssyncadd.s32 $0xFFFFCE00  }
0x2e7: {  	_ =	swait.ge [sflag:s0], $0x3200  }
0x2e8: {  	[sflag:s0] =	ssyncset.done $0x0  }
0x2e9: {  	[sflag:s0] =	ssyncadd.s32 $0xFFFFCE00  }
0x2ea: {  	_ =	swait.ge [sflag:s26], $0x3200  }
0x2eb: {  	[sflag:s26] =	ssyncset.done $0x0  }
0x2ec: {  	[sflag:s26] =	ssyncadd.s32 $0xFFFFCE00  }
0x2ed: {  	[spmem:s3] =	stream.indirect.scatter.add.f32 [tilespmem:s23], [sflag:$0x4], $0x80, s16, s22, $0xb8;
	[tilespmem:$0x1F480] =	vst v63  }
0x2ee: {  	_ =	swait.ge [sflag:s30], $0x3200  }
0x2ef: {  	[sflag:s30] =	ssyncset.done $0x0  }
0x2f0: {  	[sflag:s30] =	ssyncadd.s32 $0xFFFFCE00  }
0x2f1: {  	[bflag:$0x0] =	sbarrier.arrive $0xFFFF  }
0x2f2: {  	s8 =	sld [smem:$0x7EC]  }
0x2f3: {  	s18 =	sld [smem:$0x7E9];
	_ =	sdelay $0x1  }
0x2f4: {  	s17 =	simm.s32 @p0 $0x1FC7;
	s8 =	sshrl.u32 @p0 s8, $0x3  }
0x2f5: {  	[hbm:s18], [sflag:s17] =	dma.local @p0 [spmem:s8], $0x2800  }
0x2f6: {  	s8 =	simm.s32 @p0 $0x7  }
0x2f7: {  	s17 =	stileid.u32;
	_ =	swait.ge @p0 [sflag:s8], $0x2800  }
0x2f8: {  	s17 =	sshll.u32 @!p0 s17, $0x6;
	[sflag:s8] =	ssyncset.done @p0 $0x0  }
0x2f9: {  	[sflag:s8] =	ssyncadd.s32 @p0 $0xFFFFD800;
	s8 =	sor.u32 @!p0 $0x1C07, s17;
	s17 =	sld [smem:$0x7F5]  }
0x2fa: {  	s18 =	sld [smem:$0x7E8];
	_ =	sdelay $0x1  }
0x2fb: {  	s17 =	sshrl.u32 @!p0 s17, $0x3  }
0x2fc: {  	[hbm:s18], [sflag:s8] =	dma.local @!p0 [spmem:s17], $0x2700  }
0x2fd: {  	s8 =	simm.s32 @!p0 $0x7  }
0x2fe: {  	_ =	swait.ge @!p0 [sflag:s8], $0x2700  }
0x2ff: {  	s17 =	sld [smem:$0x7E3]  }
0x300: {  	s19 =	sld [smem:$0x7EA];
	_ =	sdelay $0x1  }
0x301: {  	s18 =	sadd.s32 $0x1, s17  }
0x302: {  	p5 =	sne.s32 s18, s19  }
.Ltmp1:
0x303: {  	_ = 	snop;
	(pc) =	sbr.rel @p5 .LBB2_1-.Ltmp1, $3  }
0x304: {  	_ =	sdelay $0x1  }
0x305: {  	[sflag:s8] =	ssyncset.done @!p0 $0x0  }
0x306: {  	[sflag:s8] =	ssyncadd.s32 @!p0 $0xFFFFD900  }
0x307: {  	_ =	sfence.sel $0x180000  }
0x308: {  	[bflag:$0x0] =	sbarrier.arrive $0xFFFF  }
0x309: {  	_ =	strace $0x90000047  }
0x30a: {  	s0 =	stileid.u32;
	[bflag:$0x2] =	sbarrier.arrive $0xFFFF  }
0x30b: {  	p0 =	sne.s32 s0, $0x0;
	s0 =	rddreg [dreg:$0x4]  }
0x30c: {  	s0 =	sadd.s32 @!p0 $0x100000, s0  }
0x30d: {  	[sflag:s0] =	ssyncadd.tile.s32 @!p0 $0x1;
	_ =	shalt  }
.Lfunc_end2:
_tile_overlayer_lowered:
.L_overlay_start_2:
0x30e: {  	(tag) =	ssettag $0x2  }
0x30f: {  	s0 =	rddreg [dreg:$0x0];
	s2 =	stileid.u32  }
0x310: {  	s1 =	rddreg [dreg:$0x1];
	p0 =	sne.s32 s2, $0x0  }
0x311: {  	s3 =	rddreg [dreg:$0x2];
	[bflag:$0x3] =	sbarrier.arrive $0xFFFF;
	s2 =	simm.s32 @!p0 $0x1C07  }
0x312: {  	[timem:s3], [sflag:s2] =	dma.local @!p0 [hbm:s0], s1  }
0x313: {  	s0 =	simm.s32 @!p0 $0x7  }
0x314: {  	_ =	swait.ge @!p0 [sflag:s0], s1  }
0x315: {  	s1 =	ssub.s32 @!p0 $0x0, s1;
	[sflag:s0] =	ssyncset.done @!p0 $0x0  }
0x316: {  	[sflag:s0] =	ssyncadd.s32 @!p0 s1  }
0x317: {  	[bflag:$0x3] =	sbarrier.arrive $0xFFFF  }
0x318: {  	_ =	shalt  }

// kernel: kernel.9.cloned.1.call-start
scs
__scs_entry_jumppad:
0x0: {  	(pc) =	sbr.rel $0x88, $3  }
0x1: {  	(tag) =	ssettag $0x0;
	lr =	simm.s32 $0x1  }
0x2: {  	[smem:$0x3F99] =	sst lr;
	_ =	strace $0xD0000000  }
0x3: {  	_ = 	snop  }
0x4: {  	_ = 	snop  }
0x5: {  	_ = 	snop  }
0x6: {  	_ = 	snop  }
0x7: {  	_ = 	snop  }
__scs_overlays_trampoline_lowered:
0x8: {  	[smem:$0x3FA8] =	sst s0  }
0x9: {  	[smem:$0x3FA9] =	sst s1  }
0xa: {  	[smem:$0x3FAA] =	sst s2  }
0xb: {  	[smem:$0x3FAB] =	sst s3  }
0xc: {  	[smem:$0x3FAC] =	sst s4  }
0xd: {  	[smem:$0x3FAD] =	sst s5  }
0xe: {  	[smem:$0x3FAE] =	sst s6  }
0xf: {  	[smem:$0x3FAF] =	sst s7  }
0x10: {  	[smem:$0x3FB0] =	sst s8  }
0x11: {  	[smem:$0x3FB1] =	sst s9;
	s0 =	simm.s32 @!p0 $0x0  }
0x12: {  	s1 =	sld [smem:$0x3F97];
	s0 =	simm.s32 @p0 $0x1  }
0x13: {  	[smem:$0x3FB2] =	sst s0;
	s0 =	simm.s32 @!p1 $0x0  }
0x14: {  	s2 =	sld [smem:$0x3F96];
	s0 =	simm.s32 @p1 $0x1  }
0x15: {  	[smem:$0x3FB3] =	sst s0;
	s0 =	simm.s32 @!p2 $0x0  }
0x16: {  	s3 =	sld [smem:$0x3FDB];
	s0 =	simm.s32 @p2 $0x1  }
0x17: {  	s4 =	simm.s32 $0x1BF5;
	[smem:$0x3FB5] =	sst s0  }
0x18: {  	s0 =	sld [smem:$0x3F98];
	_ =	swait.ge [sflag:s4], $0x0  }
0x19: {  	s7 =	sld [smem:$0x3F99]  }
0x1a: {  	s8 =	sadd.s32 $0xFFFFE003, lr  }
0x1b: {  	s9 =	sadd.s32 $0xFFFFFEF7, lr;
	s5 =	simm.s32 $0xFFFFFFFF;
	p2 =	slt.u32 s8, $0xFFFFF086  }
0x1c: {  	p1 =	slt.u32 s9, $0xF7A;
	s5 =	simm.s32 @!p2 $0x0  }
0x1d: {  	s5 =	simm.s32 @p1 $0x1;
	p0 =	seq.s32 s7, s2  }
0x1e: {  	s7 =	smul.u32 @!p0 $0xF7A, s2;
	p2 =	seq.s32 @!p0 s5, $0x0  }
0x1f: {  	s9 =	smul.u32 $0xF7A, s1;
	s8 =	simm.s32 @!p0 $0x1BF5;
	p2 =	por !p2, p0  }
0x20: {  	[sflag:s8] =	ssyncset.s32 @!p0 $0xFFFFF086;
	s6 =	sadd.s32 @!p0 s3, s7;
	s7 =	simm.s32 @!p0 $0x108  }
0x21: {  	s3 =	sadd.s32 s3, s9;
	s6 =	sadd.s32 @!p0 $0x88, s6;
	s7 =	simm.s32 @p2 $0x1082  }
0x22: {  	[simem:s7], [sflag:s8] =	dma.local @!p0 [hbm:s6], $0xF7A  }
0x23: {  	s9 =	sor.u32 $0xD0000000, s2;
	s6 =	simm.s32 $0x108;
	_ =	swait.ge @!p0 [sflag:s8], $0x0  }
0x24: {  	s3 =	sadd.s32 $0x88, s3;
	s6 =	simm.s32 @!p1 $0x1082;
	[sflag:s4] =	ssyncset.s32 $0xFFFFF086  }
0x25: {  	[simem:s6], [sflag:s4] =	dma.local [hbm:s3], $0xF7A  }
0x26: {  	[smem:$0x3F99] =	sst s1;
	(tag) =	ssettag s2;
	_ =	strace s9  }
0x27: {  	s1 =	sld [smem:$0x3FA9]  }
0x28: {  	s2 =	sld [smem:$0x3FAA]  }
0x29: {  	s4 =	sld [smem:$0x3FAC]  }
0x2a: {  	p0 =	seq.s32 s5, $0x0;
	s5 =	sld [smem:$0x3FAD]  }
0x2b: {  	s6 =	sld [smem:$0x3FAE]  }
0x2c: {  	s7 =	sld [smem:$0x3FAF]  }
0x2d: {  	s3 =	simm.s32 $0x108;
	s8 =	sld [smem:$0x3FB0]  }
0x2e: {  	s3 =	simm.s32 @!p0 $0x1082;
	s9 =	sld [smem:$0x3FB1]  }
0x2f: {  	lr =	sadd.s32 s0, s3;
	s0 =	sld [smem:$0x3FA8]  }
0x30: {  	s3 =	sld [smem:$0x3FAB]  }
0x31: {  	[smem:$0x3FB4] =	sst s10  }
0x32: {  	s10 =	sld [smem:$0x3FB2];
	_ =	sdelay $0x3  }
0x33: {  	p0 =	seq.s32 s10, $0x1;
	s10 =	sld [smem:$0x3FB4];
	_ =	sdelay $0x3  }
0x34: {  	[smem:$0x3FB4] =	sst s10  }
0x35: {  	s10 =	sld [smem:$0x3FB3];
	_ =	sdelay $0x3  }
0x36: {  	p1 =	seq.s32 s10, $0x1;
	s10 =	sld [smem:$0x3FB4];
	_ =	sdelay $0x3  }
0x37: {  	[smem:$0x3FB4] =	sst s10  }
0x38: {  	s10 =	sld [smem:$0x3FB5]  }
0x39: {  	_ = 	snop;
	(pc) =	sbr.ind lr, $3  }
0x3a: {  	_ = 	snop  }
0x3b: {  	_ = 	snop  }
0x3c: {  	p2 =	seq.s32 s10, $0x1;
	s10 =	sld [smem:$0x3FB4]  }
0x3d: {  	_ =	shalt  }
0x3e: {  	_ =	shalt  }
0x3f: {  	_ =	shalt  }
0x40: {  	_ =	shalt  }
0x41: {  	_ =	shalt  }
0x42: {  	_ =	shalt  }
0x43: {  	_ =	shalt  }
0x44: {  	_ =	shalt  }
0x45: {  	_ =	shalt  }
0x46: {  	_ =	shalt  }
0x47: {  	_ =	shalt  }
0x48: {  	_ =	shalt  }
0x49: {  	_ =	shalt  }
0x4a: {  	_ =	shalt  }
0x4b: {  	_ =	shalt  }
0x4c: {  	_ =	shalt  }
0x4d: {  	_ =	shalt  }
0x4e: {  	_ =	shalt  }
0x4f: {  	_ =	shalt  }
0x50: {  	_ =	shalt  }
0x51: {  	_ =	shalt  }
0x52: {  	_ =	shalt  }
0x53: {  	_ =	shalt  }
0x54: {  	_ =	shalt  }
0x55: {  	_ =	shalt  }
0x56: {  	_ =	shalt  }
0x57: {  	_ =	shalt  }
0x58: {  	_ =	shalt  }
0x59: {  	_ =	shalt  }
0x5a: {  	_ =	shalt  }
0x5b: {  	_ =	shalt  }
0x5c: {  	_ =	shalt  }
0x5d: {  	_ =	shalt  }
0x5e: {  	_ =	shalt  }
0x5f: {  	_ =	shalt  }
0x60: {  	_ =	shalt  }
0x61: {  	_ =	shalt  }
0x62: {  	_ =	shalt  }
0x63: {  	_ =	shalt  }
0x64: {  	_ =	shalt  }
0x65: {  	_ =	shalt  }
0x66: {  	_ =	shalt  }
0x67: {  	_ =	shalt  }
0x68: {  	_ =	shalt  }
0x69: {  	_ =	shalt  }
0x6a: {  	_ =	shalt  }
0x6b: {  	_ =	shalt  }
0x6c: {  	_ =	shalt  }
0x6d: {  	_ =	shalt  }
0x6e: {  	_ =	shalt  }
0x6f: {  	_ =	shalt  }
0x70: {  	_ =	shalt  }
0x71: {  	_ =	shalt  }
0x72: {  	_ =	shalt  }
0x73: {  	_ =	shalt  }
0x74: {  	_ =	shalt  }
0x75: {  	_ =	shalt  }
0x76: {  	_ =	shalt  }
0x77: {  	_ =	shalt  }
0x78: {  	_ =	shalt  }
0x79: {  	_ =	shalt  }
0x7a: {  	_ =	shalt  }
0x7b: {  	_ =	shalt  }
0x7c: {  	_ =	shalt  }
0x7d: {  	_ =	shalt  }
0x7e: {  	_ =	shalt  }
0x7f: {  	_ =	shalt  }
0x80: {  	_ =	shalt  }
0x81: {  	_ =	shalt  }
0x82: {  	_ =	shalt  }
0x83: {  	_ =	shalt  }
0x84: {  	_ =	shalt  }
0x85: {  	_ =	shalt  }
0x86: {  	_ =	shalt  }
0x87: {  	_ =	shalt  }
.Lfunc_end0:
.L_simem_size_0:
called_computation.1_lowered:
.L_overlay_start_0:
0x88: {  	s2 =	sld [smem:$0x3FD9]  }
0x89: {  	s3 =	sld [smem:$0x3FFE];
	_ =	sdelay $0x1  }
0x8a: {  	s1 =	srdreg.scid  }
0x8b: {  	s0 =	sand.u32 $0x1, s1  }
0x8c: {  	s17 =	sshll.u32 s0, $0xA;
	s2 =	sadd.s32 s3, s2  }
0x8d: {  	s2 =	sadd.s32 s2, s17  }
0x8e: {  	[smem:$0x3FC0] =	sst s2  }
0x8f: {  	_ = 	snop  }
0x90: {  	s2 =	sld [smem:$0x3FD0];
	(tm) =	ssettm $0x1  }
0x91: {  	s18 =	sld [smem:$0x3FFB];
	_ =	sdelay $0x3  }
0x92: {  	_ =	strace s18  }
0x93: {  	s3 =	sld [smem:$0x3FFC];
	_ =	sdelay $0x3  }
0x94: {  	_ =	strace s3  }
0x95: {  	s3 =	sld [smem:$0x3FFD];
	_ =	sdelay $0x3  }
0x96: {  	_ =	strace s3  }
0x97: {  	_ =	strace $0x8FFFFFFF  }
0x98: {  	s19 =	sld [smem:$0x3FDB];
	_ =	sdelay $0x1  }
0x99: {  	s4 =	simm.s32 $_scs_section_size  }
0x9a: {  	s5 =	simm.s32 $_size__tile_overlayer_lowered;
	s6 =	simm.s32 $_tile_overlayer_lowered  }
0x9b: {  	s22 =	simm.s32 $0x1BFF;
	s21 =	sshll.u32 s6, $0x1;
	s3 =	sadd.s32 s4, s19  }
0x9c: {  	s7 =	simm.s32 $0x0;
	s20 =	sshll.u32 s5, $0x1;
	s5 =	sadd.s32 s21, s3  }
0x9d: {  	[timem:s7], [sflag:s22] =	dma.local [hbm:s5], s20  }
0x9e: {  	_ =	swait.ge [sflag:s22], s20  }
0x9f: {  	s4 =	ssub.s32 $0x0, s20;
	[sflag:s22] =	ssyncset.done $0x0  }
0xa0: {  	[sflag:s22] =	ssyncadd.s32 s4;
	_ =	sdelay $0x1  }
0xa1: {  	s23 =	simm.s32 $0x1B8B  }
0xa2: {  	_ =	swait.ge [sflag:s23], $0x1  }
0xa3: {  	[sflag:s23] =	ssyncset.done $0x0  }
0xa4: {  	s25 =	simm.s32 $0x1B8E;
	s24 =	sld [smem:$0x3FFE];
	[sflag:s23] =	ssyncadd.s32 $0xFFFFFFFF  }
0xa5: {  	s26 =	simm.s32 $execute0_lowered;
	[smem:$0x3FD2] =	sst s25  }
0xa6: {  	s5 =	sshll.u32 s26, $0x1;
	_ =	strace $0x80000049;
	[dreg:$0x1] =	wrdreg $0xFFFFFFFF  }
0xa7: {  	s28 =	simm.s32 $_size_execute0_lowered;
	s3 =	sadd.s32 s3, s5;
	[dreg:$0x0] =	wrdreg $0x0  }
0xa8: {  	s5 =	sshll.u32 s28, $0x1;
	[dreg:$0x2] =	wrdreg s3  }
0xa9: {  	[dreg:$0x3] =	wrdreg s5  }
0xaa: {  	[dreg:$0x4] =	wrdreg $0xC0  }
0xab: {  	_ =	task [dreg:s7], $0x5FFFF  }
0xac: {  	[dreg:$0x1] =	wrdreg $0xFFFFFFFF  }
0xad: {  	[dreg:$0x0] =	wrdreg $0x60  }
0xae: {  	[dreg:$0x2] =	wrdreg s24  }
0xaf: {  	[dreg:$0x3] =	wrdreg s2  }
0xb0: {  	[dreg:$0x4] =	wrdreg $0xBC000  }
0xb1: {  	[dreg:$0x5] =	wrdreg $0x9  }
0xb2: {  	_ =	task.clear_ibuf [dreg:s7], $0x6FFFF;
	_ =	strace $0x90000049  }
0xb3: {  	s29 =	simm.s32 $0x9;
	_ =	strace $0x8000004B  }
0xb4: {  	_ =	swait.ge [sflag:s29], $0x1  }
0xb5: {  	[sflag:s29] =	ssyncadd.s32 $0xFFFFFFFF  }
0xb6: {  	_ =	strace $0x9000004B  }
0xb7: {  	_ =	sfence  }
0xb8: {  	s30 =	sld [smem:$0x0];
	_ =	sdelay $0x2  }
0xb9: {  	s31 =	sshll.u32 s1, $0xD;
	s1 =	sshrl.u32 s1, $0x2  }
0xba: {  	s3 =	sand.u32 $0x4000, s31;
	s1 =	sadd.s32 s1, s30  }
0xbb: {  	s0 =	sor.u32 s3, s0;
	s1 =	sshll.u32 s1, $0x11  }
0xbc: {  	s0 =	sor.u32 s1, s0  }
0xbd: {  	s0 =	sadd.s32 $0x8F2B, s0  }
0xbe: {  	[sflag:s0] =	ssyncadd.remote.s32 $0x1  }
0xbf: {  	_ =	sfence.sel $0xFFFF  }
0xc0: {  	[dreg:$0x0] =	wrdreg $0xFFFFFFFF;
	(pc) =	sbr.abs _section_cstart, $3  }
0xc1: {  	[dreg:$0x1] =	wrdreg $0xFFFFFFFF  }
0xc2: {  	_ =	task.clear_ibuf [dreg:s7], $0x2FFFF;
	_ =	strace $0x9FFFFFFF  }
0xc3: {  	(tm) =	ssettm $0x7FFFFFFF  }
tec
execute0_lowered:
.L_overlay_start_1:
0x0: {  	(tag) =	ssettag $0x1  }
0x1: {  	s2 =	rddreg [dreg:$0x0]  }
0x2: {  	s5 =	rddreg [dreg:$0x1]  }
0x3: {  	s1 =	rddreg [dreg:$0x2];
	s3 =	simm.s32 $0x0;
	s11 =	stileid.u32  }
0x4: {  	s0 =	srdreg.scid;
	s20 =	simm.s32 $0x80;
	[smem:$0x7FF] =	sst s3  }
0x5: {  	s21 =	simm.s32 $0x100;
	_ =	strace $0x8000004A;
	[dreg:$0x6] =	wrdreg s20  }
0x6: {  	s22 =	simm.s32 $0x1080;
	s23 =	simm.s32 $0x1100;
	[dreg:$0x7] =	wrdreg s21  }
0x7: {  	s24 =	simm.s32 $0x180;
	s25 =	simm.s32 $0x200;
	[dreg:$0x8] =	wrdreg s22  }
0x8: {  	s13 =	simm.s32 $0x280;
	s15 =	simm.s32 $0x1180;
	[dreg:$0x9] =	wrdreg s23  }
0x9: {  	s16 =	simm.s32 $0x1200;
	s28 =	simm.s32 $0x2;
	[dreg:$0xa] =	wrdreg s24  }
0xa: {  	s29 =	simm.s32 $0x3;
	s30 =	simm.s32 $0x4;
	[dreg:$0xb] =	wrdreg s25  }
0xb: {  	s31 =	simm.s32 $0x5;
	s4 =	sadd.s32 $0x21200, s2;
	[dreg:$0xc] =	wrdreg s13  }
0xc: {  	s6 =	sshll.u32 s11, $0xC;
	s0 =	sand.u32 $0x1, s0;
	[dreg:$0xd] =	wrdreg s15  }
0xd: {  	s10 =	smul.u32 $0x4E000, s11;
	[dreg:$0xe] =	wrdreg s16;
	s20 =	simm.s32 $0x380  }
0xe: {  	s19 =	smul.u32 $0x2700, s11;
	s22 =	simm.s32 $0x400;
	[dreg:$0x11] =	wrdreg s20  }
0xf: {  	s14 =	smul.u32 $0x13800, s11;
	s23 =	simm.s32 $0x1300;
	[dreg:$0x12] =	wrdreg s22  }
0x10: {  	p0 =	seq.s32 s11, $0xF;
	s24 =	simm.s32 $0x1380;
	[dreg:$0x13] =	wrdreg s23  }
0x11: {  	s6 =	sadd.s32 s6, s2;
	s13 =	simm.s32 $0x600;
	[dreg:$0x14] =	wrdreg s24  }
0x12: {  	s7 =	ssub.s32 $0x2, s0;
	s15 =	simm.s32 $0x700;
	[dreg:$0x1c] =	wrdreg s13  }
0x13: {  	s8 =	sshll.u32 s0, $0xB;
	s16 =	simm.s32 $0x1600;
	[dreg:$0x1e] =	wrdreg s15  }
0x14: {  	s26 =	smul.u32 $0x138800, s0;
	s12 =	sadd.s32 s5, s19;
	[dreg:$0x1f] =	wrdreg s16  }
0x15: {  	s6 =	sadd.s32 s8, s6;
	s5 =	sadd.s32 $0x24900, s5;
	[smem:$0x7E5] =	sst s12  }
0x16: {  	s8 =	sadd.s32 $0x48400, s2;
	s2 =	sadd.s32 $0x45B00, s2;
	[smem:$0x7E7] =	sst s5  }
0x17: {  	p2 =	sne.s32 @p0 s0, $0x0;
	s20 =	simm.s32 $0x800;
	[smem:$0x7E8] =	sst s2  }
0x18: {  	p4 =	sne.s32 @!p0 s0, $0x0;
	s22 =	simm.s32 $0x1780;
	[smem:$0x7F7] =	sst s20  }
0x19: {  	s0 =	simm.s32 $0x6;
	s23 =	simm.s32 $0x1800;
	[smem:$0x7F9] =	sst s22  }
0x1a: {  	s9 =	sshrl.u32 s7, $0x1;
	s24 =	simm.s32 $0x1880;
	[smem:$0x7FA] =	sst s23  }
0x1b: {  	s10 =	sshrl.u32 s10, $0x2;
	s18 =	sadd.s32 $0x1200, s6;
	[smem:$0x7FB] =	sst s24  }
0x1c: {  	p1 =	por !p2, !p0;
	s6 =	sadd.s32 $0x11200, s6;
	[dreg:$0x4] =	wrdreg s18  }
0x1d: {  	s7 =	ssub.s32 s7, s9;
	s9 =	sadd.s32 s4, s19;
	[dreg:$0x5] =	wrdreg s6  }
0x1e: {  	s17 =	sadd.s32 s14, s26;
	s19 =	simm.s32 $0x300;
	[smem:$0x7E6] =	sst s9  }
0x1f: {  	s21 =	sshrl.u32 s26, $0x3;
	s26 =	simm.s32 $0x1400;
	[dreg:$0x10] =	wrdreg s19  }
0x20: {  	p2 =	por p2, !p0;
	s12 =	sadd.s32 $0x124800, s1;
	[dreg:$0x15] =	wrdreg s26  }
0x21: {  	p3 =	por !p4, p0;
	s14 =	simm.s32 $0x680;
	[smem:$0x7ED] =	sst s12  }
0x22: {  	p4 =	por p4, p0;
	s10 =	sadd.s32 s10, s1;
	[dreg:$0x1d] =	wrdreg s14  }
0x23: {  	s13 =	simm.s32 $0x1A80;
	s18 =	simm.s32 $0x1280;
	[smem:$0x7F5] =	sst s10  }
0x24: {  	s15 =	simm.s32 $0x1B80;
	s25 =	smax.u32 s7, $0x1;
	[dreg:$0xf] =	wrdreg s18  }
0x25: {  	s16 =	simm.s32 $0x1C00;
	s6 =	simm.s32 $0x500;
	[smem:$0x7EB] =	sst s25  }
0x26: {  	s2 =	sshll.u32 @!p3 s11, $0x6;
	s7 =	simm.s32 $0x580;
	[dreg:$0x17] =	wrdreg s6  }
0x27: {  	s20 =	simm.s32 $0x7;
	s9 =	simm.s32 $0x1500;
	[dreg:$0x18] =	wrdreg s7  }
0x28: {  	s22 =	simm.s32 $0x64;
	s2 =	sor.u32 @!p3 $0x1C07, s2;
	[dreg:$0x1a] =	wrdreg s9  }
0x29: {  	s5 =	sshrl.u32 s17, $0x3;
	s17 =	simm.s32 $0x1680;
	[smem:$0x7EF] =	sst s2  }
0x2a: {  	s23 =	simm.s32 $0x2000;
	s19 =	simm.s32 $0x780;
	[smem:$0x7F1] =	sst s17  }
0x2b: {  	s24 =	simm.s32 $0x5400;
	s26 =	simm.s32 $0x980;
	[smem:$0x7F4] =	sst s19  }
0x2c: {  	s14 =	simm.s32 $0x1B00;
	s5 =	sadd.s32 s8, s5;
	[smem:$0x7FD] =	sst s26  }
0x2d: {  	s2 =	sshrl.u32 @!p3 s10, $0x3;
	s18 =	simm.s32 $0x1700;
	[smem:$0x7E9] =	sst s5  }
0x2e: {  	s25 =	simm.s32 $0x900;
	s26 =	simm.s32 $0x1;
	[smem:$0x7F0] =	sst s2  }
0x2f: {  	s6 =	simm.s32 $0x1900;
	s7 =	simm.s32 $0x1980;
	[smem:$0x7F2] =	sst s18  }
0x30: {  	s5 =	sadd.s32 s8, s21;
	s8 =	simm.s32 $0x1480;
	[smem:$0x7FC] =	sst s25  }
0x31: {  	s9 =	simm.s32 $0x1A00;
	s21 =	simm.s32 $0x880;
	[dreg:$0x19] =	wrdreg s8  }
0x32: {  	s2 =	sshll.u32 @!p4 s11, $0x6;
	s5 =	sadd.s32 $0x24900, s5;
	[smem:$0x7F8] =	sst s21  }
0x33: {  	s25 =	simm.s32 $0x8800;
	s2 =	sor.u32 @!p4 $0x1C07, s2;
	[smem:$0x7EA] =	sst s5  }
0x34: {  	s11 =	simm.s32 $0xB00;
	s5 =	simm.s32 $0x480;
	[smem:$0x7F3] =	sst s2  }
0x35: {  	s18 =	simm.s32 $0x0;
	s2 =	sshrl.u32 @!p4 s10, $0x3;
	[dreg:$0x16] =	wrdreg s5  }
0x36: {  	s21 =	simm.s32 $0x1000;
	s5 =	sshrl.u32 @!p1 s12, $0x3;
	[smem:$0x7F6] =	sst s2  }
0x37: {  	s10 =	simm.s32 $0xA80;
	[smem:$0x7EC] =	sst s5;
	s5 =	sshrl.u32 @!p2 s12, $0x3  }
0x38: {  	s2 =	simm.s32 $0xA00;
	s12 =	simm.s32 $0x1580;
	[smem:$0x7EE] =	sst s5  }
0x39: {  	[dreg:$0x1b] =	wrdreg s12;
	s12 =	simm.s32 $0xB80;
	s5 =	simm.s32 $0xC00  }
.LBB2_1:
0x3a: {  	[smem:$0x7E4] =	sst s18  }
0x3b: {  	s17 =	sld [smem:$0x7E7]  }
0x3c: {  	s18 =	sld [smem:$0x7EC];
	_ =	sdelay $0x1  }
0x3d: {  	s8 =	simm.s32 @!p1 $0x1FC7  }
0x3e: {  	[spmem:s18], [sflag:s8] =	dma.local @!p1 [hbm:s17], $0x2800  }
0x3f: {  	s8 =	simm.s32 @!p1 $0x7  }
0x40: {  	_ =	swait.ge @!p1 [sflag:s8], $0x2800  }
0x41: {  	s17 =	sld [smem:$0x7E8]  }
0x42: {  	s18 =	sld [smem:$0x7EE]  }
0x43: {  	[sflag:s8] =	ssyncset.done @!p1 $0x0  }
0x44: {  	[sflag:s8] =	ssyncadd.s32 @!p1 $0xFFFFD800;
	s8 =	simm.s32 @!p2 $0x1FC7  }
0x45: {  	[spmem:s18], [sflag:s8] =	dma.local @!p2 [hbm:s17], $0x2800  }
0x46: {  	s8 =	simm.s32 @!p2 $0x7  }
0x47: {  	_ =	swait.ge @!p2 [sflag:s8], $0x2800  }
0x48: {  	s17 =	sld [smem:$0x7EF]  }
0x49: {  	[sflag:s8] =	ssyncset.done @!p2 $0x0;
	s18 =	sld [smem:$0x7F0]  }
0x4a: {  	[sflag:s8] =	ssyncadd.s32 @!p2 $0xFFFFD800;
	s8 =	sld [smem:$0x7E5];
	_ =	sdelay $0x2  }
0x4b: {  	[spmem:s18], [sflag:s17] =	dma.local @!p3 [hbm:s8], $0x2700  }
0x4c: {  	s8 =	simm.s32 @!p3 $0x7  }
0x4d: {  	_ =	swait.ge @!p3 [sflag:s8], $0x2700  }
0x4e: {  	s17 =	sld [smem:$0x7F3]  }
0x4f: {  	[sflag:s8] =	ssyncset.done @!p3 $0x0;
	s18 =	sld [smem:$0x7F6]  }
0x50: {  	[sflag:s8] =	ssyncadd.s32 @!p3 $0xFFFFD900;
	s8 =	sld [smem:$0x7E6];
	_ =	sdelay $0x2  }
0x51: {  	[spmem:s18], [sflag:s17] =	dma.local @!p4 [hbm:s8], $0x2700  }
0x52: {  	s8 =	simm.s32 @!p4 $0x7  }
0x53: {  	_ =	swait.ge @!p4 [sflag:s8], $0x2700  }
0x54: {  	[sflag:s8] =	ssyncset.done @!p4 $0x0  }
0x55: {  	[sflag:s8] =	ssyncadd.s32 @!p4 $0xFFFFD900  }
0x56: {  	[bflag:$0x0] =	sbarrier.arrive $0xFFFF  }
0x57: {  	s17 =	rddreg [dreg:$0x5]  }
0x58: {  	s8 =	sadd.s32 $0x0, s17  }
0x59: {  	[tilespmem:s3], [sflag:$0x7] =	stream.linear.gather [hbm4b:s8+s3], $0xC80, $0x38;
	[tilespmem:$0x1F480] =	vst v63  }
0x5a: {  	_ =	swait.ge [sflag:s20], $0xC80  }
0x5b: {  	s18 =	rddreg [dreg:$0x4];
	[sflag:s20] =	ssyncset.done $0x0  }
0x5c: {  	[sflag:s20] =	ssyncadd.s32 $0xFFFFF380;
	s8 =	sadd.s32 $0x0, s18  }
0x5d: {  	[tilespmem:s21], [sflag:$0x7] =	stream.linear.gather [hbm4b:s8+s3], $0xC80, $0x38;
	[tilespmem:$0x1F480] =	vst v63  }
0x5e: {  	_ =	swait.ge [sflag:s20], $0xC80  }
0x5f: {  	[sflag:s20] =	ssyncset.done $0x0  }
0x60: {  	[sflag:s20] =	ssyncadd.s32 $0xFFFFF380  }
0x61: {  	[tilespmem:s23], [sflag:$0x1] =	stream.indirect.gather [hbm4b:s4+s22], $0x80, s3, s22, $0xb8;
	[tilespmem:$0x1F480] =	vst v63  }
0x62: {  	s19 =	rddreg [dreg:$0x6]  }
0x63: {  	[tilespmem:s24], [sflag:$0x2] =	stream.indirect.gather [hbm4b:s4+s22], $0x80, s19, s22, $0xb8;
	[tilespmem:$0x1F480] =	vst v63  }
0x64: {  	s17 =	rddreg [dreg:$0x7]  }
0x65: {  	[tilespmem:s25], [sflag:$0x3] =	stream.indirect.gather [hbm4b:s4+s22], $0x80, s17, s22, $0xb8;
	[tilespmem:$0x1F480] =	vst v63  }
0x66: {  	_ =	swait.ge [sflag:s26], $0x3200  }
0x67: {  	[sflag:s26] =	ssyncset.done $0x0  }
0x68: {  	[sflag:s26] =	ssyncadd.s32 $0xFFFFCE00  }
0x69: {  	[spmem:s1] =	stream.indirect.scatter.add.f32 [tilespmem:s23], [sflag:$0x4], $0x80, s21, s22, $0xb8;
	[tilespmem:$0x1F480] =	vst v63  }
0x6a: {  	_ =	swait.ge [sflag:s28], $0x3200  }
0x6b: {  	[sflag:s28] =	ssyncset.done $0x0  }
0x6c: {  	s19 =	rddreg [dreg:$0x8];
	[sflag:s28] =	ssyncadd.s32 $0xFFFFCE00  }
0x6d: {  	[spmem:s1] =	stream.indirect.scatter.add.f32 [tilespmem:s24], [sflag:$0x5], $0x80, s19, s22, $0xb8;
	[tilespmem:$0x1F480] =	vst v63  }
0x6e: {  	_ =	swait.ge [sflag:s29], $0x3200  }
0x6f: {  	[sflag:s29] =	ssyncset.done $0x0  }
0x70: {  	s17 =	rddreg [dreg:$0x9];
	[sflag:s29] =	ssyncadd.s32 $0xFFFFCE00  }
0x71: {  	[spmem:s1] =	stream.indirect.scatter.add.f32 [tilespmem:s25], [sflag:$0x6], $0x80, s17, s22, $0xb8;
	[tilespmem:$0x1F480] =	vst v63  }
0x72: {  	_ =	swait.ge [sflag:s30], $0x3200  }
0x73: {  	[sflag:s30] =	ssyncset.done $0x0  }
0x74: {  	s18 =	rddreg [dreg:$0xa];
	[sflag:s30] =	ssyncadd.s32 $0xFFFFCE00  }
0x75: {  	[tilespmem:s23], [sflag:$0x1] =	stream.indirect.gather [hbm4b:s4+s22], $0x80, s18, s22, $0xb8;
	[tilespmem:$0x1F480] =	vst v63  }
0x76: {  	_ =	swait.ge [sflag:s31], $0x3200  }
0x77: {  	[sflag:s31] =	ssyncset.done $0x0  }
0x78: {  	s19 =	rddreg [dreg:$0xb];
	[sflag:s31] =	ssyncadd.s32 $0xFFFFCE00  }
0x79: {  	[tilespmem:s24], [sflag:$0x2] =	stream.indirect.gather [hbm4b:s4+s22], $0x80, s19, s22, $0xb8;
	[tilespmem:$0x1F480] =	vst v63  }
0x7a: {  	_ =	swait.ge [sflag:s0], $0x3200  }
0x7b: {  	[sflag:s0] =	ssyncset.done $0x0  }
0x7c: {  	s17 =	rddreg [dreg:$0xc];
	[sflag:s0] =	ssyncadd.s32 $0xFFFFCE00  }
0x7d: {  	[tilespmem:s25], [sflag:$0x3] =	stream.indirect.gather [hbm4b:s4+s22], $0x80, s17, s22, $0xb8;
	[tilespmem:$0x1F480] =	vst v63  }
0x7e: {  	_ =	swait.ge [sflag:s26], $0x3200  }
0x7f: {  	[sflag:s26] =	ssyncset.done $0x0  }
0x80: {  	s18 =	rddreg [dreg:$0xd];
	[sflag:s26] =	ssyncadd.s32 $0xFFFFCE00  }
0x81: {  	[spmem:s1] =	stream.indirect.scatter.add.f32 [tilespmem:s23], [sflag:$0x4], $0x80, s18, s22, $0xb8;
	[tilespmem:$0x1F480] =	vst v63  }
0x82: {  	_ =	swait.ge [sflag:s28], $0x3200  }
0x83: {  	[sflag:s28] =	ssyncset.done $0x0  }
0x84: {  	s19 =	rddreg [dreg:$0xe];
	[sflag:s28] =	ssyncadd.s32 $0xFFFFCE00  }
0x85: {  	[spmem:s1] =	stream.indirect.scatter.add.f32 [tilespmem:s24], [sflag:$0x5], $0x80, s19, s22, $0xb8;
	[tilespmem:$0x1F480] =	vst v63  }
0x86: {  	_ =	swait.ge [sflag:s29], $0x3200  }
0x87: {  	[sflag:s29] =	ssyncset.done $0x0  }
0x88: {  	s17 =	rddreg [dreg:$0xf];
	[sflag:s29] =	ssyncadd.s32 $0xFFFFCE00  }
0x89: {  	[spmem:s1] =	stream.indirect.scatter.add.f32 [tilespmem:s25], [sflag:$0x6], $0x80, s17, s22, $0xb8;
	[tilespmem:$0x1F480] =	vst v63  }
0x8a: {  	_ =	swait.ge [sflag:s30], $0x3200  }
0x8b: {  	[sflag:s30] =	ssyncset.done $0x0  }
0x8c: {  	s18 =	rddreg [dreg:$0x10];
	[sflag:s30] =	ssyncadd.s32 $0xFFFFCE00  }
0x8d: {  	[tilespmem:s23], [sflag:$0x1] =	stream.indirect.gather [hbm4b:s4+s22], $0x80, s18, s22, $0xb8;
	[tilespmem:$0x1F480] =	vst v63  }
0x8e: {  	_ =	swait.ge [sflag:s31], $0x3200  }
0x8f: {  	[sflag:s31] =	ssyncset.done $0x0  }
0x90: {  	s19 =	rddreg [dreg:$0x11];
	[sflag:s31] =	ssyncadd.s32 $0xFFFFCE00  }
0x91: {  	[tilespmem:s24], [sflag:$0x2] =	stream.indirect.gather [hbm4b:s4+s22], $0x80, s19, s22, $0xb8;
	[tilespmem:$0x1F480] =	vst v63  }
0x92: {  	_ =	swait.ge [sflag:s0], $0x3200  }
0x93: {  	[sflag:s0] =	ssyncset.done $0x0  }
0x94: {  	s17 =	rddreg [dreg:$0x12];
	[sflag:s0] =	ssyncadd.s32 $0xFFFFCE00  }
0x95: {  	[tilespmem:s25], [sflag:$0x3] =	stream.indirect.gather [hbm4b:s4+s22], $0x80, s17, s22, $0xb8;
	[tilespmem:$0x1F480] =	vst v63  }
0x96: {  	_ =	swait.ge [sflag:s26], $0x3200  }
0x97: {  	[sflag:s26] =	ssyncset.done $0x0  }
0x98: {  	s18 =	rddreg [dreg:$0x13];
	[sflag:s26] =	ssyncadd.s32 $0xFFFFCE00  }
0x99: {  	[spmem:s1] =	stream.indirect.scatter.add.f32 [tilespmem:s23], [sflag:$0x4], $0x80, s18, s22, $0xb8;
	[tilespmem:$0x1F480] =	vst v63  }
0x9a: {  	_ =	swait.ge [sflag:s28], $0x3200  }
0x9b: {  	[sflag:s28] =	ssyncset.done $0x0  }
0x9c: {  	s19 =	rddreg [dreg:$0x14];
	[sflag:s28] =	ssyncadd.s32 $0xFFFFCE00  }
0x9d: {  	[spmem:s1] =	stream.indirect.scatter.add.f32 [tilespmem:s24], [sflag:$0x5], $0x80, s19, s22, $0xb8;
	[tilespmem:$0x1F480] =	vst v63  }
0x9e: {  	_ =	swait.ge [sflag:s29], $0x3200  }
0x9f: {  	[sflag:s29] =	ssyncset.done $0x0  }
0xa0: {  	s17 =	rddreg [dreg:$0x15];
	[sflag:s29] =	ssyncadd.s32 $0xFFFFCE00  }
0xa1: {  	[spmem:s1] =	stream.indirect.scatter.add.f32 [tilespmem:s25], [sflag:$0x6], $0x80, s17, s22, $0xb8;
	[tilespmem:$0x1F480] =	vst v63  }
0xa2: {  	_ =	swait.ge [sflag:s30], $0x3200  }
0xa3: {  	[sflag:s30] =	ssyncset.done $0x0  }
0xa4: {  	s18 =	rddreg [dreg:$0x16];
	[sflag:s30] =	ssyncadd.s32 $0xFFFFCE00  }
0xa5: {  	[tilespmem:s23], [sflag:$0x1] =	stream.indirect.gather [hbm4b:s4+s22], $0x80, s18, s22, $0xb8;
	[tilespmem:$0x1F480] =	vst v63  }
0xa6: {  	_ =	swait.ge [sflag:s31], $0x3200  }
0xa7: {  	[sflag:s31] =	ssyncset.done $0x0  }
0xa8: {  	s19 =	rddreg [dreg:$0x17];
	[sflag:s31] =	ssyncadd.s32 $0xFFFFCE00  }
0xa9: {  	[tilespmem:s24], [sflag:$0x2] =	stream.indirect.gather [hbm4b:s4+s22], $0x80, s19, s22, $0xb8;
	[tilespmem:$0x1F480] =	vst v63  }
0xaa: {  	_ =	swait.ge [sflag:s0], $0x3200  }
0xab: {  	[sflag:s0] =	ssyncset.done $0x0  }
0xac: {  	s17 =	rddreg [dreg:$0x18];
	[sflag:s0] =	ssyncadd.s32 $0xFFFFCE00  }
0xad: {  	[tilespmem:s25], [sflag:$0x3] =	stream.indirect.gather [hbm4b:s4+s22], $0x80, s17, s22, $0xb8;
	[tilespmem:$0x1F480] =	vst v63  }
0xae: {  	_ =	swait.ge [sflag:s26], $0x3200  }
0xaf: {  	[sflag:s26] =	ssyncset.done $0x0  }
0xb0: {  	s18 =	rddreg [dreg:$0x19];
	[sflag:s26] =	ssyncadd.s32 $0xFFFFCE00  }
0xb1: {  	[spmem:s1] =	stream.indirect.scatter.add.f32 [tilespmem:s23], [sflag:$0x4], $0x80, s18, s22, $0xb8;
	[tilespmem:$0x1F480] =	vst v63  }
0xb2: {  	_ =	swait.ge [sflag:s28], $0x3200  }
0xb3: {  	[sflag:s28] =	ssyncset.done $0x0  }
0xb4: {  	s19 =	rddreg [dreg:$0x1a];
	[sflag:s28] =	ssyncadd.s32 $0xFFFFCE00  }
0xb5: {  	[spmem:s1] =	stream.indirect.scatter.add.f32 [tilespmem:s24], [sflag:$0x5], $0x80, s19, s22, $0xb8;
	[tilespmem:$0x1F480] =	vst v63  }
0xb6: {  	_ =	swait.ge [sflag:s29], $0x3200  }
0xb7: {  	[sflag:s29] =	ssyncset.done $0x0  }
0xb8: {  	s17 =	rddreg [dreg:$0x1b];
	[sflag:s29] =	ssyncadd.s32 $0xFFFFCE00  }
0xb9: {  	[spmem:s1] =	stream.indirect.scatter.add.f32 [tilespmem:s25], [sflag:$0x6], $0x80, s17, s22, $0xb8;
	[tilespmem:$0x1F480] =	vst v63  }
0xba: {  	_ =	swait.ge [sflag:s30], $0x3200  }
0xbb: {  	[sflag:s30] =	ssyncset.done $0x0  }
0xbc: {  	s18 =	rddreg [dreg:$0x1c];
	[sflag:s30] =	ssyncadd.s32 $0xFFFFCE00  }
0xbd: {  	[tilespmem:s23], [sflag:$0x1] =	stream.indirect.gather [hbm4b:s4+s22], $0x80, s18, s22, $0xb8;
	[tilespmem:$0x1F480] =	vst v63  }
0xbe: {  	_ =	swait.ge [sflag:s31], $0x3200  }
0xbf: {  	[sflag:s31] =	ssyncset.done $0x0  }
0xc0: {  	s19 =	rddreg [dreg:$0x1d];
	[sflag:s31] =	ssyncadd.s32 $0xFFFFCE00  }
0xc1: {  	[tilespmem:s24], [sflag:$0x2] =	stream.indirect.gather [hbm4b:s4+s22], $0x80, s19, s22, $0xb8;
	[tilespmem:$0x1F480] =	vst v63  }
0xc2: {  	_ =	swait.ge [sflag:s0], $0x3200  }
0xc3: {  	[sflag:s0] =	ssyncset.done $0x0  }
0xc4: {  	s17 =	rddreg [dreg:$0x1e];
	[sflag:s0] =	ssyncadd.s32 $0xFFFFCE00  }
0xc5: {  	[tilespmem:s25], [sflag:$0x3] =	stream.indirect.gather [hbm4b:s4+s22], $0x80, s17, s22, $0xb8;
	[tilespmem:$0x1F480] =	vst v63  }
0xc6: {  	_ =	swait.ge [sflag:s26], $0x3200  }
0xc7: {  	[sflag:s26] =	ssyncset.done $0x0  }
0xc8: {  	s18 =	rddreg [dreg:$0x1f];
	[sflag:s26] =	ssyncadd.s32 $0xFFFFCE00  }
0xc9: {  	[spmem:s1] =	stream.indirect.scatter.add.f32 [tilespmem:s23], [sflag:$0x4], $0x80, s18, s22, $0xb8;
	[tilespmem:$0x1F480] =	vst v63  }
0xca: {  	_ =	swait.ge [sflag:s28], $0x3200  }
0xcb: {  	s19 =	sld [smem:$0x7F1]  }
0xcc: {  	[sflag:s28] =	ssyncset.done $0x0  }
0xcd: {  	[sflag:s28] =	ssyncadd.s32 $0xFFFFCE00  }
0xce: {  	[spmem:s1] =	stream.indirect.scatter.add.f32 [tilespmem:s24], [sflag:$0x5], $0x80, s19, s22, $0xb8;
	[tilespmem:$0x1F480] =	vst v63  }
0xcf: {  	_ =	swait.ge [sflag:s29], $0x3200  }
0xd0: {  	s17 =	sld [smem:$0x7F2]  }
0xd1: {  	[sflag:s29] =	ssyncset.done $0x0  }
0xd2: {  	[sflag:s29] =	ssyncadd.s32 $0xFFFFCE00  }
0xd3: {  	[spmem:s1] =	stream.indirect.scatter.add.f32 [tilespmem:s25], [sflag:$0x6], $0x80, s17, s22, $0xb8;
	[tilespmem:$0x1F480] =	vst v63  }
0xd4: {  	_ =	swait.ge [sflag:s30], $0x3200  }
0xd5: {  	s18 =	sld [smem:$0x7F4]  }
0xd6: {  	[sflag:s30] =	ssyncset.done $0x0  }
0xd7: {  	[sflag:s30] =	ssyncadd.s32 $0xFFFFCE00  }
0xd8: {  	[tilespmem:s23], [sflag:$0x1] =	stream.indirect.gather [hbm4b:s4+s22], $0x80, s18, s22, $0xb8;
	[tilespmem:$0x1F480] =	vst v63  }
0xd9: {  	_ =	swait.ge [sflag:s31], $0x3200  }
0xda: {  	s19 =	sld [smem:$0x7F7]  }
0xdb: {  	[sflag:s31] =	ssyncset.done $0x0  }
0xdc: {  	[sflag:s31] =	ssyncadd.s32 $0xFFFFCE00  }
0xdd: {  	[tilespmem:s24], [sflag:$0x2] =	stream.indirect.gather [hbm4b:s4+s22], $0x80, s19, s22, $0xb8;
	[tilespmem:$0x1F480] =	vst v63  }
0xde: {  	_ =	swait.ge [sflag:s0], $0x3200  }
0xdf: {  	s17 =	sld [smem:$0x7F8]  }
0xe0: {  	[sflag:s0] =	ssyncset.done $0x0  }
0xe1: {  	[sflag:s0] =	ssyncadd.s32 $0xFFFFCE00  }
0xe2: {  	[tilespmem:s25], [sflag:$0x3] =	stream.indirect.gather [hbm4b:s4+s22], $0x80, s17, s22, $0xb8;
	[tilespmem:$0x1F480] =	vst v63  }
0xe3: {  	_ =	swait.ge [sflag:s26], $0x3200  }
0xe4: {  	s18 =	sld [smem:$0x7F9]  }
0xe5: {  	[sflag:s26] =	ssyncset.done $0x0  }
0xe6: {  	[sflag:s26] =	ssyncadd.s32 $0xFFFFCE00  }
0xe7: {  	[spmem:s1] =	stream.indirect.scatter.add.f32 [tilespmem:s23], [sflag:$0x4], $0x80, s18, s22, $0xb8;
	[tilespmem:$0x1F480] =	vst v63  }
0xe8: {  	_ =	swait.ge [sflag:s28], $0x3200  }
0xe9: {  	s19 =	sld [smem:$0x7FA]  }
0xea: {  	[sflag:s28] =	ssyncset.done $0x0  }
0xeb: {  	[sflag:s28] =	ssyncadd.s32 $0xFFFFCE00  }
0xec: {  	[spmem:s1] =	stream.indirect.scatter.add.f32 [tilespmem:s24], [sflag:$0x5], $0x80, s19, s22, $0xb8;
	[tilespmem:$0x1F480] =	vst v63  }
0xed: {  	_ =	swait.ge [sflag:s29], $0x3200  }
0xee: {  	s17 =	sld [smem:$0x7FB]  }
0xef: {  	[sflag:s29] =	ssyncset.done $0x0  }
0xf0: {  	[sflag:s29] =	ssyncadd.s32 $0xFFFFCE00  }
0xf1: {  	[spmem:s1] =	stream.indirect.scatter.add.f32 [tilespmem:s25], [sflag:$0x6], $0x80, s17, s22, $0xb8;
	[tilespmem:$0x1F480] =	vst v63  }
0xf2: {  	_ =	swait.ge [sflag:s30], $0x3200  }
0xf3: {  	s18 =	sld [smem:$0x7FC]  }
0xf4: {  	[sflag:s30] =	ssyncset.done $0x0  }
0xf5: {  	[sflag:s30] =	ssyncadd.s32 $0xFFFFCE00  }
0xf6: {  	[tilespmem:s23], [sflag:$0x1] =	stream.indirect.gather [hbm4b:s4+s22], $0x80, s18, s22, $0xb8;
	[tilespmem:$0x1F480] =	vst v63  }
0xf7: {  	_ =	swait.ge [sflag:s31], $0x3200  }
0xf8: {  	s19 =	sld [smem:$0x7FD]  }
0xf9: {  	[sflag:s31] =	ssyncset.done $0x0  }
0xfa: {  	[sflag:s31] =	ssyncadd.s32 $0xFFFFCE00  }
0xfb: {  	[tilespmem:s24], [sflag:$0x2] =	stream.indirect.gather [hbm4b:s4+s22], $0x80, s19, s22, $0xb8;
	[tilespmem:$0x1F480] =	vst v63  }
0xfc: {  	_ =	swait.ge [sflag:s0], $0x3200  }
0xfd: {  	[sflag:s0] =	ssyncset.done $0x0  }
0xfe: {  	[sflag:s0] =	ssyncadd.s32 $0xFFFFCE00  }
0xff: {  	[tilespmem:s25], [sflag:$0x3] =	stream.indirect.gather [hbm4b:s4+s22], $0x80, s2, s22, $0xb8;
	[tilespmem:$0x1F480] =	vst v63  }
0x100: {  	_ =	swait.ge [sflag:s26], $0x3200  }
0x101: {  	[sflag:s26] =	ssyncset.done $0x0  }
0x102: {  	[sflag:s26] =	ssyncadd.s32 $0xFFFFCE00  }
0x103: {  	[spmem:s1] =	stream.indirect.scatter.add.f32 [tilespmem:s23], [sflag:$0x4], $0x80, s6, s22, $0xb8;
	[tilespmem:$0x1F480] =	vst v63  }
0x104: {  	_ =	swait.ge [sflag:s28], $0x3200  }
0x105: {  	[sflag:s28] =	ssyncset.done $0x0  }
0x106: {  	[sflag:s28] =	ssyncadd.s32 $0xFFFFCE00  }
0x107: {  	[spmem:s1] =	stream.indirect.scatter.add.f32 [tilespmem:s24], [sflag:$0x5], $0x80, s7, s22, $0xb8;
	[tilespmem:$0x1F480] =	vst v63  }
0x108: {  	_ =	swait.ge [sflag:s29], $0x3200  }
0x109: {  	[sflag:s29] =	ssyncset.done $0x0  }
0x10a: {  	[sflag:s29] =	ssyncadd.s32 $0xFFFFCE00  }
0x10b: {  	[spmem:s1] =	stream.indirect.scatter.add.f32 [tilespmem:s25], [sflag:$0x6], $0x80, s9, s22, $0xb8;
	[tilespmem:$0x1F480] =	vst v63  }
0x10c: {  	_ =	swait.ge [sflag:s30], $0x3200  }
0x10d: {  	[sflag:s30] =	ssyncset.done $0x0  }
0x10e: {  	[sflag:s30] =	ssyncadd.s32 $0xFFFFCE00  }
0x10f: {  	[tilespmem:s23], [sflag:$0x1] =	stream.indirect.gather [hbm4b:s4+s22], $0x80, s10, s22, $0xb8;
	[tilespmem:$0x1F480] =	vst v63  }
0x110: {  	_ =	swait.ge [sflag:s31], $0x3200  }
0x111: {  	[sflag:s31] =	ssyncset.done $0x0  }
0x112: {  	[sflag:s31] =	ssyncadd.s32 $0xFFFFCE00  }
0x113: {  	[tilespmem:s24], [sflag:$0x2] =	stream.indirect.gather [hbm4b:s4+s22], $0x80, s11, s22, $0xb8;
	[tilespmem:$0x1F480] =	vst v63  }
0x114: {  	_ =	swait.ge [sflag:s0], $0x3200  }
0x115: {  	[sflag:s0] =	ssyncset.done $0x0  }
0x116: {  	[sflag:s0] =	ssyncadd.s32 $0xFFFFCE00  }
0x117: {  	[tilespmem:s25], [sflag:$0x3] =	stream.indirect.gather [hbm4b:s4+s22], $0x80, s12, s22, $0xb8;
	[tilespmem:$0x1F480] =	vst v63  }
0x118: {  	_ =	swait.ge [sflag:s26], $0x3200  }
0x119: {  	[sflag:s26] =	ssyncset.done $0x0  }
0x11a: {  	[sflag:s26] =	ssyncadd.s32 $0xFFFFCE00  }
0x11b: {  	[spmem:s1] =	stream.indirect.scatter.add.f32 [tilespmem:s23], [sflag:$0x4], $0x80, s13, s22, $0xb8;
	[tilespmem:$0x1F480] =	vst v63  }
0x11c: {  	_ =	swait.ge [sflag:s28], $0x3200  }
0x11d: {  	[sflag:s28] =	ssyncset.done $0x0  }
0x11e: {  	[sflag:s28] =	ssyncadd.s32 $0xFFFFCE00  }
0x11f: {  	[spmem:s1] =	stream.indirect.scatter.add.f32 [tilespmem:s24], [sflag:$0x5], $0x80, s14, s22, $0xb8;
	[tilespmem:$0x1F480] =	vst v63  }
0x120: {  	_ =	swait.ge [sflag:s29], $0x3200  }
0x121: {  	[sflag:s29] =	ssyncset.done $0x0  }
0x122: {  	[sflag:s29] =	ssyncadd.s32 $0xFFFFCE00  }
0x123: {  	[spmem:s1] =	stream.indirect.scatter.add.f32 [tilespmem:s25], [sflag:$0x6], $0x80, s15, s22, $0xb8;
	[tilespmem:$0x1F480] =	vst v63  }
0x124: {  	_ =	swait.ge [sflag:s30], $0x3200  }
0x125: {  	[sflag:s30] =	ssyncset.done $0x0  }
0x126: {  	[sflag:s30] =	ssyncadd.s32 $0xFFFFCE00  }
0x127: {  	[tilespmem:s23], [sflag:$0x1] =	stream.indirect.gather [hbm4b:s4+s22], $0x80, s5, s22, $0xb8;
	[tilespmem:$0x1F480] =	vst v63  }
0x128: {  	_ =	swait.ge [sflag:s31], $0x3200  }
0x129: {  	[sflag:s31] =	ssyncset.done $0x0  }
0x12a: {  	[sflag:s31] =	ssyncadd.s32 $0xFFFFCE00  }
0x12b: {  	_ =	swait.ge [sflag:s0], $0x3200  }
0x12c: {  	[sflag:s0] =	ssyncset.done $0x0  }
0x12d: {  	[sflag:s0] =	ssyncadd.s32 $0xFFFFCE00  }
0x12e: {  	_ =	swait.ge [sflag:s26], $0x3200  }
0x12f: {  	[sflag:s26] =	ssyncset.done $0x0  }
0x130: {  	[sflag:s26] =	ssyncadd.s32 $0xFFFFCE00  }
0x131: {  	[spmem:s1] =	stream.indirect.scatter.add.f32 [tilespmem:s23], [sflag:$0x4], $0x80, s16, s22, $0xb8;
	[tilespmem:$0x1F480] =	vst v63  }
0x132: {  	s8 =	simm.s32 $0x200;
	_ =	swait.ge [sflag:s30], $0x3200  }
0x133: {  	s18 =	simm.s32 $0x400;
	s19 =	rddreg [dreg:$0x5];
	[sflag:s30] =	ssyncset.done $0x0  }
.LBB2_2:
0x134: {  	[sflag:s30] =	ssyncadd.s32 $0xFFFFCE00;
	s19 =	sadd.s32 s8, s19  }
0x135: {  	[tilespmem:s3], [sflag:$0x7] =	stream.linear.gather [hbm4b:s19+s3], $0xC80, $0x38;
	[tilespmem:$0x1F480] =	vst v63  }
0x136: {  	_ =	swait.ge [sflag:s20], $0xC80  }
0x137: {  	s19 =	rddreg [dreg:$0x4];
	[sflag:s20] =	ssyncset.done $0x0  }
0x138: {  	[sflag:s20] =	ssyncadd.s32 $0xFFFFF380;
	s19 =	sadd.s32 s8, s19  }
0x139: {  	[tilespmem:s21], [sflag:$0x7] =	stream.linear.gather [hbm4b:s19+s3], $0xC80, $0x38;
	[tilespmem:$0x1F480] =	vst v63  }
0x13a: {  	_ =	swait.ge [sflag:s20], $0xC80  }
0x13b: {  	[sflag:s20] =	ssyncset.done $0x0  }
0x13c: {  	s17 =	smov.u32 s18;
	[sflag:s20] =	ssyncadd.s32 $0xFFFFF380  }
0x13d: {  	[tilespmem:s23], [sflag:$0x1] =	stream.indirect.gather [hbm4b:s4+s22], $0x80, s3, s22, $0xb8;
	[tilespmem:$0x1F480] =	vst v63  }
0x13e: {  	s8 =	smov.u32 s17;
	s17 =	rddreg [dreg:$0x6]  }
0x13f: {  	[tilespmem:s24], [sflag:$0x2] =	stream.indirect.gather [hbm4b:s4+s22], $0x80, s17, s22, $0xb8;
	[tilespmem:$0x1F480] =	vst v63  }
0x140: {  	s19 =	rddreg [dreg:$0x7]  }
0x141: {  	[tilespmem:s25], [sflag:$0x3] =	stream.indirect.gather [hbm4b:s4+s22], $0x80, s19, s22, $0xb8;
	[tilespmem:$0x1F480] =	vst v63  }
0x142: {  	_ =	swait.ge [sflag:s26], $0x3200  }
0x143: {  	[sflag:s26] =	ssyncset.done $0x0  }
0x144: {  	[sflag:s26] =	ssyncadd.s32 $0xFFFFCE00  }
0x145: {  	[spmem:s1] =	stream.indirect.scatter.add.f32 [tilespmem:s23], [sflag:$0x4], $0x80, s21, s22, $0xb8;
	[tilespmem:$0x1F480] =	vst v63  }
0x146: {  	_ =	swait.ge [sflag:s28], $0x3200  }
0x147: {  	[sflag:s28] =	ssyncset.done $0x0  }
0x148: {  	s19 =	rddreg [dreg:$0x8];
	[sflag:s28] =	ssyncadd.s32 $0xFFFFCE00  }
0x149: {  	[spmem:s1] =	stream.indirect.scatter.add.f32 [tilespmem:s24], [sflag:$0x5], $0x80, s19, s22, $0xb8;
	[tilespmem:$0x1F480] =	vst v63  }
0x14a: {  	_ =	swait.ge [sflag:s29], $0x3200  }
0x14b: {  	[sflag:s29] =	ssyncset.done $0x0  }
0x14c: {  	s19 =	rddreg [dreg:$0x9];
	[sflag:s29] =	ssyncadd.s32 $0xFFFFCE00  }
0x14d: {  	[spmem:s1] =	stream.indirect.scatter.add.f32 [tilespmem:s25], [sflag:$0x6], $0x80, s19, s22, $0xb8;
	[tilespmem:$0x1F480] =	vst v63  }
0x14e: {  	_ =	swait.ge [sflag:s30], $0x3200  }
0x14f: {  	[sflag:s30] =	ssyncset.done $0x0  }
0x150: {  	s19 =	rddreg [dreg:$0xa];
	[sflag:s30] =	ssyncadd.s32 $0xFFFFCE00  }
0x151: {  	[tilespmem:s23], [sflag:$0x1] =	stream.indirect.gather [hbm4b:s4+s22], $0x80, s19, s22, $0xb8;
	[tilespmem:$0x1F480] =	vst v63  }
0x152: {  	_ =	swait.ge [sflag:s31], $0x3200  }
0x153: {  	[sflag:s31] =	ssyncset.done $0x0  }
0x154: {  	s19 =	rddreg [dreg:$0xb];
	[sflag:s31] =	ssyncadd.s32 $0xFFFFCE00  }
0x155: {  	[tilespmem:s24], [sflag:$0x2] =	stream.indirect.gather [hbm4b:s4+s22], $0x80, s19, s22, $0xb8;
	[tilespmem:$0x1F480] =	vst v63  }
0x156: {  	_ =	swait.ge [sflag:s0], $0x3200  }
0x157: {  	[sflag:s0] =	ssyncset.done $0x0  }
0x158: {  	s19 =	rddreg [dreg:$0xc];
	[sflag:s0] =	ssyncadd.s32 $0xFFFFCE00  }
0x159: {  	[tilespmem:s25], [sflag:$0x3] =	stream.indirect.gather [hbm4b:s4+s22], $0x80, s19, s22, $0xb8;
	[tilespmem:$0x1F480] =	vst v63  }
0x15a: {  	_ =	swait.ge [sflag:s26], $0x3200  }
0x15b: {  	[sflag:s26] =	ssyncset.done $0x0  }
0x15c: {  	s19 =	rddreg [dreg:$0xd];
	[sflag:s26] =	ssyncadd.s32 $0xFFFFCE00  }
0x15d: {  	[spmem:s1] =	stream.indirect.scatter.add.f32 [tilespmem:s23], [sflag:$0x4], $0x80, s19, s22, $0xb8;
	[tilespmem:$0x1F480] =	vst v63  }
0x15e: {  	_ =	swait.ge [sflag:s28], $0x3200  }
0x15f: {  	[sflag:s28] =	ssyncset.done $0x0  }
0x160: {  	s19 =	rddreg [dreg:$0xe];
	[sflag:s28] =	ssyncadd.s32 $0xFFFFCE00  }
0x161: {  	[spmem:s1] =	stream.indirect.scatter.add.f32 [tilespmem:s24], [sflag:$0x5], $0x80, s19, s22, $0xb8;
	[tilespmem:$0x1F480] =	vst v63  }
0x162: {  	_ =	swait.ge [sflag:s29], $0x3200  }
0x163: {  	[sflag:s29] =	ssyncset.done $0x0  }
0x164: {  	s19 =	rddreg [dreg:$0xf];
	[sflag:s29] =	ssyncadd.s32 $0xFFFFCE00  }
0x165: {  	[spmem:s1] =	stream.indirect.scatter.add.f32 [tilespmem:s25], [sflag:$0x6], $0x80, s19, s22, $0xb8;
	[tilespmem:$0x1F480] =	vst v63  }
0x166: {  	_ =	swait.ge [sflag:s30], $0x3200  }
0x167: {  	[sflag:s30] =	ssyncset.done $0x0  }
0x168: {  	s19 =	rddreg [dreg:$0x10];
	[sflag:s30] =	ssyncadd.s32 $0xFFFFCE00  }
0x169: {  	[tilespmem:s23], [sflag:$0x1] =	stream.indirect.gather [hbm4b:s4+s22], $0x80, s19, s22, $0xb8;
	[tilespmem:$0x1F480] =	vst v63  }
0x16a: {  	_ =	swait.ge [sflag:s31], $0x3200  }
0x16b: {  	[sflag:s31] =	ssyncset.done $0x0  }
0x16c: {  	s19 =	rddreg [dreg:$0x11];
	[sflag:s31] =	ssyncadd.s32 $0xFFFFCE00  }
0x16d: {  	[tilespmem:s24], [sflag:$0x2] =	stream.indirect.gather [hbm4b:s4+s22], $0x80, s19, s22, $0xb8;
	[tilespmem:$0x1F480] =	vst v63  }
0x16e: {  	_ =	swait.ge [sflag:s0], $0x3200  }
0x16f: {  	[sflag:s0] =	ssyncset.done $0x0  }
0x170: {  	s19 =	rddreg [dreg:$0x12];
	[sflag:s0] =	ssyncadd.s32 $0xFFFFCE00  }
0x171: {  	[tilespmem:s25], [sflag:$0x3] =	stream.indirect.gather [hbm4b:s4+s22], $0x80, s19, s22, $0xb8;
	[tilespmem:$0x1F480] =	vst v63  }
0x172: {  	_ =	swait.ge [sflag:s26], $0x3200  }
0x173: {  	[sflag:s26] =	ssyncset.done $0x0  }
0x174: {  	s19 =	rddreg [dreg:$0x13];
	[sflag:s26] =	ssyncadd.s32 $0xFFFFCE00  }
0x175: {  	[spmem:s1] =	stream.indirect.scatter.add.f32 [tilespmem:s23], [sflag:$0x4], $0x80, s19, s22, $0xb8;
	[tilespmem:$0x1F480] =	vst v63  }
0x176: {  	_ =	swait.ge [sflag:s28], $0x3200  }
0x177: {  	[sflag:s28] =	ssyncset.done $0x0  }
0x178: {  	s19 =	rddreg [dreg:$0x14];
	[sflag:s28] =	ssyncadd.s32 $0xFFFFCE00  }
0x179: {  	[spmem:s1] =	stream.indirect.scatter.add.f32 [tilespmem:s24], [sflag:$0x5], $0x80, s19, s22, $0xb8;
	[tilespmem:$0x1F480] =	vst v63  }
0x17a: {  	_ =	swait.ge [sflag:s29], $0x3200  }
0x17b: {  	[sflag:s29] =	ssyncset.done $0x0  }
0x17c: {  	s19 =	rddreg [dreg:$0x15];
	[sflag:s29] =	ssyncadd.s32 $0xFFFFCE00  }
0x17d: {  	[spmem:s1] =	stream.indirect.scatter.add.f32 [tilespmem:s25], [sflag:$0x6], $0x80, s19, s22, $0xb8;
	[tilespmem:$0x1F480] =	vst v63  }
0x17e: {  	_ =	swait.ge [sflag:s30], $0x3200  }
0x17f: {  	[sflag:s30] =	ssyncset.done $0x0  }
0x180: {  	s19 =	rddreg [dreg:$0x16];
	[sflag:s30] =	ssyncadd.s32 $0xFFFFCE00  }
0x181: {  	[tilespmem:s23], [sflag:$0x1] =	stream.indirect.gather [hbm4b:s4+s22], $0x80, s19, s22, $0xb8;
	[tilespmem:$0x1F480] =	vst v63  }
0x182: {  	_ =	swait.ge [sflag:s31], $0x3200  }
0x183: {  	[sflag:s31] =	ssyncset.done $0x0  }
0x184: {  	s19 =	rddreg [dreg:$0x17];
	[sflag:s31] =	ssyncadd.s32 $0xFFFFCE00  }
0x185: {  	[tilespmem:s24], [sflag:$0x2] =	stream.indirect.gather [hbm4b:s4+s22], $0x80, s19, s22, $0xb8;
	[tilespmem:$0x1F480] =	vst v63  }
0x186: {  	_ =	swait.ge [sflag:s0], $0x3200  }
0x187: {  	[sflag:s0] =	ssyncset.done $0x0  }
0x188: {  	s19 =	rddreg [dreg:$0x18];
	[sflag:s0] =	ssyncadd.s32 $0xFFFFCE00  }
0x189: {  	[tilespmem:s25], [sflag:$0x3] =	stream.indirect.gather [hbm4b:s4+s22], $0x80, s19, s22, $0xb8;
	[tilespmem:$0x1F480] =	vst v63  }
0x18a: {  	_ =	swait.ge [sflag:s26], $0x3200  }
0x18b: {  	[sflag:s26] =	ssyncset.done $0x0  }
0x18c: {  	s19 =	rddreg [dreg:$0x19];
	[sflag:s26] =	ssyncadd.s32 $0xFFFFCE00  }
0x18d: {  	[spmem:s1] =	stream.indirect.scatter.add.f32 [tilespmem:s23], [sflag:$0x4], $0x80, s19, s22, $0xb8;
	[tilespmem:$0x1F480] =	vst v63  }
0x18e: {  	_ =	swait.ge [sflag:s28], $0x3200  }
0x18f: {  	[sflag:s28] =	ssyncset.done $0x0  }
0x190: {  	s19 =	rddreg [dreg:$0x1a];
	[sflag:s28] =	ssyncadd.s32 $0xFFFFCE00  }
0x191: {  	[spmem:s1] =	stream.indirect.scatter.add.f32 [tilespmem:s24], [sflag:$0x5], $0x80, s19, s22, $0xb8;
	[tilespmem:$0x1F480] =	vst v63  }
0x192: {  	_ =	swait.ge [sflag:s29], $0x3200  }
0x193: {  	[sflag:s29] =	ssyncset.done $0x0  }
0x194: {  	s19 =	rddreg [dreg:$0x1b];
	[sflag:s29] =	ssyncadd.s32 $0xFFFFCE00  }
0x195: {  	[spmem:s1] =	stream.indirect.scatter.add.f32 [tilespmem:s25], [sflag:$0x6], $0x80, s19, s22, $0xb8;
	[tilespmem:$0x1F480] =	vst v63  }
0x196: {  	_ =	swait.ge [sflag:s30], $0x3200  }
0x197: {  	[sflag:s30] =	ssyncset.done $0x0  }
0x198: {  	s19 =	rddreg [dreg:$0x1c];
	[sflag:s30] =	ssyncadd.s32 $0xFFFFCE00  }
0x199: {  	[tilespmem:s23], [sflag:$0x1] =	stream.indirect.gather [hbm4b:s4+s22], $0x80, s19, s22, $0xb8;
	[tilespmem:$0x1F480] =	vst v63  }
0x19a: {  	_ =	swait.ge [sflag:s31], $0x3200  }
0x19b: {  	[sflag:s31] =	ssyncset.done $0x0  }
0x19c: {  	s19 =	rddreg [dreg:$0x1d];
	[sflag:s31] =	ssyncadd.s32 $0xFFFFCE00  }
0x19d: {  	[tilespmem:s24], [sflag:$0x2] =	stream.indirect.gather [hbm4b:s4+s22], $0x80, s19, s22, $0xb8;
	[tilespmem:$0x1F480] =	vst v63  }
0x19e: {  	_ =	swait.ge [sflag:s0], $0x3200  }
0x19f: {  	[sflag:s0] =	ssyncset.done $0x0  }
0x1a0: {  	s19 =	rddreg [dreg:$0x1e];
	[sflag:s0] =	ssyncadd.s32 $0xFFFFCE00  }
0x1a1: {  	[tilespmem:s25], [sflag:$0x3] =	stream.indirect.gather [hbm4b:s4+s22], $0x80, s19, s22, $0xb8;
	[tilespmem:$0x1F480] =	vst v63  }
0x1a2: {  	_ =	swait.ge [sflag:s26], $0x3200  }
0x1a3: {  	[sflag:s26] =	ssyncset.done $0x0  }
0x1a4: {  	s19 =	rddreg [dreg:$0x1f];
	[sflag:s26] =	ssyncadd.s32 $0xFFFFCE00  }
0x1a5: {  	[spmem:s1] =	stream.indirect.scatter.add.f32 [tilespmem:s23], [sflag:$0x4], $0x80, s19, s22, $0xb8;
	[tilespmem:$0x1F480] =	vst v63  }
0x1a6: {  	_ =	swait.ge [sflag:s28], $0x3200  }
0x1a7: {  	s19 =	sld [smem:$0x7F1]  }
0x1a8: {  	[sflag:s28] =	ssyncset.done $0x0  }
0x1a9: {  	[sflag:s28] =	ssyncadd.s32 $0xFFFFCE00  }
0x1aa: {  	[spmem:s1] =	stream.indirect.scatter.add.f32 [tilespmem:s24], [sflag:$0x5], $0x80, s19, s22, $0xb8;
	[tilespmem:$0x1F480] =	vst v63  }
0x1ab: {  	_ =	swait.ge [sflag:s29], $0x3200  }
0x1ac: {  	s19 =	sld [smem:$0x7F2]  }
0x1ad: {  	[sflag:s29] =	ssyncset.done $0x0  }
0x1ae: {  	[sflag:s29] =	ssyncadd.s32 $0xFFFFCE00  }
0x1af: {  	[spmem:s1] =	stream.indirect.scatter.add.f32 [tilespmem:s25], [sflag:$0x6], $0x80, s19, s22, $0xb8;
	[tilespmem:$0x1F480] =	vst v63  }
0x1b0: {  	_ =	swait.ge [sflag:s30], $0x3200  }
0x1b1: {  	s19 =	sld [smem:$0x7F4]  }
0x1b2: {  	[sflag:s30] =	ssyncset.done $0x0  }
0x1b3: {  	[sflag:s30] =	ssyncadd.s32 $0xFFFFCE00  }
0x1b4: {  	[tilespmem:s23], [sflag:$0x1] =	stream.indirect.gather [hbm4b:s4+s22], $0x80, s19, s22, $0xb8;
	[tilespmem:$0x1F480] =	vst v63  }
0x1b5: {  	_ =	swait.ge [sflag:s31], $0x3200  }
0x1b6: {  	s19 =	sld [smem:$0x7F7]  }
0x1b7: {  	[sflag:s31] =	ssyncset.done $0x0  }
0x1b8: {  	[sflag:s31] =	ssyncadd.s32 $0xFFFFCE00  }
0x1b9: {  	[tilespmem:s24], [sflag:$0x2] =	stream.indirect.gather [hbm4b:s4+s22], $0x80, s19, s22, $0xb8;
	[tilespmem:$0x1F480] =	vst v63  }
0x1ba: {  	_ =	swait.ge [sflag:s0], $0x3200  }
0x1bb: {  	s19 =	sld [smem:$0x7F8]  }
0x1bc: {  	[sflag:s0] =	ssyncset.done $0x0  }
0x1bd: {  	[sflag:s0] =	ssyncadd.s32 $0xFFFFCE00  }
0x1be: {  	[tilespmem:s25], [sflag:$0x3] =	stream.indirect.gather [hbm4b:s4+s22], $0x80, s19, s22, $0xb8;
	[tilespmem:$0x1F480] =	vst v63  }
0x1bf: {  	_ =	swait.ge [sflag:s26], $0x3200  }
0x1c0: {  	s19 =	sld [smem:$0x7F9]  }
0x1c1: {  	[sflag:s26] =	ssyncset.done $0x0  }
0x1c2: {  	[sflag:s26] =	ssyncadd.s32 $0xFFFFCE00  }
0x1c3: {  	[spmem:s1] =	stream.indirect.scatter.add.f32 [tilespmem:s23], [sflag:$0x4], $0x80, s19, s22, $0xb8;
	[tilespmem:$0x1F480] =	vst v63  }
0x1c4: {  	_ =	swait.ge [sflag:s28], $0x3200  }
0x1c5: {  	s19 =	sld [smem:$0x7FA]  }
0x1c6: {  	[sflag:s28] =	ssyncset.done $0x0  }
0x1c7: {  	[sflag:s28] =	ssyncadd.s32 $0xFFFFCE00  }
0x1c8: {  	[spmem:s1] =	stream.indirect.scatter.add.f32 [tilespmem:s24], [sflag:$0x5], $0x80, s19, s22, $0xb8;
	[tilespmem:$0x1F480] =	vst v63  }
0x1c9: {  	_ =	swait.ge [sflag:s29], $0x3200  }
0x1ca: {  	s19 =	sld [smem:$0x7FB]  }
0x1cb: {  	[sflag:s29] =	ssyncset.done $0x0  }
0x1cc: {  	[sflag:s29] =	ssyncadd.s32 $0xFFFFCE00  }
0x1cd: {  	[spmem:s1] =	stream.indirect.scatter.add.f32 [tilespmem:s25], [sflag:$0x6], $0x80, s19, s22, $0xb8;
	[tilespmem:$0x1F480] =	vst v63  }
0x1ce: {  	_ =	swait.ge [sflag:s30], $0x3200  }
0x1cf: {  	s19 =	sld [smem:$0x7FC]  }
0x1d0: {  	[sflag:s30] =	ssyncset.done $0x0  }
0x1d1: {  	[sflag:s30] =	ssyncadd.s32 $0xFFFFCE00  }
0x1d2: {  	[tilespmem:s23], [sflag:$0x1] =	stream.indirect.gather [hbm4b:s4+s22], $0x80, s19, s22, $0xb8;
	[tilespmem:$0x1F480] =	vst v63  }
0x1d3: {  	_ =	swait.ge [sflag:s31], $0x3200  }
0x1d4: {  	s19 =	sld [smem:$0x7FD]  }
0x1d5: {  	[sflag:s31] =	ssyncset.done $0x0  }
0x1d6: {  	[sflag:s31] =	ssyncadd.s32 $0xFFFFCE00  }
0x1d7: {  	[tilespmem:s24], [sflag:$0x2] =	stream.indirect.gather [hbm4b:s4+s22], $0x80, s19, s22, $0xb8;
	[tilespmem:$0x1F480] =	vst v63  }
0x1d8: {  	_ =	swait.ge [sflag:s0], $0x3200  }
0x1d9: {  	[sflag:s0] =	ssyncset.done $0x0  }
0x1da: {  	[sflag:s0] =	ssyncadd.s32 $0xFFFFCE00  }
0x1db: {  	[tilespmem:s25], [sflag:$0x3] =	stream.indirect.gather [hbm4b:s4+s22], $0x80, s2, s22, $0xb8;
	[tilespmem:$0x1F480] =	vst v63  }
0x1dc: {  	_ =	swait.ge [sflag:s26], $0x3200  }
0x1dd: {  	[sflag:s26] =	ssyncset.done $0x0  }
0x1de: {  	[sflag:s26] =	ssyncadd.s32 $0xFFFFCE00  }
0x1df: {  	[spmem:s1] =	stream.indirect.scatter.add.f32 [tilespmem:s23], [sflag:$0x4], $0x80, s6, s22, $0xb8;
	[tilespmem:$0x1F480] =	vst v63  }
0x1e0: {  	_ =	swait.ge [sflag:s28], $0x3200  }
0x1e1: {  	[sflag:s28] =	ssyncset.done $0x0  }
0x1e2: {  	[sflag:s28] =	ssyncadd.s32 $0xFFFFCE00  }
0x1e3: {  	[spmem:s1] =	stream.indirect.scatter.add.f32 [tilespmem:s24], [sflag:$0x5], $0x80, s7, s22, $0xb8;
	[tilespmem:$0x1F480] =	vst v63  }
0x1e4: {  	_ =	swait.ge [sflag:s29], $0x3200  }
0x1e5: {  	[sflag:s29] =	ssyncset.done $0x0  }
0x1e6: {  	[sflag:s29] =	ssyncadd.s32 $0xFFFFCE00  }
0x1e7: {  	[spmem:s1] =	stream.indirect.scatter.add.f32 [tilespmem:s25], [sflag:$0x6], $0x80, s9, s22, $0xb8;
	[tilespmem:$0x1F480] =	vst v63  }
0x1e8: {  	_ =	swait.ge [sflag:s30], $0x3200  }
0x1e9: {  	[sflag:s30] =	ssyncset.done $0x0  }
0x1ea: {  	[sflag:s30] =	ssyncadd.s32 $0xFFFFCE00  }
0x1eb: {  	[tilespmem:s23], [sflag:$0x1] =	stream.indirect.gather [hbm4b:s4+s22], $0x80, s10, s22, $0xb8;
	[tilespmem:$0x1F480] =	vst v63  }
0x1ec: {  	_ =	swait.ge [sflag:s31], $0x3200  }
0x1ed: {  	[sflag:s31] =	ssyncset.done $0x0  }
0x1ee: {  	[sflag:s31] =	ssyncadd.s32 $0xFFFFCE00  }
0x1ef: {  	[tilespmem:s24], [sflag:$0x2] =	stream.indirect.gather [hbm4b:s4+s22], $0x80, s11, s22, $0xb8;
	[tilespmem:$0x1F480] =	vst v63  }
0x1f0: {  	_ =	swait.ge [sflag:s0], $0x3200  }
0x1f1: {  	[sflag:s0] =	ssyncset.done $0x0  }
0x1f2: {  	[sflag:s0] =	ssyncadd.s32 $0xFFFFCE00  }
0x1f3: {  	[tilespmem:s25], [sflag:$0x3] =	stream.indirect.gather [hbm4b:s4+s22], $0x80, s12, s22, $0xb8;
	[tilespmem:$0x1F480] =	vst v63  }
0x1f4: {  	_ =	swait.ge [sflag:s26], $0x3200  }
0x1f5: {  	[sflag:s26] =	ssyncset.done $0x0  }
0x1f6: {  	[sflag:s26] =	ssyncadd.s32 $0xFFFFCE00  }
0x1f7: {  	[spmem:s1] =	stream.indirect.scatter.add.f32 [tilespmem:s23], [sflag:$0x4], $0x80, s13, s22, $0xb8;
	[tilespmem:$0x1F480] =	vst v63  }
0x1f8: {  	_ =	swait.ge [sflag:s28], $0x3200  }
0x1f9: {  	[sflag:s28] =	ssyncset.done $0x0  }
0x1fa: {  	[sflag:s28] =	ssyncadd.s32 $0xFFFFCE00  }
0x1fb: {  	[spmem:s1] =	stream.indirect.scatter.add.f32 [tilespmem:s24], [sflag:$0x5], $0x80, s14, s22, $0xb8;
	[tilespmem:$0x1F480] =	vst v63  }
0x1fc: {  	_ =	swait.ge [sflag:s29], $0x3200  }
0x1fd: {  	[sflag:s29] =	ssyncset.done $0x0  }
0x1fe: {  	[sflag:s29] =	ssyncadd.s32 $0xFFFFCE00  }
0x1ff: {  	[spmem:s1] =	stream.indirect.scatter.add.f32 [tilespmem:s25], [sflag:$0x6], $0x80, s15, s22, $0xb8;
	[tilespmem:$0x1F480] =	vst v63  }
0x200: {  	_ =	swait.ge [sflag:s30], $0x3200  }
0x201: {  	[sflag:s30] =	ssyncset.done $0x0  }
0x202: {  	[sflag:s30] =	ssyncadd.s32 $0xFFFFCE00  }
0x203: {  	[tilespmem:s23], [sflag:$0x1] =	stream.indirect.gather [hbm4b:s4+s22], $0x80, s5, s22, $0xb8;
	[tilespmem:$0x1F480] =	vst v63  }
0x204: {  	_ =	swait.ge [sflag:s31], $0x3200  }
0x205: {  	[sflag:s31] =	ssyncset.done $0x0  }
0x206: {  	[sflag:s31] =	ssyncadd.s32 $0xFFFFCE00  }
0x207: {  	_ =	swait.ge [sflag:s0], $0x3200  }
0x208: {  	[sflag:s0] =	ssyncset.done $0x0  }
0x209: {  	[sflag:s0] =	ssyncadd.s32 $0xFFFFCE00  }
0x20a: {  	p5 =	sne.s32 s18, $0x600;
	_ =	swait.ge [sflag:s26], $0x3200  }
.Ltmp0:
0x20b: {  	[sflag:s26] =	ssyncset.done $0x0;
	(pc) =	sbr.rel @p5 .LBB2_2-.Ltmp0, $4  }
0x20c: {  	[sflag:s26] =	ssyncadd.s32 $0xFFFFCE00  }
0x20d: {  	[spmem:s1] =	stream.indirect.scatter.add.f32 [tilespmem:s23], [sflag:$0x4], $0x80, s16, s22, $0xb8;
	[tilespmem:$0x1F480] =	vst v63  }
0x20e: {  	_ =	swait.ge [sflag:s30], $0x3200  }
0x20f: {  	s18 =	sadd.s32 $0x200, s18;
	s19 =	rddreg [dreg:$0x5];
	[sflag:s30] =	ssyncset.done $0x0  }
0x210: {  	[sflag:s30] =	ssyncadd.s32 $0xFFFFCE00;
	s17 =	sadd.s32 s8, s19  }
0x211: {  	[tilespmem:s3], [sflag:$0x7] =	stream.linear.gather [hbm4b:s17+s3], $0xC80, $0x38;
	[tilespmem:$0x1F480] =	vst v63  }
0x212: {  	_ =	swait.ge [sflag:s20], $0xC80  }
0x213: {  	s18 =	rddreg [dreg:$0x4];
	[sflag:s20] =	ssyncset.done $0x0  }
0x214: {  	[sflag:s20] =	ssyncadd.s32 $0xFFFFF380;
	s19 =	sadd.s32 s8, s18  }
0x215: {  	[tilespmem:s21], [sflag:$0x7] =	stream.linear.gather [hbm4b:s19+s3], $0xC80, $0x38;
	[tilespmem:$0x1F480] =	vst v63  }
0x216: {  	_ =	swait.ge [sflag:s20], $0xC80  }
0x217: {  	[sflag:s20] =	ssyncset.done $0x0  }
0x218: {  	[sflag:s20] =	ssyncadd.s32 $0xFFFFF380  }
0x219: {  	[tilespmem:s23], [sflag:$0x1] =	stream.indirect.gather [hbm4b:s4+s22], $0x80, s3, s22, $0xb8;
	[tilespmem:$0x1F480] =	vst v63  }
0x21a: {  	s17 =	rddreg [dreg:$0x6]  }
0x21b: {  	[tilespmem:s24], [sflag:$0x2] =	stream.indirect.gather [hbm4b:s4+s22], $0x80, s17, s22, $0xb8;
	[tilespmem:$0x1F480] =	vst v63  }
0x21c: {  	s18 =	rddreg [dreg:$0x7]  }
0x21d: {  	[tilespmem:s25], [sflag:$0x3] =	stream.indirect.gather [hbm4b:s4+s22], $0x80, s18, s22, $0xb8;
	[tilespmem:$0x1F480] =	vst v63  }
0x21e: {  	_ =	swait.ge [sflag:s26], $0x3200  }
0x21f: {  	[sflag:s26] =	ssyncset.done $0x0  }
0x220: {  	[sflag:s26] =	ssyncadd.s32 $0xFFFFCE00  }
0x221: {  	[spmem:s1] =	stream.indirect.scatter.add.f32 [tilespmem:s23], [sflag:$0x4], $0x80, s21, s22, $0xb8;
	[tilespmem:$0x1F480] =	vst v63  }
0x222: {  	_ =	swait.ge [sflag:s28], $0x3200  }
0x223: {  	[sflag:s28] =	ssyncset.done $0x0  }
0x224: {  	s19 =	rddreg [dreg:$0x8];
	[sflag:s28] =	ssyncadd.s32 $0xFFFFCE00  }
0x225: {  	[spmem:s1] =	stream.indirect.scatter.add.f32 [tilespmem:s24], [sflag:$0x5], $0x80, s19, s22, $0xb8;
	[tilespmem:$0x1F480] =	vst v63  }
0x226: {  	_ =	swait.ge [sflag:s29], $0x3200  }
0x227: {  	[sflag:s29] =	ssyncset.done $0x0  }
0x228: {  	s17 =	rddreg [dreg:$0x9];
	[sflag:s29] =	ssyncadd.s32 $0xFFFFCE00  }
0x229: {  	[spmem:s1] =	stream.indirect.scatter.add.f32 [tilespmem:s25], [sflag:$0x6], $0x80, s17, s22, $0xb8;
	[tilespmem:$0x1F480] =	vst v63  }
0x22a: {  	_ =	swait.ge [sflag:s30], $0x3200  }
0x22b: {  	[sflag:s30] =	ssyncset.done $0x0  }
0x22c: {  	s18 =	rddreg [dreg:$0xa];
	[sflag:s30] =	ssyncadd.s32 $0xFFFFCE00  }
0x22d: {  	[tilespmem:s23], [sflag:$0x1] =	stream.indirect.gather [hbm4b:s4+s22], $0x80, s18, s22, $0xb8;
	[tilespmem:$0x1F480] =	vst v63  }
0x22e: {  	_ =	swait.ge [sflag:s31], $0x3200  }
0x22f: {  	[sflag:s31] =	ssyncset.done $0x0  }
0x230: {  	s19 =	rddreg [dreg:$0xb];
	[sflag:s31] =	ssyncadd.s32 $0xFFFFCE00  }
0x231: {  	[tilespmem:s24], [sflag:$0x2] =	stream.indirect.gather [hbm4b:s4+s22], $0x80, s19, s22, $0xb8;
	[tilespmem:$0x1F480] =	vst v63  }
0x232: {  	_ =	swait.ge [sflag:s0], $0x3200  }
0x233: {  	[sflag:s0] =	ssyncset.done $0x0  }
0x234: {  	s17 =	rddreg [dreg:$0xc];
	[sflag:s0] =	ssyncadd.s32 $0xFFFFCE00  }
0x235: {  	[tilespmem:s25], [sflag:$0x3] =	stream.indirect.gather [hbm4b:s4+s22], $0x80, s17, s22, $0xb8;
	[tilespmem:$0x1F480] =	vst v63  }
0x236: {  	_ =	swait.ge [sflag:s26], $0x3200  }
0x237: {  	[sflag:s26] =	ssyncset.done $0x0  }
0x238: {  	s18 =	rddreg [dreg:$0xd];
	[sflag:s26] =	ssyncadd.s32 $0xFFFFCE00  }
0x239: {  	[spmem:s1] =	stream.indirect.scatter.add.f32 [tilespmem:s23], [sflag:$0x4], $0x80, s18, s22, $0xb8;
	[tilespmem:$0x1F480] =	vst v63  }
0x23a: {  	_ =	swait.ge [sflag:s28], $0x3200  }
0x23b: {  	[sflag:s28] =	ssyncset.done $0x0  }
0x23c: {  	s19 =	rddreg [dreg:$0xe];
	[sflag:s28] =	ssyncadd.s32 $0xFFFFCE00  }
0x23d: {  	[spmem:s1] =	stream.indirect.scatter.add.f32 [tilespmem:s24], [sflag:$0x5], $0x80, s19, s22, $0xb8;
	[tilespmem:$0x1F480] =	vst v63  }
0x23e: {  	_ =	swait.ge [sflag:s29], $0x3200  }
0x23f: {  	[sflag:s29] =	ssyncset.done $0x0  }
0x240: {  	s17 =	rddreg [dreg:$0xf];
	[sflag:s29] =	ssyncadd.s32 $0xFFFFCE00  }
0x241: {  	[spmem:s1] =	stream.indirect.scatter.add.f32 [tilespmem:s25], [sflag:$0x6], $0x80, s17, s22, $0xb8;
	[tilespmem:$0x1F480] =	vst v63  }
0x242: {  	_ =	swait.ge [sflag:s30], $0x3200  }
0x243: {  	[sflag:s30] =	ssyncset.done $0x0  }
0x244: {  	s18 =	rddreg [dreg:$0x10];
	[sflag:s30] =	ssyncadd.s32 $0xFFFFCE00  }
0x245: {  	[tilespmem:s23], [sflag:$0x1] =	stream.indirect.gather [hbm4b:s4+s22], $0x80, s18, s22, $0xb8;
	[tilespmem:$0x1F480] =	vst v63  }
0x246: {  	_ =	swait.ge [sflag:s31], $0x3200  }
0x247: {  	[sflag:s31] =	ssyncset.done $0x0  }
0x248: {  	s19 =	rddreg [dreg:$0x11];
	[sflag:s31] =	ssyncadd.s32 $0xFFFFCE00  }
0x249: {  	[tilespmem:s24], [sflag:$0x2] =	stream.indirect.gather [hbm4b:s4+s22], $0x80, s19, s22, $0xb8;
	[tilespmem:$0x1F480] =	vst v63  }
0x24a: {  	_ =	swait.ge [sflag:s0], $0x3200  }
0x24b: {  	[sflag:s0] =	ssyncset.done $0x0  }
0x24c: {  	s17 =	rddreg [dreg:$0x12];
	[sflag:s0] =	ssyncadd.s32 $0xFFFFCE00  }
0x24d: {  	[tilespmem:s25], [sflag:$0x3] =	stream.indirect.gather [hbm4b:s4+s22], $0x80, s17, s22, $0xb8;
	[tilespmem:$0x1F480] =	vst v63  }
0x24e: {  	_ =	swait.ge [sflag:s26], $0x3200  }
0x24f: {  	[sflag:s26] =	ssyncset.done $0x0  }
0x250: {  	s18 =	rddreg [dreg:$0x13];
	[sflag:s26] =	ssyncadd.s32 $0xFFFFCE00  }
0x251: {  	[spmem:s1] =	stream.indirect.scatter.add.f32 [tilespmem:s23], [sflag:$0x4], $0x80, s18, s22, $0xb8;
	[tilespmem:$0x1F480] =	vst v63  }
0x252: {  	_ =	swait.ge [sflag:s28], $0x3200  }
0x253: {  	[sflag:s28] =	ssyncset.done $0x0  }
0x254: {  	s19 =	rddreg [dreg:$0x14];
	[sflag:s28] =	ssyncadd.s32 $0xFFFFCE00  }
0x255: {  	[spmem:s1] =	stream.indirect.scatter.add.f32 [tilespmem:s24], [sflag:$0x5], $0x80, s19, s22, $0xb8;
	[tilespmem:$0x1F480] =	vst v63  }
0x256: {  	_ =	swait.ge [sflag:s29], $0x3200  }
0x257: {  	[sflag:s29] =	ssyncset.done $0x0  }
0x258: {  	s17 =	rddreg [dreg:$0x15];
	[sflag:s29] =	ssyncadd.s32 $0xFFFFCE00  }
0x259: {  	[spmem:s1] =	stream.indirect.scatter.add.f32 [tilespmem:s25], [sflag:$0x6], $0x80, s17, s22, $0xb8;
	[tilespmem:$0x1F480] =	vst v63  }
0x25a: {  	_ =	swait.ge [sflag:s30], $0x3200  }
0x25b: {  	[sflag:s30] =	ssyncset.done $0x0  }
0x25c: {  	s18 =	rddreg [dreg:$0x16];
	[sflag:s30] =	ssyncadd.s32 $0xFFFFCE00  }
0x25d: {  	[tilespmem:s23], [sflag:$0x1] =	stream.indirect.gather [hbm4b:s4+s22], $0x80, s18, s22, $0xb8;
	[tilespmem:$0x1F480] =	vst v63  }
0x25e: {  	_ =	swait.ge [sflag:s31], $0x3200  }
0x25f: {  	[sflag:s31] =	ssyncset.done $0x0  }
0x260: {  	s19 =	rddreg [dreg:$0x17];
	[sflag:s31] =	ssyncadd.s32 $0xFFFFCE00  }
0x261: {  	[tilespmem:s24], [sflag:$0x2] =	stream.indirect.gather [hbm4b:s4+s22], $0x80, s19, s22, $0xb8;
	[tilespmem:$0x1F480] =	vst v63  }
0x262: {  	_ =	swait.ge [sflag:s0], $0x3200  }
0x263: {  	[sflag:s0] =	ssyncset.done $0x0  }
0x264: {  	s17 =	rddreg [dreg:$0x18];
	[sflag:s0] =	ssyncadd.s32 $0xFFFFCE00  }
0x265: {  	[tilespmem:s25], [sflag:$0x3] =	stream.indirect.gather [hbm4b:s4+s22], $0x80, s17, s22, $0xb8;
	[tilespmem:$0x1F480] =	vst v63  }
0x266: {  	_ =	swait.ge [sflag:s26], $0x3200  }
0x267: {  	[sflag:s26] =	ssyncset.done $0x0  }
0x268: {  	s18 =	rddreg [dreg:$0x19];
	[sflag:s26] =	ssyncadd.s32 $0xFFFFCE00  }
0x269: {  	[spmem:s1] =	stream.indirect.scatter.add.f32 [tilespmem:s23], [sflag:$0x4], $0x80, s18, s22, $0xb8;
	[tilespmem:$0x1F480] =	vst v63  }
0x26a: {  	_ =	swait.ge [sflag:s28], $0x3200  }
0x26b: {  	[sflag:s28] =	ssyncset.done $0x0  }
0x26c: {  	s19 =	rddreg [dreg:$0x1a];
	[sflag:s28] =	ssyncadd.s32 $0xFFFFCE00  }
0x26d: {  	[spmem:s1] =	stream.indirect.scatter.add.f32 [tilespmem:s24], [sflag:$0x5], $0x80, s19, s22, $0xb8;
	[tilespmem:$0x1F480] =	vst v63  }
0x26e: {  	_ =	swait.ge [sflag:s29], $0x3200  }
0x26f: {  	[sflag:s29] =	ssyncset.done $0x0  }
0x270: {  	s17 =	rddreg [dreg:$0x1b];
	[sflag:s29] =	ssyncadd.s32 $0xFFFFCE00  }
0x271: {  	[spmem:s1] =	stream.indirect.scatter.add.f32 [tilespmem:s25], [sflag:$0x6], $0x80, s17, s22, $0xb8;
	[tilespmem:$0x1F480] =	vst v63  }
0x272: {  	_ =	swait.ge [sflag:s30], $0x3200  }
0x273: {  	[sflag:s30] =	ssyncset.done $0x0  }
0x274: {  	s18 =	rddreg [dreg:$0x1c];
	[sflag:s30] =	ssyncadd.s32 $0xFFFFCE00  }
0x275: {  	[tilespmem:s23], [sflag:$0x1] =	stream.indirect.gather [hbm4b:s4+s22], $0x80, s18, s22, $0xb8;
	[tilespmem:$0x1F480] =	vst v63  }
0x276: {  	_ =	swait.ge [sflag:s31], $0x3200  }
0x277: {  	[sflag:s31] =	ssyncset.done $0x0  }
0x278: {  	s19 =	rddreg [dreg:$0x1d];
	[sflag:s31] =	ssyncadd.s32 $0xFFFFCE00  }
0x279: {  	[tilespmem:s24], [sflag:$0x2] =	stream.indirect.gather [hbm4b:s4+s22], $0x80, s19, s22, $0xb8;
	[tilespmem:$0x1F480] =	vst v63  }
0x27a: {  	_ =	swait.ge [sflag:s0], $0x3200  }
0x27b: {  	[sflag:s0] =	ssyncset.done $0x0  }
0x27c: {  	s17 =	rddreg [dreg:$0x1e];
	[sflag:s0] =	ssyncadd.s32 $0xFFFFCE00  }
0x27d: {  	[tilespmem:s25], [sflag:$0x3] =	stream.indirect.gather [hbm4b:s4+s22], $0x80, s17, s22, $0xb8;
	[tilespmem:$0x1F480] =	vst v63  }
0x27e: {  	_ =	swait.ge [sflag:s26], $0x3200  }
0x27f: {  	[sflag:s26] =	ssyncset.done $0x0  }
0x280: {  	s18 =	rddreg [dreg:$0x1f];
	[sflag:s26] =	ssyncadd.s32 $0xFFFFCE00  }
0x281: {  	[spmem:s1] =	stream.indirect.scatter.add.f32 [tilespmem:s23], [sflag:$0x4], $0x80, s18, s22, $0xb8;
	[tilespmem:$0x1F480] =	vst v63  }
0x282: {  	_ =	swait.ge [sflag:s28], $0x3200  }
0x283: {  	s19 =	sld [smem:$0x7F1]  }
0x284: {  	[sflag:s28] =	ssyncset.done $0x0  }
0x285: {  	[sflag:s28] =	ssyncadd.s32 $0xFFFFCE00  }
0x286: {  	[spmem:s1] =	stream.indirect.scatter.add.f32 [tilespmem:s24], [sflag:$0x5], $0x80, s19, s22, $0xb8;
	[tilespmem:$0x1F480] =	vst v63  }
0x287: {  	_ =	swait.ge [sflag:s29], $0x3200  }
0x288: {  	s17 =	sld [smem:$0x7F2]  }
0x289: {  	[sflag:s29] =	ssyncset.done $0x0  }
0x28a: {  	[sflag:s29] =	ssyncadd.s32 $0xFFFFCE00  }
0x28b: {  	[spmem:s1] =	stream.indirect.scatter.add.f32 [tilespmem:s25], [sflag:$0x6], $0x80, s17, s22, $0xb8;
	[tilespmem:$0x1F480] =	vst v63  }
0x28c: {  	_ =	swait.ge [sflag:s30], $0x3200  }
0x28d: {  	s18 =	sld [smem:$0x7F4]  }
0x28e: {  	[sflag:s30] =	ssyncset.done $0x0  }
0x28f: {  	[sflag:s30] =	ssyncadd.s32 $0xFFFFCE00  }
0x290: {  	[tilespmem:s23], [sflag:$0x1] =	stream.indirect.gather [hbm4b:s4+s22], $0x80, s18, s22, $0xb8;
	[tilespmem:$0x1F480] =	vst v63  }
0x291: {  	_ =	swait.ge [sflag:s31], $0x3200  }
0x292: {  	s19 =	sld [smem:$0x7F7]  }
0x293: {  	[sflag:s31] =	ssyncset.done $0x0  }
0x294: {  	[sflag:s31] =	ssyncadd.s32 $0xFFFFCE00  }
0x295: {  	[tilespmem:s24], [sflag:$0x2] =	stream.indirect.gather [hbm4b:s4+s22], $0x80, s19, s22, $0xb8;
	[tilespmem:$0x1F480] =	vst v63  }
0x296: {  	_ =	swait.ge [sflag:s0], $0x3200  }
0x297: {  	s17 =	sld [smem:$0x7F8]  }
0x298: {  	[sflag:s0] =	ssyncset.done $0x0  }
0x299: {  	[sflag:s0] =	ssyncadd.s32 $0xFFFFCE00  }
0x29a: {  	[tilespmem:s25], [sflag:$0x3] =	stream.indirect.gather [hbm4b:s4+s22], $0x80, s17, s22, $0xb8;
	[tilespmem:$0x1F480] =	vst v63  }
0x29b: {  	_ =	swait.ge [sflag:s26], $0x3200  }
0x29c: {  	s18 =	sld [smem:$0x7F9]  }
0x29d: {  	[sflag:s26] =	ssyncset.done $0x0  }
0x29e: {  	[sflag:s26] =	ssyncadd.s32 $0xFFFFCE00  }
0x29f: {  	[spmem:s1] =	stream.indirect.scatter.add.f32 [tilespmem:s23], [sflag:$0x4], $0x80, s18, s22, $0xb8;
	[tilespmem:$0x1F480] =	vst v63  }
0x2a0: {  	_ =	swait.ge [sflag:s28], $0x3200  }
0x2a1: {  	s19 =	sld [smem:$0x7FA]  }
0x2a2: {  	[sflag:s28] =	ssyncset.done $0x0  }
0x2a3: {  	[sflag:s28] =	ssyncadd.s32 $0xFFFFCE00  }
0x2a4: {  	[spmem:s1] =	stream.indirect.scatter.add.f32 [tilespmem:s24], [sflag:$0x5], $0x80, s19, s22, $0xb8;
	[tilespmem:$0x1F480] =	vst v63  }
0x2a5: {  	_ =	swait.ge [sflag:s29], $0x3200  }
0x2a6: {  	s17 =	sld [smem:$0x7FB]  }
0x2a7: {  	[sflag:s29] =	ssyncset.done $0x0  }
0x2a8: {  	[sflag:s29] =	ssyncadd.s32 $0xFFFFCE00  }
0x2a9: {  	[spmem:s1] =	stream.indirect.scatter.add.f32 [tilespmem:s25], [sflag:$0x6], $0x80, s17, s22, $0xb8;
	[tilespmem:$0x1F480] =	vst v63  }
0x2aa: {  	_ =	swait.ge [sflag:s30], $0x3200  }
0x2ab: {  	s18 =	sld [smem:$0x7FC]  }
0x2ac: {  	[sflag:s30] =	ssyncset.done $0x0  }
0x2ad: {  	[sflag:s30] =	ssyncadd.s32 $0xFFFFCE00  }
0x2ae: {  	[tilespmem:s23], [sflag:$0x1] =	stream.indirect.gather [hbm4b:s4+s22], $0x80, s18, s22, $0xb8;
	[tilespmem:$0x1F480] =	vst v63  }
0x2af: {  	_ =	swait.ge [sflag:s31], $0x3200  }
0x2b0: {  	s19 =	sld [smem:$0x7FD]  }
0x2b1: {  	[sflag:s31] =	ssyncset.done $0x0  }
0x2b2: {  	[sflag:s31] =	ssyncadd.s32 $0xFFFFCE00  }
0x2b3: {  	[tilespmem:s24], [sflag:$0x2] =	stream.indirect.gather [hbm4b:s4+s22], $0x80, s19, s22, $0xb8;
	[tilespmem:$0x1F480] =	vst v63  }
0x2b4: {  	_ =	swait.ge [sflag:s0], $0x3200  }
0x2b5: {  	[sflag:s0] =	ssyncset.done $0x0  }
0x2b6: {  	[sflag:s0] =	ssyncadd.s32 $0xFFFFCE00  }
0x2b7: {  	[tilespmem:s25], [sflag:$0x3] =	stream.indirect.gather [hbm4b:s4+s22], $0x80, s2, s22, $0xb8;
	[tilespmem:$0x1F480] =	vst v63  }
0x2b8: {  	_ =	swait.ge [sflag:s26], $0x3200  }
0x2b9: {  	[sflag:s26] =	ssyncset.done $0x0  }
0x2ba: {  	[sflag:s26] =	ssyncadd.s32 $0xFFFFCE00  }
0x2bb: {  	[spmem:s1] =	stream.indirect.scatter.add.f32 [tilespmem:s23], [sflag:$0x4], $0x80, s6, s22, $0xb8;
	[tilespmem:$0x1F480] =	vst v63  }
0x2bc: {  	_ =	swait.ge [sflag:s28], $0x3200  }
0x2bd: {  	[sflag:s28] =	ssyncset.done $0x0  }
0x2be: {  	[sflag:s28] =	ssyncadd.s32 $0xFFFFCE00  }
0x2bf: {  	[spmem:s1] =	stream.indirect.scatter.add.f32 [tilespmem:s24], [sflag:$0x5], $0x80, s7, s22, $0xb8;
	[tilespmem:$0x1F480] =	vst v63  }
0x2c0: {  	_ =	swait.ge [sflag:s29], $0x3200  }
0x2c1: {  	[sflag:s29] =	ssyncset.done $0x0  }
0x2c2: {  	[sflag:s29] =	ssyncadd.s32 $0xFFFFCE00  }
0x2c3: {  	[spmem:s1] =	stream.indirect.scatter.add.f32 [tilespmem:s25], [sflag:$0x6], $0x80, s9, s22, $0xb8;
	[tilespmem:$0x1F480] =	vst v63  }
0x2c4: {  	_ =	swait.ge [sflag:s30], $0x3200  }
0x2c5: {  	[sflag:s30] =	ssyncset.done $0x0  }
0x2c6: {  	[sflag:s30] =	ssyncadd.s32 $0xFFFFCE00  }
0x2c7: {  	[tilespmem:s23], [sflag:$0x1] =	stream.indirect.gather [hbm4b:s4+s22], $0x80, s10, s22, $0xb8;
	[tilespmem:$0x1F480] =	vst v63  }
0x2c8: {  	_ =	swait.ge [sflag:s31], $0x3200  }
0x2c9: {  	[sflag:s31] =	ssyncset.done $0x0  }
0x2ca: {  	[sflag:s31] =	ssyncadd.s32 $0xFFFFCE00  }
0x2cb: {  	[tilespmem:s24], [sflag:$0x2] =	stream.indirect.gather [hbm4b:s4+s22], $0x80, s11, s22, $0xb8;
	[tilespmem:$0x1F480] =	vst v63  }
0x2cc: {  	_ =	swait.ge [sflag:s0], $0x3200  }
0x2cd: {  	[sflag:s0] =	ssyncset.done $0x0  }
0x2ce: {  	[sflag:s0] =	ssyncadd.s32 $0xFFFFCE00  }
0x2cf: {  	[tilespmem:s25], [sflag:$0x3] =	stream.indirect.gather [hbm4b:s4+s22], $0x80, s12, s22, $0xb8;
	[tilespmem:$0x1F480] =	vst v63  }
0x2d0: {  	_ =	swait.ge [sflag:s26], $0x3200  }
0x2d1: {  	[sflag:s26] =	ssyncset.done $0x0  }
0x2d2: {  	[sflag:s26] =	ssyncadd.s32 $0xFFFFCE00  }
0x2d3: {  	[spmem:s1] =	stream.indirect.scatter.add.f32 [tilespmem:s23], [sflag:$0x4], $0x80, s13, s22, $0xb8;
	[tilespmem:$0x1F480] =	vst v63  }
0x2d4: {  	_ =	swait.ge [sflag:s28], $0x3200  }
0x2d5: {  	[sflag:s28] =	ssyncset.done $0x0  }
0x2d6: {  	[sflag:s28] =	ssyncadd.s32 $0xFFFFCE00  }
0x2d7: {  	[spmem:s1] =	stream.indirect.scatter.add.f32 [tilespmem:s24], [sflag:$0x5], $0x80, s14, s22, $0xb8;
	[tilespmem:$0x1F480] =	vst v63  }
0x2d8: {  	_ =	swait.ge [sflag:s29], $0x3200  }
0x2d9: {  	[sflag:s29] =	ssyncset.done $0x0  }
0x2da: {  	[sflag:s29] =	ssyncadd.s32 $0xFFFFCE00  }
0x2db: {  	[spmem:s1] =	stream.indirect.scatter.add.f32 [tilespmem:s25], [sflag:$0x6], $0x80, s15, s22, $0xb8;
	[tilespmem:$0x1F480] =	vst v63  }
0x2dc: {  	_ =	swait.ge [sflag:s30], $0x3200  }
0x2dd: {  	[sflag:s30] =	ssyncset.done $0x0  }
0x2de: {  	[sflag:s30] =	ssyncadd.s32 $0xFFFFCE00  }
0x2df: {  	[tilespmem:s23], [sflag:$0x1] =	stream.indirect.gather [hbm4b:s4+s22], $0x80, s5, s22, $0xb8;
	[tilespmem:$0x1F480] =	vst v63  }
0x2e0: {  	_ =	swait.ge [sflag:s31], $0x3200  }
0x2e1: {  	[sflag:s31] =	ssyncset.done $0x0  }
0x2e2: {  	[sflag:s31] =	ssyncadd.s32 $0xFFFFCE00  }
0x2e3: {  	_ =	swait.ge [sflag:s0], $0x3200  }
0x2e4: {  	[sflag:s0] =	ssyncset.done $0x0  }
0x2e5: {  	[sflag:s0] =	ssyncadd.s32 $0xFFFFCE00  }
0x2e6: {  	_ =	swait.ge [sflag:s26], $0x3200  }
0x2e7: {  	[sflag:s26] =	ssyncset.done $0x0  }
0x2e8: {  	[sflag:s26] =	ssyncadd.s32 $0xFFFFCE00  }
0x2e9: {  	[spmem:s1] =	stream.indirect.scatter.add.f32 [tilespmem:s23], [sflag:$0x4], $0x80, s16, s22, $0xb8;
	[tilespmem:$0x1F480] =	vst v63  }
0x2ea: {  	_ =	swait.ge [sflag:s30], $0x3200  }
0x2eb: {  	[sflag:s30] =	ssyncset.done $0x0  }
0x2ec: {  	[sflag:s30] =	ssyncadd.s32 $0xFFFFCE00  }
0x2ed: {  	[bflag:$0x0] =	sbarrier.arrive $0xFFFF  }
0x2ee: {  	s8 =	sld [smem:$0x7ED]  }
0x2ef: {  	s18 =	sld [smem:$0x7EA];
	_ =	sdelay $0x1  }
0x2f0: {  	s17 =	simm.s32 @p0 $0x1FC7;
	s8 =	sshrl.u32 @p0 s8, $0x3  }
0x2f1: {  	[hbm:s18], [sflag:s17] =	dma.local @p0 [spmem:s8], $0x2800  }
0x2f2: {  	s8 =	simm.s32 @p0 $0x7  }
0x2f3: {  	s17 =	stileid.u32;
	_ =	swait.ge @p0 [sflag:s8], $0x2800  }
0x2f4: {  	s17 =	sshll.u32 @!p0 s17, $0x6;
	[sflag:s8] =	ssyncset.done @p0 $0x0  }
0x2f5: {  	[sflag:s8] =	ssyncadd.s32 @p0 $0xFFFFD800;
	s8 =	sor.u32 @!p0 $0x1C07, s17;
	s17 =	sld [smem:$0x7F5]  }
0x2f6: {  	s18 =	sld [smem:$0x7E9];
	_ =	sdelay $0x1  }
0x2f7: {  	s17 =	sshrl.u32 @!p0 s17, $0x3  }
0x2f8: {  	[hbm:s18], [sflag:s8] =	dma.local @!p0 [spmem:s17], $0x2700  }
0x2f9: {  	s8 =	simm.s32 @!p0 $0x7  }
0x2fa: {  	_ =	swait.ge @!p0 [sflag:s8], $0x2700  }
0x2fb: {  	s17 =	sld [smem:$0x7E4]  }
0x2fc: {  	s19 =	sld [smem:$0x7EB];
	_ =	sdelay $0x1  }
0x2fd: {  	s18 =	sadd.s32 $0x1, s17  }
0x2fe: {  	p5 =	sne.s32 s18, s19  }
.Ltmp1:
0x2ff: {  	_ = 	snop;
	(pc) =	sbr.rel @p5 .LBB2_1-.Ltmp1, $3  }
0x300: {  	_ =	sdelay $0x1  }
0x301: {  	[sflag:s8] =	ssyncset.done @!p0 $0x0  }
0x302: {  	[sflag:s8] =	ssyncadd.s32 @!p0 $0xFFFFD900  }
0x303: {  	_ =	sfence.sel $0x180000  }
0x304: {  	[bflag:$0x0] =	sbarrier.arrive $0xFFFF  }
0x305: {  	_ =	strace $0x9000004A  }
0x306: {  	s0 =	stileid.u32;
	[bflag:$0x2] =	sbarrier.arrive $0xFFFF  }
0x307: {  	p0 =	sne.s32 s0, $0x0;
	s0 =	rddreg [dreg:$0x3]  }
0x308: {  	s0 =	sadd.s32 @!p0 $0x100000, s0  }
0x309: {  	[sflag:s0] =	ssyncadd.tile.s32 @!p0 $0x1;
	_ =	shalt  }
.Lfunc_end2:
_tile_overlayer_lowered:
.L_overlay_start_2:
0x30a: {  	(tag) =	ssettag $0x2  }
0x30b: {  	s0 =	rddreg [dreg:$0x0];
	s2 =	stileid.u32  }
0x30c: {  	s1 =	rddreg [dreg:$0x1];
	p0 =	sne.s32 s2, $0x0  }
0x30d: {  	s3 =	rddreg [dreg:$0x2];
	[bflag:$0x3] =	sbarrier.arrive $0xFFFF;
	s2 =	simm.s32 @!p0 $0x1C07  }
0x30e: {  	[timem:s3], [sflag:s2] =	dma.local @!p0 [hbm:s0], s1  }
0x30f: {  	s0 =	simm.s32 @!p0 $0x7  }
0x310: {  	_ =	swait.ge @!p0 [sflag:s0], s1  }
0x311: {  	s1 =	ssub.s32 @!p0 $0x0, s1;
	[sflag:s0] =	ssyncset.done @!p0 $0x0  }
0x312: {  	[sflag:s0] =	ssyncadd.s32 @!p0 s1  }
0x313: {  	[bflag:$0x3] =	sbarrier.arrive $0xFFFF  }
0x314: {  	_ =	shalt  }

</sc_bundles>
